<compile_context>
chip_gen: v7x
topology: tpu7x:2x2x1
jax: 0.10.2.dev20260603
libtpu: 0.0.44.dev20260713+nightly
codegen_flags: <defaults>
</compile_context>

<pallas_src>
import functools

import jax
import jax.numpy as jnp
from jax import lax
from jax.experimental import pallas as pl
from jax.experimental.pallas import tpu as pltpu
from jax.experimental.pallas import tpu_sc as plsc

_INPUT_DIM = 2048
_D = 128
_BATCH = 4096
_SEQ = 50

_NC = 2
_NS = 16
_NW = _NC * _NS
_BPW = _BATCH // _NW
_NCHUNKS = _SEQ
_NBUF = 5
_NOUTER = _NCHUNKS // _NBUF - 1
_LANES = 16


def _sc_body(idx_hbm, table_hbm, out_hbm, idx_v, bufs, table_sh, gsem, osem):
    sid = lax.axis_index("s")
    wid = sid * _NC + lax.axis_index("c")
    base = wid * _BPW

    rows = (_INPUT_DIM * 2 + 1) // _NS
    tcp = pltpu.make_async_copy(table_hbm.at[pl.ds(sid * rows, rows)],
                                table_sh.at[pl.ds(sid * rows, rows)],
                                gsem.at[0])
    tcp.start()
    icp = pltpu.make_async_copy(idx_hbm.at[:, pl.ds(base, _BPW)], idx_v,
                                gsem.at[1])
    icp.start()

    @pl.when(sid == 0)
    def _():
        pltpu.sync_copy(table_hbm.at[pl.ds(_NS * rows, 1)],
                        table_sh.at[pl.ds(_NS * rows, 1)])

    tcp.wait()
    icp.wait()
    plsc.subcore_barrier()

    def transform(r):
        for k in range(_BPW // _LANES):
            v = idx_v[r, pl.ds(k * _LANES, _LANES)]
            v = jnp.minimum(jnp.maximum(v, -_INPUT_DIM), _INPUT_DIM) + _INPUT_DIM
            idx_v[r, pl.ds(k * _LANES, _LANES)] = v

    def gather(c, b):
        return pltpu.make_async_copy(table_sh.at[idx_v.at[c]], bufs.at[b],
                                     gsem.at[b])

    def out_copy(c, b):
        return pltpu.make_async_copy(bufs.at[b],
                                     out_hbm.at[c, pl.ds(base, _BPW)],
                                     osem.at[b])

    for b in range(_NBUF):
        transform(b)
        gather(b, b).start()

    def outer(o, carry):
        c0 = o * _NBUF
        for b in range(_NBUF):
            gather(c0 + b, b).wait()
            out_copy(c0 + b, b).start()
        for b in range(_NBUF):
            transform(c0 + b + _NBUF)
            out_copy(c0 + b, b).wait()
            gather(c0 + b + _NBUF, b).start()
        return carry

    lax.fori_loop(0, _NOUTER, outer, None)

    c0 = _NOUTER * _NBUF
    for b in range(_NBUF):
        gather(c0 + b, b).wait()
        out_copy(c0 + b, b).start()
    for b in range(_NBUF):
        out_copy(c0 + b, b).wait()


@functools.partial(
    pl.kernel,
    out_type=jax.ShapeDtypeStruct((_SEQ, _BATCH, _D), jnp.float32),
    mesh=plsc.VectorSubcoreMesh(core_axis_name="c", subcore_axis_name="s",
                                num_cores=_NC, num_subcores=_NS),
    scratch_types=[
        pltpu.VMEM((_SEQ, _BPW), jnp.int32),
        pltpu.VMEM((_NBUF, _BPW, _D), jnp.float32),
        pltpu.VMEM_SHARED((_INPUT_DIM * 2 + 1, _D), jnp.float32),
        pltpu.SemaphoreType.DMA((_NBUF,)),
        pltpu.SemaphoreType.DMA((_NBUF,)),
    ],
)
def _position_embedding_gather(idx_hbm, table_hbm, out_hbm, idx_v, bufs,
                               table_sh, gsem, osem):
    _sc_body(idx_hbm, table_hbm, out_hbm, idx_v, bufs, table_sh, gsem, osem)


def kernel(inputs, embeddings):
    idx = inputs.astype(jnp.int32).T
    out = _position_embedding_gather(idx, embeddings)
    return jnp.transpose(out, (1, 0, 2))

# --- scband reference (transcript-rebuilt; emitter-appended) ---
"""Pipeline reference for scband-position-embedding-16819091931339 (READ-ONLY COPY).

The authoritative reference and input builder live on the scoring server;
editing this copy changes nothing except your own understanding.
"""

import jax, jax.numpy as jnp
import numpy as np

INPUT_DIM = 2048
OUTPUT_DIM = 128
BATCH = 4096
SEQ = 50

def setup_inputs(seed: int = 0) -> dict:
    key = jax.random.key(seed)
    k1, k2 = jax.random.split(key)
    inputs = jax.random.randint(k1, (BATCH, SEQ), 0, INPUT_DIM, dtype=jnp.int32)
    embeddings = jax.random.normal(k2, (INPUT_DIM * 2 + 1, OUTPUT_DIM), dtype=jnp.float32)
    return {"inputs": inputs, "embeddings": embeddings}

def reference(inputs, embeddings):
    # Faithful translation of PositionEmbedding.call:
    # cast to int32, clamp positions to [-input_dim, input_dim], shift by input_dim, gather
    idx = inputs.astype(jnp.int32)
    idx = jnp.minimum(jnp.maximum(idx, -INPUT_DIM), INPUT_DIM) + INPUT_DIM
    out = jnp.take(embeddings, idx, axis=0)
    return out

if __name__ == "__main__":
    import jax
    _d = setup_inputs()
    print(jax.jit(kernel)(*tuple(_d.values())))

</pallas_src>

<mosaic_0001>
#map = affine_map<(d0, d1) -> (0, 0)>
#map1 = affine_map<(d0, d1) -> (0, 0, 0)>
module attributes {stable_mosaic.version = 14 : i64} {
  func.func @_position_embedding_gather(%arg0: i32, %arg1: i32, %arg2: memref<50x4096xi32, #tpu.memory_space<hbm>>, %arg3: memref<4097x128xf32, #tpu.memory_space<hbm>>, %arg4: memref<50x4096x128xf32, #tpu.memory_space<hbm>>, %arg5: memref<50x128xi32, #tpu.memory_space<vmem>>, %arg6: memref<5x128x128xf32, #tpu.memory_space<vmem>>, %arg7: memref<4097x128xf32, #tpu.memory_space<vmem_shared>>, %arg8: memref<5x!tpu.dma_semaphore, #tpu.memory_space<semaphore_mem>>, %arg9: memref<5x!tpu.dma_semaphore, #tpu.memory_space<semaphore_mem>>) attributes {dimension_semantics = [#tpu.dimension_semantics<core_parallel>, #tpu.dimension_semantics<subcore_parallel>], iteration_bounds = array<i64: 2, 16>, scalar_prefetch = 0 : i64, scratch_operands = 5 : i64, tpu.core_type = #tpu.core_type<sc_vector_subcore>, window_params = [{transform_indices = #map}, {transform_indices = #map}, {transform_indices = #map1}]} {
    %mul3A = arith.constant 2 : i32
    %mul3A_0 = arith.muli %arg1, %mul3A : i32
    %add3A = arith.addi %mul3A_0, %arg0 : i32
    %mul3A_1 = arith.constant 128 : i32
    %mul3A_2 = arith.muli %add3A, %mul3A_1 : i32
    %mul3A_3 = arith.constant 256 : i32
    %mul3A_4 = arith.muli %arg1, %mul3A_3 : i32
    %mul3A_5 = arith.constant 256 : i32
    %mul3A_6 = arith.muli %arg1, %mul3A_5 : i32
    %dma_start3A = arith.constant 0 : i32
    %dma_start3A_7 = tpu.memref_slice %arg8[%dma_start3A] : memref<5x!tpu.dma_semaphore, #tpu.memory_space<semaphore_mem>> -> memref<1x!tpu.dma_semaphore, #tpu.memory_space<semaphore_mem>>
    %dma_start3A_8 = tpu.memref_squeeze %dma_start3A_7 : memref<1x!tpu.dma_semaphore, #tpu.memory_space<semaphore_mem>> -> memref<!tpu.dma_semaphore, #tpu.memory_space<semaphore_mem>>
    %dma_start3A_9 = arith.constant 0 : i32
    %dma_start3A_10 = tpu.memref_slice %arg7[%mul3A_6, %dma_start3A_9] : memref<4097x128xf32, #tpu.memory_space<vmem_shared>> -> memref<256x128xf32, #tpu.memory_space<vmem_shared>>
    %dma_start3A_11 = arith.constant 0 : i32
    %dma_start3A_12 = tpu.memref_slice %arg3[%mul3A_4, %dma_start3A_11] : memref<4097x128xf32, #tpu.memory_space<hbm>> -> memref<256x128xf32, #tpu.memory_space<hbm>>
    tpu.enqueue_dma source(%dma_start3A_12 : memref<256x128xf32, #tpu.memory_space<hbm>>) target(%dma_start3A_10 : memref<256x128xf32, #tpu.memory_space<vmem_shared>>) target_semaphore(%dma_start3A_8 : memref<!tpu.dma_semaphore, #tpu.memory_space<semaphore_mem>>)
    %dma_start3A_13 = arith.constant 1 : i32
    %dma_start3A_14 = arith.constant 0 : i32
    %dma_start3A_15 = tpu.memref_slice %arg2[%dma_start3A_14, %mul3A_2] : memref<50x4096xi32, #tpu.memory_space<hbm>> -> memref<50x128xi32, #tpu.memory_space<hbm>>
    %dma_start3A_16 = tpu.memref_slice %arg8[%dma_start3A_13] : memref<5x!tpu.dma_semaphore, #tpu.memory_space<semaphore_mem>> -> memref<1x!tpu.dma_semaphore, #tpu.memory_space<semaphore_mem>>
    %dma_start3A_17 = tpu.memref_squeeze %dma_start3A_16 : memref<1x!tpu.dma_semaphore, #tpu.memory_space<semaphore_mem>> -> memref<!tpu.dma_semaphore, #tpu.memory_space<semaphore_mem>>
    %dma_start3A_18 = arith.constant 0 : i32
    %dma_start3A_19 = tpu.memref_slice %arg2[%dma_start3A_18, %mul3A_2] : memref<50x4096xi32, #tpu.memory_space<hbm>> -> memref<50x128xi32, #tpu.memory_space<hbm>>
    tpu.enqueue_dma source(%dma_start3A_19 : memref<50x128xi32, #tpu.memory_space<hbm>>) target(%arg5 : memref<50x128xi32, #tpu.memory_space<vmem>>) target_semaphore(%dma_start3A_17 : memref<!tpu.dma_semaphore, #tpu.memory_space<semaphore_mem>>)
    %eq3A = arith.constant 0 : i32
    %eq3A_20 = arith.cmpi eq, %arg1, %eq3A : i32
    %convert_element_type3A = arith.extui %eq3A_20 : i1 to i32
    %cond3A = arith.constant 0 : i32
    %cond3A_21 = arith.cmpi ne, %convert_element_type3A, %cond3A : i32
    scf.if %cond3A_21 {
      "tpu.region"() ({
        %run_scoped3A = tpu.sem_alloc : memref<!tpu.dma_semaphore, #tpu.memory_space<semaphore_mem>>
        %dma_start3A_1175 = arith.constant 4096 : i32
        %dma_start3A_1176 = arith.constant 0 : i32
        %dma_start3A_1177 = tpu.memref_slice %arg7[%dma_start3A_1175, %dma_start3A_1176] : memref<4097x128xf32, #tpu.memory_space<vmem_shared>> -> memref<1x128xf32, #tpu.memory_space<vmem_shared>>
        %dma_start3A_1178 = arith.constant 4096 : i32
        %dma_start3A_1179 = arith.constant 0 : i32
        %dma_start3A_1180 = tpu.memref_slice %arg3[%dma_start3A_1178, %dma_start3A_1179] : memref<4097x128xf32, #tpu.memory_space<hbm>> -> memref<1x128xf32, #tpu.memory_space<hbm>>
        tpu.enqueue_dma source(%dma_start3A_1180 : memref<1x128xf32, #tpu.memory_space<hbm>>) target(%dma_start3A_1177 : memref<1x128xf32, #tpu.memory_space<vmem_shared>>) target_semaphore(%run_scoped3A : memref<!tpu.dma_semaphore, #tpu.memory_space<semaphore_mem>>)
        %dma_wait3A_1181 = arith.constant 4096 : i32
        %dma_wait3A_1182 = arith.constant 0 : i32
        %dma_wait3A_1183 = tpu.memref_slice %arg7[%dma_wait3A_1181, %dma_wait3A_1182] : memref<4097x128xf32, #tpu.memory_space<vmem_shared>> -> memref<1x128xf32, #tpu.memory_space<vmem_shared>>
        %dma_wait3A_1184 = arith.constant 4096 : i32
        %dma_wait3A_1185 = arith.constant 0 : i32
        %dma_wait3A_1186 = tpu.memref_slice %arg3[%dma_wait3A_1184, %dma_wait3A_1185] : memref<4097x128xf32, #tpu.memory_space<hbm>> -> memref<1x128xf32, #tpu.memory_space<hbm>>
        tpu.wait_dma2 semaphore(%run_scoped3A : memref<!tpu.dma_semaphore, #tpu.memory_space<semaphore_mem>>) src(%dma_wait3A_1186 : memref<1x128xf32, #tpu.memory_space<hbm>>) dst(%dma_wait3A_1183 : memref<1x128xf32, #tpu.memory_space<vmem_shared>>)
        tpu.yield
      }) : () -> ()
    } else {
    }
    %dma_wait3A = arith.constant 0 : i32
    %dma_wait3A_22 = tpu.memref_slice %arg8[%dma_wait3A] : memref<5x!tpu.dma_semaphore, #tpu.memory_space<semaphore_mem>> -> memref<1x!tpu.dma_semaphore, #tpu.memory_space<semaphore_mem>>
    %dma_wait3A_23 = tpu.memref_squeeze %dma_wait3A_22 : memref<1x!tpu.dma_semaphore, #tpu.memory_space<semaphore_mem>> -> memref<!tpu.dma_semaphore, #tpu.memory_space<semaphore_mem>>
    %dma_wait3A_24 = arith.constant 0 : i32
    %dma_wait3A_25 = tpu.memref_slice %arg7[%mul3A_6, %dma_wait3A_24] : memref<4097x128xf32, #tpu.memory_space<vmem_shared>> -> memref<256x128xf32, #tpu.memory_space<vmem_shared>>
    %dma_wait3A_26 = arith.constant 0 : i32
    %dma_wait3A_27 = tpu.memref_slice %arg3[%mul3A_4, %dma_wait3A_26] : memref<4097x128xf32, #tpu.memory_space<hbm>> -> memref<256x128xf32, #tpu.memory_space<hbm>>
    tpu.wait_dma2 semaphore(%dma_wait3A_23 : memref<!tpu.dma_semaphore, #tpu.memory_space<semaphore_mem>>) src(%dma_wait3A_27 : memref<256x128xf32, #tpu.memory_space<hbm>>) dst(%dma_wait3A_25 : memref<256x128xf32, #tpu.memory_space<vmem_shared>>)
    %dma_wait3A_28 = arith.constant 1 : i32
    %dma_wait3A_29 = arith.constant 0 : i32
    %dma_wait3A_30 = tpu.memref_slice %arg2[%dma_wait3A_29, %mul3A_2] : memref<50x4096xi32, #tpu.memory_space<hbm>> -> memref<50x128xi32, #tpu.memory_space<hbm>>
    %dma_wait3A_31 = tpu.memref_slice %arg8[%dma_wait3A_28] : memref<5x!tpu.dma_semaphore, #tpu.memory_space<semaphore_mem>> -> memref<1x!tpu.dma_semaphore, #tpu.memory_space<semaphore_mem>>
    %dma_wait3A_32 = tpu.memref_squeeze %dma_wait3A_31 : memref<1x!tpu.dma_semaphore, #tpu.memory_space<semaphore_mem>> -> memref<!tpu.dma_semaphore, #tpu.memory_space<semaphore_mem>>
    %dma_wait3A_33 = arith.constant 0 : i32
    %dma_wait3A_34 = tpu.memref_slice %arg2[%dma_wait3A_33, %mul3A_2] : memref<50x4096xi32, #tpu.memory_space<hbm>> -> memref<50x128xi32, #tpu.memory_space<hbm>>
    tpu.wait_dma2 semaphore(%dma_wait3A_32 : memref<!tpu.dma_semaphore, #tpu.memory_space<semaphore_mem>>) src(%dma_wait3A_34 : memref<50x128xi32, #tpu.memory_space<hbm>>) dst(%arg5 : memref<50x128xi32, #tpu.memory_space<vmem>>)
    %barrier3A = arith.constant 0 : index
    tpu.barrier barrier_id(%barrier3A)
    %get3A = arith.constant 0 : i32
    %get3A_35 = arith.index_cast %get3A : i32 to index
    %get3A_36 = arith.constant 0 : index
    %get3A_37 = tpu.vector_load %arg5[%get3A_35, %get3A_36] {strides = array<i32>} : memref<50x128xi32, #tpu.memory_space<vmem>>, vector<1x16xi32>,
    %get3A_38 = vector.shape_cast %get3A_37 : vector<1x16xi32> to vector<16xi32>
    %max3A = arith.constant -2048 : i32
    %max3A_39 = vector.broadcast %max3A : i32 to vector<16xi32>
    %max3A_40 = arith.maxsi %get3A_38, %max3A_39 : vector<16xi32>
    %min3A = arith.constant 2048 : i32
    %min3A_41 = vector.broadcast %min3A : i32 to vector<16xi32>
    %min3A_42 = arith.minsi %max3A_40, %min3A_41 : vector<16xi32>
    %add3A_43 = arith.constant 2048 : i32
    %add3A_44 = vector.broadcast %add3A_43 : i32 to vector<16xi32>
    %add3A_45 = arith.addi %min3A_42, %add3A_44 : vector<16xi32>
    %swap3A = arith.constant 0 : i32
    %swap3A_46 = arith.index_cast %swap3A : i32 to index
    %swap3A_47 = arith.constant 0 : index
    %swap3A_48 = tpu.vector_load %arg5[%swap3A_46, %swap3A_47] {strides = array<i32>} : memref<50x128xi32, #tpu.memory_space<vmem>>, vector<1x16xi32>,
    %swap3A_49 = vector.shape_cast %swap3A_48 : vector<1x16xi32> to vector<16xi32>
    %swap3A_50 = vector.shape_cast %add3A_45 : vector<16xi32> to vector<1x16xi32>
    tpu.vector_store %arg5[%swap3A_46, %swap3A_47], %swap3A_50 {strides = array<i32>} : memref<50x128xi32, #tpu.memory_space<vmem>>, vector<1x16xi32>,
    %get3A_51 = arith.constant 0 : i32
    %get3A_52 = arith.index_cast %get3A_51 : i32 to index
    %get3A_53 = arith.constant 16 : index
    %get3A_54 = tpu.vector_load %arg5[%get3A_52, %get3A_53] {strides = array<i32>} : memref<50x128xi32, #tpu.memory_space<vmem>>, vector<1x16xi32>,
    %get3A_55 = vector.shape_cast %get3A_54 : vector<1x16xi32> to vector<16xi32>
    %max3A_56 = arith.constant -2048 : i32
    %max3A_57 = vector.broadcast %max3A_56 : i32 to vector<16xi32>
    %max3A_58 = arith.maxsi %get3A_55, %max3A_57 : vector<16xi32>
    %min3A_59 = arith.constant 2048 : i32
    %min3A_60 = vector.broadcast %min3A_59 : i32 to vector<16xi32>
    %min3A_61 = arith.minsi %max3A_58, %min3A_60 : vector<16xi32>
    %add3A_62 = arith.constant 2048 : i32
    %add3A_63 = vector.broadcast %add3A_62 : i32 to vector<16xi32>
    %add3A_64 = arith.addi %min3A_61, %add3A_63 : vector<16xi32>
    %swap3A_65 = arith.constant 0 : i32
    %swap3A_66 = arith.index_cast %swap3A_65 : i32 to index
    %swap3A_67 = arith.constant 16 : index
    %swap3A_68 = tpu.vector_load %arg5[%swap3A_66, %swap3A_67] {strides = array<i32>} : memref<50x128xi32, #tpu.memory_space<vmem>>, vector<1x16xi32>,
    %swap3A_69 = vector.shape_cast %swap3A_68 : vector<1x16xi32> to vector<16xi32>
    %swap3A_70 = vector.shape_cast %add3A_64 : vector<16xi32> to vector<1x16xi32>
    tpu.vector_store %arg5[%swap3A_66, %swap3A_67], %swap3A_70 {strides = array<i32>} : memref<50x128xi32, #tpu.memory_space<vmem>>, vector<1x16xi32>,
    %get3A_71 = arith.constant 0 : i32
    %get3A_72 = arith.index_cast %get3A_71 : i32 to index
    %get3A_73 = arith.constant 32 : index
    %get3A_74 = tpu.vector_load %arg5[%get3A_72, %get3A_73] {strides = array<i32>} : memref<50x128xi32, #tpu.memory_space<vmem>>, vector<1x16xi32>,
    %get3A_75 = vector.shape_cast %get3A_74 : vector<1x16xi32> to vector<16xi32>
    %max3A_76 = arith.constant -2048 : i32
    %max3A_77 = vector.broadcast %max3A_76 : i32 to vector<16xi32>
    %max3A_78 = arith.maxsi %get3A_75, %max3A_77 : vector<16xi32>
    %min3A_79 = arith.constant 2048 : i32
    %min3A_80 = vector.broadcast %min3A_79 : i32 to vector<16xi32>
    %min3A_81 = arith.minsi %max3A_78, %min3A_80 : vector<16xi32>
    %add3A_82 = arith.constant 2048 : i32
    %add3A_83 = vector.broadcast %add3A_82 : i32 to vector<16xi32>
    %add3A_84 = arith.addi %min3A_81, %add3A_83 : vector<16xi32>
    %swap3A_85 = arith.constant 0 : i32
    %swap3A_86 = arith.index_cast %swap3A_85 : i32 to index
    %swap3A_87 = arith.constant 32 : index
    %swap3A_88 = tpu.vector_load %arg5[%swap3A_86, %swap3A_87] {strides = array<i32>} : memref<50x128xi32, #tpu.memory_space<vmem>>, vector<1x16xi32>,
    %swap3A_89 = vector.shape_cast %swap3A_88 : vector<1x16xi32> to vector<16xi32>
    %swap3A_90 = vector.shape_cast %add3A_84 : vector<16xi32> to vector<1x16xi32>
    tpu.vector_store %arg5[%swap3A_86, %swap3A_87], %swap3A_90 {strides = array<i32>} : memref<50x128xi32, #tpu.memory_space<vmem>>, vector<1x16xi32>,
    %get3A_91 = arith.constant 0 : i32
    %get3A_92 = arith.index_cast %get3A_91 : i32 to index
    %get3A_93 = arith.constant 48 : index
    %get3A_94 = tpu.vector_load %arg5[%get3A_92, %get3A_93] {strides = array<i32>} : memref<50x128xi32, #tpu.memory_space<vmem>>, vector<1x16xi32>,
    %get3A_95 = vector.shape_cast %get3A_94 : vector<1x16xi32> to vector<16xi32>
    %max3A_96 = arith.constant -2048 : i32
    %max3A_97 = vector.broadcast %max3A_96 : i32 to vector<16xi32>
    %max3A_98 = arith.maxsi %get3A_95, %max3A_97 : vector<16xi32>
    %min3A_99 = arith.constant 2048 : i32
    %min3A_100 = vector.broadcast %min3A_99 : i32 to vector<16xi32>
    %min3A_101 = arith.minsi %max3A_98, %min3A_100 : vector<16xi32>
    %add3A_102 = arith.constant 2048 : i32
    %add3A_103 = vector.broadcast %add3A_102 : i32 to vector<16xi32>
    %add3A_104 = arith.addi %min3A_101, %add3A_103 : vector<16xi32>
    %swap3A_105 = arith.constant 0 : i32
    %swap3A_106 = arith.index_cast %swap3A_105 : i32 to index
    %swap3A_107 = arith.constant 48 : index
    %swap3A_108 = tpu.vector_load %arg5[%swap3A_106, %swap3A_107] {strides = array<i32>} : memref<50x128xi32, #tpu.memory_space<vmem>>, vector<1x16xi32>,
    %swap3A_109 = vector.shape_cast %swap3A_108 : vector<1x16xi32> to vector<16xi32>
    %swap3A_110 = vector.shape_cast %add3A_104 : vector<16xi32> to vector<1x16xi32>
    tpu.vector_store %arg5[%swap3A_106, %swap3A_107], %swap3A_110 {strides = array<i32>} : memref<50x128xi32, #tpu.memory_space<vmem>>, vector<1x16xi32>,
    %get3A_111 = arith.constant 0 : i32
    %get3A_112 = arith.index_cast %get3A_111 : i32 to index
    %get3A_113 = arith.constant 64 : index
    %get3A_114 = tpu.vector_load %arg5[%get3A_112, %get3A_113] {strides = array<i32>} : memref<50x128xi32, #tpu.memory_space<vmem>>, vector<1x16xi32>,
    %get3A_115 = vector.shape_cast %get3A_114 : vector<1x16xi32> to vector<16xi32>
    %max3A_116 = arith.constant -2048 : i32
    %max3A_117 = vector.broadcast %max3A_116 : i32 to vector<16xi32>
    %max3A_118 = arith.maxsi %get3A_115, %max3A_117 : vector<16xi32>
    %min3A_119 = arith.constant 2048 : i32
    %min3A_120 = vector.broadcast %min3A_119 : i32 to vector<16xi32>
    %min3A_121 = arith.minsi %max3A_118, %min3A_120 : vector<16xi32>
    %add3A_122 = arith.constant 2048 : i32
    %add3A_123 = vector.broadcast %add3A_122 : i32 to vector<16xi32>
    %add3A_124 = arith.addi %min3A_121, %add3A_123 : vector<16xi32>
    %swap3A_125 = arith.constant 0 : i32
    %swap3A_126 = arith.index_cast %swap3A_125 : i32 to index
    %swap3A_127 = arith.constant 64 : index
    %swap3A_128 = tpu.vector_load %arg5[%swap3A_126, %swap3A_127] {strides = array<i32>} : memref<50x128xi32, #tpu.memory_space<vmem>>, vector<1x16xi32>,
    %swap3A_129 = vector.shape_cast %swap3A_128 : vector<1x16xi32> to vector<16xi32>
    %swap3A_130 = vector.shape_cast %add3A_124 : vector<16xi32> to vector<1x16xi32>
    tpu.vector_store %arg5[%swap3A_126, %swap3A_127], %swap3A_130 {strides = array<i32>} : memref<50x128xi32, #tpu.memory_space<vmem>>, vector<1x16xi32>,
    %get3A_131 = arith.constant 0 : i32
    %get3A_132 = arith.index_cast %get3A_131 : i32 to index
    %get3A_133 = arith.constant 80 : index
    %get3A_134 = tpu.vector_load %arg5[%get3A_132, %get3A_133] {strides = array<i32>} : memref<50x128xi32, #tpu.memory_space<vmem>>, vector<1x16xi32>,
    %get3A_135 = vector.shape_cast %get3A_134 : vector<1x16xi32> to vector<16xi32>
    %max3A_136 = arith.constant -2048 : i32
    %max3A_137 = vector.broadcast %max3A_136 : i32 to vector<16xi32>
    %max3A_138 = arith.maxsi %get3A_135, %max3A_137 : vector<16xi32>
    %min3A_139 = arith.constant 2048 : i32
    %min3A_140 = vector.broadcast %min3A_139 : i32 to vector<16xi32>
    %min3A_141 = arith.minsi %max3A_138, %min3A_140 : vector<16xi32>
    %add3A_142 = arith.constant 2048 : i32
    %add3A_143 = vector.broadcast %add3A_142 : i32 to vector<16xi32>
    %add3A_144 = arith.addi %min3A_141, %add3A_143 : vector<16xi32>
    %swap3A_145 = arith.constant 0 : i32
    %swap3A_146 = arith.index_cast %swap3A_145 : i32 to index
    %swap3A_147 = arith.constant 80 : index
    %swap3A_148 = tpu.vector_load %arg5[%swap3A_146, %swap3A_147] {strides = array<i32>} : memref<50x128xi32, #tpu.memory_space<vmem>>, vector<1x16xi32>,
    %swap3A_149 = vector.shape_cast %swap3A_148 : vector<1x16xi32> to vector<16xi32>
    %swap3A_150 = vector.shape_cast %add3A_144 : vector<16xi32> to vector<1x16xi32>
    tpu.vector_store %arg5[%swap3A_146, %swap3A_147], %swap3A_150 {strides = array<i32>} : memref<50x128xi32, #tpu.memory_space<vmem>>, vector<1x16xi32>,
    %get3A_151 = arith.constant 0 : i32
    %get3A_152 = arith.index_cast %get3A_151 : i32 to index
    %get3A_153 = arith.constant 96 : index
    %get3A_154 = tpu.vector_load %arg5[%get3A_152, %get3A_153] {strides = array<i32>} : memref<50x128xi32, #tpu.memory_space<vmem>>, vector<1x16xi32>,
    %get3A_155 = vector.shape_cast %get3A_154 : vector<1x16xi32> to vector<16xi32>
    %max3A_156 = arith.constant -2048 : i32
    %max3A_157 = vector.broadcast %max3A_156 : i32 to vector<16xi32>
    %max3A_158 = arith.maxsi %get3A_155, %max3A_157 : vector<16xi32>
    %min3A_159 = arith.constant 2048 : i32
    %min3A_160 = vector.broadcast %min3A_159 : i32 to vector<16xi32>
    %min3A_161 = arith.minsi %max3A_158, %min3A_160 : vector<16xi32>
    %add3A_162 = arith.constant 2048 : i32
    %add3A_163 = vector.broadcast %add3A_162 : i32 to vector<16xi32>
    %add3A_164 = arith.addi %min3A_161, %add3A_163 : vector<16xi32>
    %swap3A_165 = arith.constant 0 : i32
    %swap3A_166 = arith.index_cast %swap3A_165 : i32 to index
    %swap3A_167 = arith.constant 96 : index
    %swap3A_168 = tpu.vector_load %arg5[%swap3A_166, %swap3A_167] {strides = array<i32>} : memref<50x128xi32, #tpu.memory_space<vmem>>, vector<1x16xi32>,
    %swap3A_169 = vector.shape_cast %swap3A_168 : vector<1x16xi32> to vector<16xi32>
    %swap3A_170 = vector.shape_cast %add3A_164 : vector<16xi32> to vector<1x16xi32>
    tpu.vector_store %arg5[%swap3A_166, %swap3A_167], %swap3A_170 {strides = array<i32>} : memref<50x128xi32, #tpu.memory_space<vmem>>, vector<1x16xi32>,
    %get3A_171 = arith.constant 0 : i32
    %get3A_172 = arith.index_cast %get3A_171 : i32 to index
    %get3A_173 = arith.constant 112 : index
    %get3A_174 = tpu.vector_load %arg5[%get3A_172, %get3A_173] {strides = array<i32>} : memref<50x128xi32, #tpu.memory_space<vmem>>, vector<1x16xi32>,
    %get3A_175 = vector.shape_cast %get3A_174 : vector<1x16xi32> to vector<16xi32>
    %max3A_176 = arith.constant -2048 : i32
    %max3A_177 = vector.broadcast %max3A_176 : i32 to vector<16xi32>
    %max3A_178 = arith.maxsi %get3A_175, %max3A_177 : vector<16xi32>
    %min3A_179 = arith.constant 2048 : i32
    %min3A_180 = vector.broadcast %min3A_179 : i32 to vector<16xi32>
    %min3A_181 = arith.minsi %max3A_178, %min3A_180 : vector<16xi32>
    %add3A_182 = arith.constant 2048 : i32
    %add3A_183 = vector.broadcast %add3A_182 : i32 to vector<16xi32>
    %add3A_184 = arith.addi %min3A_181, %add3A_183 : vector<16xi32>
    %swap3A_185 = arith.constant 0 : i32
    %swap3A_186 = arith.index_cast %swap3A_185 : i32 to index
    %swap3A_187 = arith.constant 112 : index
    %swap3A_188 = tpu.vector_load %arg5[%swap3A_186, %swap3A_187] {strides = array<i32>} : memref<50x128xi32, #tpu.memory_space<vmem>>, vector<1x16xi32>,
    %swap3A_189 = vector.shape_cast %swap3A_188 : vector<1x16xi32> to vector<16xi32>
    %swap3A_190 = vector.shape_cast %add3A_184 : vector<16xi32> to vector<1x16xi32>
    tpu.vector_store %arg5[%swap3A_186, %swap3A_187], %swap3A_190 {strides = array<i32>} : memref<50x128xi32, #tpu.memory_space<vmem>>, vector<1x16xi32>,
    %dma_start3A_191 = arith.constant 0 : i32
    %dma_start3A_192 = arith.constant 0 : i32
    %dma_start3A_193 = arith.constant 0 : i32
    %dma_start3A_194 = arith.constant 0 : i32
    %dma_start3A_195 = arith.constant 0 : i32
    %dma_start3A_196 = tpu.memref_slice %arg6[%dma_start3A_192, %dma_start3A_194, %dma_start3A_195] : memref<5x128x128xf32, #tpu.memory_space<vmem>> -> memref<1x128x128xf32, #tpu.memory_space<vmem>>
    %dma_start3A_197 = tpu.memref_squeeze %dma_start3A_196 : memref<1x128x128xf32, #tpu.memory_space<vmem>> -> memref<128x128xf32, #tpu.memory_space<vmem>>
    %dma_start3A_198 = arith.constant 0 : i32
    %dma_start3A_199 = tpu.memref_slice %arg5[%dma_start3A_191, %dma_start3A_198] : memref<50x128xi32, #tpu.memory_space<vmem>> -> memref<1x128xi32, #tpu.memory_space<vmem>>
    %dma_start3A_200 = tpu.memref_squeeze %dma_start3A_199 : memref<1x128xi32, #tpu.memory_space<vmem>> -> memref<128xi32, #tpu.memory_space<vmem>>
    %dma_start3A_201 = arith.constant 0 : i32
    %dma_start3A_202 = arith.constant 0 : i32
    %dma_start3A_203 = tpu.memref_slice %arg7[%dma_start3A_201, %dma_start3A_202] : memref<4097x128xf32, #tpu.memory_space<vmem_shared>> -> memref<4097x128xf32, #tpu.memory_space<vmem_shared>>
    %dma_start3A_204 = tpu.memref_slice %arg8[%dma_start3A_193] : memref<5x!tpu.dma_semaphore, #tpu.memory_space<semaphore_mem>> -> memref<1x!tpu.dma_semaphore, #tpu.memory_space<semaphore_mem>>
    %dma_start3A_205 = tpu.memref_squeeze %dma_start3A_204 : memref<1x!tpu.dma_semaphore, #tpu.memory_space<semaphore_mem>> -> memref<!tpu.dma_semaphore, #tpu.memory_space<semaphore_mem>>
    tpu.enqueue_indirect_dma source(%dma_start3A_203 : memref<4097x128xf32, #tpu.memory_space<vmem_shared>>) target(%dma_start3A_197 : memref<128x128xf32, #tpu.memory_space<vmem>>) offsets(%dma_start3A_200 : memref<128xi32, #tpu.memory_space<vmem>>) semaphore(%dma_start3A_205 : memref<!tpu.dma_semaphore, #tpu.memory_space<semaphore_mem>>)
    %get3A_206 = arith.constant 1 : i32
    %get3A_207 = arith.index_cast %get3A_206 : i32 to index
    %get3A_208 = arith.constant 0 : index
    %get3A_209 = tpu.vector_load %arg5[%get3A_207, %get3A_208] {strides = array<i32>} : memref<50x128xi32, #tpu.memory_space<vmem>>, vector<1x16xi32>,
    %get3A_210 = vector.shape_cast %get3A_209 : vector<1x16xi32> to vector<16xi32>
    %max3A_211 = arith.constant -2048 : i32
    %max3A_212 = vector.broadcast %max3A_211 : i32 to vector<16xi32>
    %max3A_213 = arith.maxsi %get3A_210, %max3A_212 : vector<16xi32>
    %min3A_214 = arith.constant 2048 : i32
    %min3A_215 = vector.broadcast %min3A_214 : i32 to vector<16xi32>
    %min3A_216 = arith.minsi %max3A_213, %min3A_215 : vector<16xi32>
    %add3A_217 = arith.constant 2048 : i32
    %add3A_218 = vector.broadcast %add3A_217 : i32 to vector<16xi32>
    %add3A_219 = arith.addi %min3A_216, %add3A_218 : vector<16xi32>
    %swap3A_220 = arith.constant 1 : i32
    %swap3A_221 = arith.index_cast %swap3A_220 : i32 to index
    %swap3A_222 = arith.constant 0 : index
    %swap3A_223 = tpu.vector_load %arg5[%swap3A_221, %swap3A_222] {strides = array<i32>} : memref<50x128xi32, #tpu.memory_space<vmem>>, vector<1x16xi32>,
    %swap3A_224 = vector.shape_cast %swap3A_223 : vector<1x16xi32> to vector<16xi32>
    %swap3A_225 = vector.shape_cast %add3A_219 : vector<16xi32> to vector<1x16xi32>
    tpu.vector_store %arg5[%swap3A_221, %swap3A_222], %swap3A_225 {strides = array<i32>} : memref<50x128xi32, #tpu.memory_space<vmem>>, vector<1x16xi32>,
    %get3A_226 = arith.constant 1 : i32
    %get3A_227 = arith.index_cast %get3A_226 : i32 to index
    %get3A_228 = arith.constant 16 : index
    %get3A_229 = tpu.vector_load %arg5[%get3A_227, %get3A_228] {strides = array<i32>} : memref<50x128xi32, #tpu.memory_space<vmem>>, vector<1x16xi32>,
    %get3A_230 = vector.shape_cast %get3A_229 : vector<1x16xi32> to vector<16xi32>
    %max3A_231 = arith.constant -2048 : i32
    %max3A_232 = vector.broadcast %max3A_231 : i32 to vector<16xi32>
    %max3A_233 = arith.maxsi %get3A_230, %max3A_232 : vector<16xi32>
    %min3A_234 = arith.constant 2048 : i32
    %min3A_235 = vector.broadcast %min3A_234 : i32 to vector<16xi32>
    %min3A_236 = arith.minsi %max3A_233, %min3A_235 : vector<16xi32>
    %add3A_237 = arith.constant 2048 : i32
    %add3A_238 = vector.broadcast %add3A_237 : i32 to vector<16xi32>
    %add3A_239 = arith.addi %min3A_236, %add3A_238 : vector<16xi32>
    %swap3A_240 = arith.constant 1 : i32
    %swap3A_241 = arith.index_cast %swap3A_240 : i32 to index
    %swap3A_242 = arith.constant 16 : index
    %swap3A_243 = tpu.vector_load %arg5[%swap3A_241, %swap3A_242] {strides = array<i32>} : memref<50x128xi32, #tpu.memory_space<vmem>>, vector<1x16xi32>,
    %swap3A_244 = vector.shape_cast %swap3A_243 : vector<1x16xi32> to vector<16xi32>
    %swap3A_245 = vector.shape_cast %add3A_239 : vector<16xi32> to vector<1x16xi32>
    tpu.vector_store %arg5[%swap3A_241, %swap3A_242], %swap3A_245 {strides = array<i32>} : memref<50x128xi32, #tpu.memory_space<vmem>>, vector<1x16xi32>,
    %get3A_246 = arith.constant 1 : i32
    %get3A_247 = arith.index_cast %get3A_246 : i32 to index
    %get3A_248 = arith.constant 32 : index
    %get3A_249 = tpu.vector_load %arg5[%get3A_247, %get3A_248] {strides = array<i32>} : memref<50x128xi32, #tpu.memory_space<vmem>>, vector<1x16xi32>,
    %get3A_250 = vector.shape_cast %get3A_249 : vector<1x16xi32> to vector<16xi32>
    %max3A_251 = arith.constant -2048 : i32
    %max3A_252 = vector.broadcast %max3A_251 : i32 to vector<16xi32>
    %max3A_253 = arith.maxsi %get3A_250, %max3A_252 : vector<16xi32>
    %min3A_254 = arith.constant 2048 : i32
    %min3A_255 = vector.broadcast %min3A_254 : i32 to vector<16xi32>
    %min3A_256 = arith.minsi %max3A_253, %min3A_255 : vector<16xi32>
    %add3A_257 = arith.constant 2048 : i32
    %add3A_258 = vector.broadcast %add3A_257 : i32 to vector<16xi32>
    %add3A_259 = arith.addi %min3A_256, %add3A_258 : vector<16xi32>
    %swap3A_260 = arith.constant 1 : i32
    %swap3A_261 = arith.index_cast %swap3A_260 : i32 to index
    %swap3A_262 = arith.constant 32 : index
    %swap3A_263 = tpu.vector_load %arg5[%swap3A_261, %swap3A_262] {strides = array<i32>} : memref<50x128xi32, #tpu.memory_space<vmem>>, vector<1x16xi32>,
    %swap3A_264 = vector.shape_cast %swap3A_263 : vector<1x16xi32> to vector<16xi32>
    %swap3A_265 = vector.shape_cast %add3A_259 : vector<16xi32> to vector<1x16xi32>
    tpu.vector_store %arg5[%swap3A_261, %swap3A_262], %swap3A_265 {strides = array<i32>} : memref<50x128xi32, #tpu.memory_space<vmem>>, vector<1x16xi32>,
    %get3A_266 = arith.constant 1 : i32
    %get3A_267 = arith.index_cast %get3A_266 : i32 to index
    %get3A_268 = arith.constant 48 : index
    %get3A_269 = tpu.vector_load %arg5[%get3A_267, %get3A_268] {strides = array<i32>} : memref<50x128xi32, #tpu.memory_space<vmem>>, vector<1x16xi32>,
    %get3A_270 = vector.shape_cast %get3A_269 : vector<1x16xi32> to vector<16xi32>
    %max3A_271 = arith.constant -2048 : i32
    %max3A_272 = vector.broadcast %max3A_271 : i32 to vector<16xi32>
    %max3A_273 = arith.maxsi %get3A_270, %max3A_272 : vector<16xi32>
    %min3A_274 = arith.constant 2048 : i32
    %min3A_275 = vector.broadcast %min3A_274 : i32 to vector<16xi32>
    %min3A_276 = arith.minsi %max3A_273, %min3A_275 : vector<16xi32>
    %add3A_277 = arith.constant 2048 : i32
    %add3A_278 = vector.broadcast %add3A_277 : i32 to vector<16xi32>
    %add3A_279 = arith.addi %min3A_276, %add3A_278 : vector<16xi32>
    %swap3A_280 = arith.constant 1 : i32
    %swap3A_281 = arith.index_cast %swap3A_280 : i32 to index
    %swap3A_282 = arith.constant 48 : index
    %swap3A_283 = tpu.vector_load %arg5[%swap3A_281, %swap3A_282] {strides = array<i32>} : memref<50x128xi32, #tpu.memory_space<vmem>>, vector<1x16xi32>,
    %swap3A_284 = vector.shape_cast %swap3A_283 : vector<1x16xi32> to vector<16xi32>
    %swap3A_285 = vector.shape_cast %add3A_279 : vector<16xi32> to vector<1x16xi32>
    tpu.vector_store %arg5[%swap3A_281, %swap3A_282], %swap3A_285 {strides = array<i32>} : memref<50x128xi32, #tpu.memory_space<vmem>>, vector<1x16xi32>,
    %get3A_286 = arith.constant 1 : i32
    %get3A_287 = arith.index_cast %get3A_286 : i32 to index
    %get3A_288 = arith.constant 64 : index
    %get3A_289 = tpu.vector_load %arg5[%get3A_287, %get3A_288] {strides = array<i32>} : memref<50x128xi32, #tpu.memory_space<vmem>>, vector<1x16xi32>,
    %get3A_290 = vector.shape_cast %get3A_289 : vector<1x16xi32> to vector<16xi32>
    %max3A_291 = arith.constant -2048 : i32
    %max3A_292 = vector.broadcast %max3A_291 : i32 to vector<16xi32>
    %max3A_293 = arith.maxsi %get3A_290, %max3A_292 : vector<16xi32>
    %min3A_294 = arith.constant 2048 : i32
    %min3A_295 = vector.broadcast %min3A_294 : i32 to vector<16xi32>
    %min3A_296 = arith.minsi %max3A_293, %min3A_295 : vector<16xi32>
    %add3A_297 = arith.constant 2048 : i32
    %add3A_298 = vector.broadcast %add3A_297 : i32 to vector<16xi32>
    %add3A_299 = arith.addi %min3A_296, %add3A_298 : vector<16xi32>
    %swap3A_300 = arith.constant 1 : i32
    %swap3A_301 = arith.index_cast %swap3A_300 : i32 to index
    %swap3A_302 = arith.constant 64 : index
    %swap3A_303 = tpu.vector_load %arg5[%swap3A_301, %swap3A_302] {strides = array<i32>} : memref<50x128xi32, #tpu.memory_space<vmem>>, vector<1x16xi32>,
    %swap3A_304 = vector.shape_cast %swap3A_303 : vector<1x16xi32> to vector<16xi32>
    %swap3A_305 = vector.shape_cast %add3A_299 : vector<16xi32> to vector<1x16xi32>
    tpu.vector_store %arg5[%swap3A_301, %swap3A_302], %swap3A_305 {strides = array<i32>} : memref<50x128xi32, #tpu.memory_space<vmem>>, vector<1x16xi32>,
    %get3A_306 = arith.constant 1 : i32
    %get3A_307 = arith.index_cast %get3A_306 : i32 to index
    %get3A_308 = arith.constant 80 : index
    %get3A_309 = tpu.vector_load %arg5[%get3A_307, %get3A_308] {strides = array<i32>} : memref<50x128xi32, #tpu.memory_space<vmem>>, vector<1x16xi32>,
    %get3A_310 = vector.shape_cast %get3A_309 : vector<1x16xi32> to vector<16xi32>
    %max3A_311 = arith.constant -2048 : i32
    %max3A_312 = vector.broadcast %max3A_311 : i32 to vector<16xi32>
    %max3A_313 = arith.maxsi %get3A_310, %max3A_312 : vector<16xi32>
    %min3A_314 = arith.constant 2048 : i32
    %min3A_315 = vector.broadcast %min3A_314 : i32 to vector<16xi32>
    %min3A_316 = arith.minsi %max3A_313, %min3A_315 : vector<16xi32>
    %add3A_317 = arith.constant 2048 : i32
    %add3A_318 = vector.broadcast %add3A_317 : i32 to vector<16xi32>
    %add3A_319 = arith.addi %min3A_316, %add3A_318 : vector<16xi32>
    %swap3A_320 = arith.constant 1 : i32
    %swap3A_321 = arith.index_cast %swap3A_320 : i32 to index
    %swap3A_322 = arith.constant 80 : index
    %swap3A_323 = tpu.vector_load %arg5[%swap3A_321, %swap3A_322] {strides = array<i32>} : memref<50x128xi32, #tpu.memory_space<vmem>>, vector<1x16xi32>,
    %swap3A_324 = vector.shape_cast %swap3A_323 : vector<1x16xi32> to vector<16xi32>
    %swap3A_325 = vector.shape_cast %add3A_319 : vector<16xi32> to vector<1x16xi32>
    tpu.vector_store %arg5[%swap3A_321, %swap3A_322], %swap3A_325 {strides = array<i32>} : memref<50x128xi32, #tpu.memory_space<vmem>>, vector<1x16xi32>,
    %get3A_326 = arith.constant 1 : i32
    %get3A_327 = arith.index_cast %get3A_326 : i32 to index
    %get3A_328 = arith.constant 96 : index
    %get3A_329 = tpu.vector_load %arg5[%get3A_327, %get3A_328] {strides = array<i32>} : memref<50x128xi32, #tpu.memory_space<vmem>>, vector<1x16xi32>,
    %get3A_330 = vector.shape_cast %get3A_329 : vector<1x16xi32> to vector<16xi32>
    %max3A_331 = arith.constant -2048 : i32
    %max3A_332 = vector.broadcast %max3A_331 : i32 to vector<16xi32>
    %max3A_333 = arith.maxsi %get3A_330, %max3A_332 : vector<16xi32>
    %min3A_334 = arith.constant 2048 : i32
    %min3A_335 = vector.broadcast %min3A_334 : i32 to vector<16xi32>
    %min3A_336 = arith.minsi %max3A_333, %min3A_335 : vector<16xi32>
    %add3A_337 = arith.constant 2048 : i32
    %add3A_338 = vector.broadcast %add3A_337 : i32 to vector<16xi32>
    %add3A_339 = arith.addi %min3A_336, %add3A_338 : vector<16xi32>
    %swap3A_340 = arith.constant 1 : i32
    %swap3A_341 = arith.index_cast %swap3A_340 : i32 to index
    %swap3A_342 = arith.constant 96 : index
    %swap3A_343 = tpu.vector_load %arg5[%swap3A_341, %swap3A_342] {strides = array<i32>} : memref<50x128xi32, #tpu.memory_space<vmem>>, vector<1x16xi32>,
    %swap3A_344 = vector.shape_cast %swap3A_343 : vector<1x16xi32> to vector<16xi32>
    %swap3A_345 = vector.shape_cast %add3A_339 : vector<16xi32> to vector<1x16xi32>
    tpu.vector_store %arg5[%swap3A_341, %swap3A_342], %swap3A_345 {strides = array<i32>} : memref<50x128xi32, #tpu.memory_space<vmem>>, vector<1x16xi32>,
    %get3A_346 = arith.constant 1 : i32
    %get3A_347 = arith.index_cast %get3A_346 : i32 to index
    %get3A_348 = arith.constant 112 : index
    %get3A_349 = tpu.vector_load %arg5[%get3A_347, %get3A_348] {strides = array<i32>} : memref<50x128xi32, #tpu.memory_space<vmem>>, vector<1x16xi32>,
    %get3A_350 = vector.shape_cast %get3A_349 : vector<1x16xi32> to vector<16xi32>
    %max3A_351 = arith.constant -2048 : i32
    %max3A_352 = vector.broadcast %max3A_351 : i32 to vector<16xi32>
    %max3A_353 = arith.maxsi %get3A_350, %max3A_352 : vector<16xi32>
    %min3A_354 = arith.constant 2048 : i32
    %min3A_355 = vector.broadcast %min3A_354 : i32 to vector<16xi32>
    %min3A_356 = arith.minsi %max3A_353, %min3A_355 : vector<16xi32>
    %add3A_357 = arith.constant 2048 : i32
    %add3A_358 = vector.broadcast %add3A_357 : i32 to vector<16xi32>
    %add3A_359 = arith.addi %min3A_356, %add3A_358 : vector<16xi32>
    %swap3A_360 = arith.constant 1 : i32
    %swap3A_361 = arith.index_cast %swap3A_360 : i32 to index
    %swap3A_362 = arith.constant 112 : index
    %swap3A_363 = tpu.vector_load %arg5[%swap3A_361, %swap3A_362] {strides = array<i32>} : memref<50x128xi32, #tpu.memory_space<vmem>>, vector<1x16xi32>,
    %swap3A_364 = vector.shape_cast %swap3A_363 : vector<1x16xi32> to vector<16xi32>
    %swap3A_365 = vector.shape_cast %add3A_359 : vector<16xi32> to vector<1x16xi32>
    tpu.vector_store %arg5[%swap3A_361, %swap3A_362], %swap3A_365 {strides = array<i32>} : memref<50x128xi32, #tpu.memory_space<vmem>>, vector<1x16xi32>,
    %dma_start3A_366 = arith.constant 1 : i32
    %dma_start3A_367 = arith.constant 1 : i32
    %dma_start3A_368 = arith.constant 1 : i32
    %dma_start3A_369 = arith.constant 0 : i32
    %dma_start3A_370 = arith.constant 0 : i32
    %dma_start3A_371 = tpu.memref_slice %arg6[%dma_start3A_367, %dma_start3A_369, %dma_start3A_370] : memref<5x128x128xf32, #tpu.memory_space<vmem>> -> memref<1x128x128xf32, #tpu.memory_space<vmem>>
    %dma_start3A_372 = tpu.memref_squeeze %dma_start3A_371 : memref<1x128x128xf32, #tpu.memory_space<vmem>> -> memref<128x128xf32, #tpu.memory_space<vmem>>
    %dma_start3A_373 = arith.constant 0 : i32
    %dma_start3A_374 = tpu.memref_slice %arg5[%dma_start3A_366, %dma_start3A_373] : memref<50x128xi32, #tpu.memory_space<vmem>> -> memref<1x128xi32, #tpu.memory_space<vmem>>
    %dma_start3A_375 = tpu.memref_squeeze %dma_start3A_374 : memref<1x128xi32, #tpu.memory_space<vmem>> -> memref<128xi32, #tpu.memory_space<vmem>>
    %dma_start3A_376 = arith.constant 0 : i32
    %dma_start3A_377 = arith.constant 0 : i32
    %dma_start3A_378 = tpu.memref_slice %arg7[%dma_start3A_376, %dma_start3A_377] : memref<4097x128xf32, #tpu.memory_space<vmem_shared>> -> memref<4097x128xf32, #tpu.memory_space<vmem_shared>>
    %dma_start3A_379 = tpu.memref_slice %arg8[%dma_start3A_368] : memref<5x!tpu.dma_semaphore, #tpu.memory_space<semaphore_mem>> -> memref<1x!tpu.dma_semaphore, #tpu.memory_space<semaphore_mem>>
    %dma_start3A_380 = tpu.memref_squeeze %dma_start3A_379 : memref<1x!tpu.dma_semaphore, #tpu.memory_space<semaphore_mem>> -> memref<!tpu.dma_semaphore, #tpu.memory_space<semaphore_mem>>
    tpu.enqueue_indirect_dma source(%dma_start3A_378 : memref<4097x128xf32, #tpu.memory_space<vmem_shared>>) target(%dma_start3A_372 : memref<128x128xf32, #tpu.memory_space<vmem>>) offsets(%dma_start3A_375 : memref<128xi32, #tpu.memory_space<vmem>>) semaphore(%dma_start3A_380 : memref<!tpu.dma_semaphore, #tpu.memory_space<semaphore_mem>>)
    %get3A_381 = arith.constant 2 : i32
    %get3A_382 = arith.index_cast %get3A_381 : i32 to index
    %get3A_383 = arith.constant 0 : index
    %get3A_384 = tpu.vector_load %arg5[%get3A_382, %get3A_383] {strides = array<i32>} : memref<50x128xi32, #tpu.memory_space<vmem>>, vector<1x16xi32>,
    %get3A_385 = vector.shape_cast %get3A_384 : vector<1x16xi32> to vector<16xi32>
    %max3A_386 = arith.constant -2048 : i32
    %max3A_387 = vector.broadcast %max3A_386 : i32 to vector<16xi32>
    %max3A_388 = arith.maxsi %get3A_385, %max3A_387 : vector<16xi32>
    %min3A_389 = arith.constant 2048 : i32
    %min3A_390 = vector.broadcast %min3A_389 : i32 to vector<16xi32>
    %min3A_391 = arith.minsi %max3A_388, %min3A_390 : vector<16xi32>
    %add3A_392 = arith.constant 2048 : i32
    %add3A_393 = vector.broadcast %add3A_392 : i32 to vector<16xi32>
    %add3A_394 = arith.addi %min3A_391, %add3A_393 : vector<16xi32>
    %swap3A_395 = arith.constant 2 : i32
    %swap3A_396 = arith.index_cast %swap3A_395 : i32 to index
    %swap3A_397 = arith.constant 0 : index
    %swap3A_398 = tpu.vector_load %arg5[%swap3A_396, %swap3A_397] {strides = array<i32>} : memref<50x128xi32, #tpu.memory_space<vmem>>, vector<1x16xi32>,
    %swap3A_399 = vector.shape_cast %swap3A_398 : vector<1x16xi32> to vector<16xi32>
    %swap3A_400 = vector.shape_cast %add3A_394 : vector<16xi32> to vector<1x16xi32>
    tpu.vector_store %arg5[%swap3A_396, %swap3A_397], %swap3A_400 {strides = array<i32>} : memref<50x128xi32, #tpu.memory_space<vmem>>, vector<1x16xi32>,
    %get3A_401 = arith.constant 2 : i32
    %get3A_402 = arith.index_cast %get3A_401 : i32 to index
    %get3A_403 = arith.constant 16 : index
    %get3A_404 = tpu.vector_load %arg5[%get3A_402, %get3A_403] {strides = array<i32>} : memref<50x128xi32, #tpu.memory_space<vmem>>, vector<1x16xi32>,
    %get3A_405 = vector.shape_cast %get3A_404 : vector<1x16xi32> to vector<16xi32>
    %max3A_406 = arith.constant -2048 : i32
    %max3A_407 = vector.broadcast %max3A_406 : i32 to vector<16xi32>
    %max3A_408 = arith.maxsi %get3A_405, %max3A_407 : vector<16xi32>
    %min3A_409 = arith.constant 2048 : i32
    %min3A_410 = vector.broadcast %min3A_409 : i32 to vector<16xi32>
    %min3A_411 = arith.minsi %max3A_408, %min3A_410 : vector<16xi32>
    %add3A_412 = arith.constant 2048 : i32
    %add3A_413 = vector.broadcast %add3A_412 : i32 to vector<16xi32>
    %add3A_414 = arith.addi %min3A_411, %add3A_413 : vector<16xi32>
    %swap3A_415 = arith.constant 2 : i32
    %swap3A_416 = arith.index_cast %swap3A_415 : i32 to index
    %swap3A_417 = arith.constant 16 : index
    %swap3A_418 = tpu.vector_load %arg5[%swap3A_416, %swap3A_417] {strides = array<i32>} : memref<50x128xi32, #tpu.memory_space<vmem>>, vector<1x16xi32>,
    %swap3A_419 = vector.shape_cast %swap3A_418 : vector<1x16xi32> to vector<16xi32>
    %swap3A_420 = vector.shape_cast %add3A_414 : vector<16xi32> to vector<1x16xi32>
    tpu.vector_store %arg5[%swap3A_416, %swap3A_417], %swap3A_420 {strides = array<i32>} : memref<50x128xi32, #tpu.memory_space<vmem>>, vector<1x16xi32>,
    %get3A_421 = arith.constant 2 : i32
    %get3A_422 = arith.index_cast %get3A_421 : i32 to index
    %get3A_423 = arith.constant 32 : index
    %get3A_424 = tpu.vector_load %arg5[%get3A_422, %get3A_423] {strides = array<i32>} : memref<50x128xi32, #tpu.memory_space<vmem>>, vector<1x16xi32>,
    %get3A_425 = vector.shape_cast %get3A_424 : vector<1x16xi32> to vector<16xi32>
    %max3A_426 = arith.constant -2048 : i32
    %max3A_427 = vector.broadcast %max3A_426 : i32 to vector<16xi32>
    %max3A_428 = arith.maxsi %get3A_425, %max3A_427 : vector<16xi32>
    %min3A_429 = arith.constant 2048 : i32
    %min3A_430 = vector.broadcast %min3A_429 : i32 to vector<16xi32>
    %min3A_431 = arith.minsi %max3A_428, %min3A_430 : vector<16xi32>
    %add3A_432 = arith.constant 2048 : i32
    %add3A_433 = vector.broadcast %add3A_432 : i32 to vector<16xi32>
    %add3A_434 = arith.addi %min3A_431, %add3A_433 : vector<16xi32>
    %swap3A_435 = arith.constant 2 : i32
    %swap3A_436 = arith.index_cast %swap3A_435 : i32 to index
    %swap3A_437 = arith.constant 32 : index
    %swap3A_438 = tpu.vector_load %arg5[%swap3A_436, %swap3A_437] {strides = array<i32>} : memref<50x128xi32, #tpu.memory_space<vmem>>, vector<1x16xi32>,
    %swap3A_439 = vector.shape_cast %swap3A_438 : vector<1x16xi32> to vector<16xi32>
    %swap3A_440 = vector.shape_cast %add3A_434 : vector<16xi32> to vector<1x16xi32>
    tpu.vector_store %arg5[%swap3A_436, %swap3A_437], %swap3A_440 {strides = array<i32>} : memref<50x128xi32, #tpu.memory_space<vmem>>, vector<1x16xi32>,
    %get3A_441 = arith.constant 2 : i32
    %get3A_442 = arith.index_cast %get3A_441 : i32 to index
    %get3A_443 = arith.constant 48 : index
    %get3A_444 = tpu.vector_load %arg5[%get3A_442, %get3A_443] {strides = array<i32>} : memref<50x128xi32, #tpu.memory_space<vmem>>, vector<1x16xi32>,
    %get3A_445 = vector.shape_cast %get3A_444 : vector<1x16xi32> to vector<16xi32>
    %max3A_446 = arith.constant -2048 : i32
    %max3A_447 = vector.broadcast %max3A_446 : i32 to vector<16xi32>
    %max3A_448 = arith.maxsi %get3A_445, %max3A_447 : vector<16xi32>
    %min3A_449 = arith.constant 2048 : i32
    %min3A_450 = vector.broadcast %min3A_449 : i32 to vector<16xi32>
    %min3A_451 = arith.minsi %max3A_448, %min3A_450 : vector<16xi32>
    %add3A_452 = arith.constant 2048 : i32
    %add3A_453 = vector.broadcast %add3A_452 : i32 to vector<16xi32>
    %add3A_454 = arith.addi %min3A_451, %add3A_453 : vector<16xi32>
    %swap3A_455 = arith.constant 2 : i32
    %swap3A_456 = arith.index_cast %swap3A_455 : i32 to index
    %swap3A_457 = arith.constant 48 : index
    %swap3A_458 = tpu.vector_load %arg5[%swap3A_456, %swap3A_457] {strides = array<i32>} : memref<50x128xi32, #tpu.memory_space<vmem>>, vector<1x16xi32>,
    %swap3A_459 = vector.shape_cast %swap3A_458 : vector<1x16xi32> to vector<16xi32>
    %swap3A_460 = vector.shape_cast %add3A_454 : vector<16xi32> to vector<1x16xi32>
    tpu.vector_store %arg5[%swap3A_456, %swap3A_457], %swap3A_460 {strides = array<i32>} : memref<50x128xi32, #tpu.memory_space<vmem>>, vector<1x16xi32>,
    %get3A_461 = arith.constant 2 : i32
    %get3A_462 = arith.index_cast %get3A_461 : i32 to index
    %get3A_463 = arith.constant 64 : index
    %get3A_464 = tpu.vector_load %arg5[%get3A_462, %get3A_463] {strides = array<i32>} : memref<50x128xi32, #tpu.memory_space<vmem>>, vector<1x16xi32>,
    %get3A_465 = vector.shape_cast %get3A_464 : vector<1x16xi32> to vector<16xi32>
    %max3A_466 = arith.constant -2048 : i32
    %max3A_467 = vector.broadcast %max3A_466 : i32 to vector<16xi32>
    %max3A_468 = arith.maxsi %get3A_465, %max3A_467 : vector<16xi32>
    %min3A_469 = arith.constant 2048 : i32
    %min3A_470 = vector.broadcast %min3A_469 : i32 to vector<16xi32>
    %min3A_471 = arith.minsi %max3A_468, %min3A_470 : vector<16xi32>
    %add3A_472 = arith.constant 2048 : i32
    %add3A_473 = vector.broadcast %add3A_472 : i32 to vector<16xi32>
    %add3A_474 = arith.addi %min3A_471, %add3A_473 : vector<16xi32>
    %swap3A_475 = arith.constant 2 : i32
    %swap3A_476 = arith.index_cast %swap3A_475 : i32 to index
    %swap3A_477 = arith.constant 64 : index
    %swap3A_478 = tpu.vector_load %arg5[%swap3A_476, %swap3A_477] {strides = array<i32>} : memref<50x128xi32, #tpu.memory_space<vmem>>, vector<1x16xi32>,
    %swap3A_479 = vector.shape_cast %swap3A_478 : vector<1x16xi32> to vector<16xi32>
    %swap3A_480 = vector.shape_cast %add3A_474 : vector<16xi32> to vector<1x16xi32>
    tpu.vector_store %arg5[%swap3A_476, %swap3A_477], %swap3A_480 {strides = array<i32>} : memref<50x128xi32, #tpu.memory_space<vmem>>, vector<1x16xi32>,
    %get3A_481 = arith.constant 2 : i32
    %get3A_482 = arith.index_cast %get3A_481 : i32 to index
    %get3A_483 = arith.constant 80 : index
    %get3A_484 = tpu.vector_load %arg5[%get3A_482, %get3A_483] {strides = array<i32>} : memref<50x128xi32, #tpu.memory_space<vmem>>, vector<1x16xi32>,
    %get3A_485 = vector.shape_cast %get3A_484 : vector<1x16xi32> to vector<16xi32>
    %max3A_486 = arith.constant -2048 : i32
    %max3A_487 = vector.broadcast %max3A_486 : i32 to vector<16xi32>
    %max3A_488 = arith.maxsi %get3A_485, %max3A_487 : vector<16xi32>
    %min3A_489 = arith.constant 2048 : i32
    %min3A_490 = vector.broadcast %min3A_489 : i32 to vector<16xi32>
    %min3A_491 = arith.minsi %max3A_488, %min3A_490 : vector<16xi32>
    %add3A_492 = arith.constant 2048 : i32
    %add3A_493 = vector.broadcast %add3A_492 : i32 to vector<16xi32>
    %add3A_494 = arith.addi %min3A_491, %add3A_493 : vector<16xi32>
    %swap3A_495 = arith.constant 2 : i32
    %swap3A_496 = arith.index_cast %swap3A_495 : i32 to index
    %swap3A_497 = arith.constant 80 : index
    %swap3A_498 = tpu.vector_load %arg5[%swap3A_496, %swap3A_497] {strides = array<i32>} : memref<50x128xi32, #tpu.memory_space<vmem>>, vector<1x16xi32>,
    %swap3A_499 = vector.shape_cast %swap3A_498 : vector<1x16xi32> to vector<16xi32>
    %swap3A_500 = vector.shape_cast %add3A_494 : vector<16xi32> to vector<1x16xi32>
    tpu.vector_store %arg5[%swap3A_496, %swap3A_497], %swap3A_500 {strides = array<i32>} : memref<50x128xi32, #tpu.memory_space<vmem>>, vector<1x16xi32>,
    %get3A_501 = arith.constant 2 : i32
    %get3A_502 = arith.index_cast %get3A_501 : i32 to index
    %get3A_503 = arith.constant 96 : index
    %get3A_504 = tpu.vector_load %arg5[%get3A_502, %get3A_503] {strides = array<i32>} : memref<50x128xi32, #tpu.memory_space<vmem>>, vector<1x16xi32>,
    %get3A_505 = vector.shape_cast %get3A_504 : vector<1x16xi32> to vector<16xi32>
    %max3A_506 = arith.constant -2048 : i32
    %max3A_507 = vector.broadcast %max3A_506 : i32 to vector<16xi32>
    %max3A_508 = arith.maxsi %get3A_505, %max3A_507 : vector<16xi32>
    %min3A_509 = arith.constant 2048 : i32
    %min3A_510 = vector.broadcast %min3A_509 : i32 to vector<16xi32>
    %min3A_511 = arith.minsi %max3A_508, %min3A_510 : vector<16xi32>
    %add3A_512 = arith.constant 2048 : i32
    %add3A_513 = vector.broadcast %add3A_512 : i32 to vector<16xi32>
    %add3A_514 = arith.addi %min3A_511, %add3A_513 : vector<16xi32>
    %swap3A_515 = arith.constant 2 : i32
    %swap3A_516 = arith.index_cast %swap3A_515 : i32 to index
    %swap3A_517 = arith.constant 96 : index
    %swap3A_518 = tpu.vector_load %arg5[%swap3A_516, %swap3A_517] {strides = array<i32>} : memref<50x128xi32, #tpu.memory_space<vmem>>, vector<1x16xi32>,
    %swap3A_519 = vector.shape_cast %swap3A_518 : vector<1x16xi32> to vector<16xi32>
    %swap3A_520 = vector.shape_cast %add3A_514 : vector<16xi32> to vector<1x16xi32>
    tpu.vector_store %arg5[%swap3A_516, %swap3A_517], %swap3A_520 {strides = array<i32>} : memref<50x128xi32, #tpu.memory_space<vmem>>, vector<1x16xi32>,
    %get3A_521 = arith.constant 2 : i32
    %get3A_522 = arith.index_cast %get3A_521 : i32 to index
    %get3A_523 = arith.constant 112 : index
    %get3A_524 = tpu.vector_load %arg5[%get3A_522, %get3A_523] {strides = array<i32>} : memref<50x128xi32, #tpu.memory_space<vmem>>, vector<1x16xi32>,
    %get3A_525 = vector.shape_cast %get3A_524 : vector<1x16xi32> to vector<16xi32>
    %max3A_526 = arith.constant -2048 : i32
    %max3A_527 = vector.broadcast %max3A_526 : i32 to vector<16xi32>
    %max3A_528 = arith.maxsi %get3A_525, %max3A_527 : vector<16xi32>
    %min3A_529 = arith.constant 2048 : i32
    %min3A_530 = vector.broadcast %min3A_529 : i32 to vector<16xi32>
    %min3A_531 = arith.minsi %max3A_528, %min3A_530 : vector<16xi32>
    %add3A_532 = arith.constant 2048 : i32
    %add3A_533 = vector.broadcast %add3A_532 : i32 to vector<16xi32>
    %add3A_534 = arith.addi %min3A_531, %add3A_533 : vector<16xi32>
    %swap3A_535 = arith.constant 2 : i32
    %swap3A_536 = arith.index_cast %swap3A_535 : i32 to index
    %swap3A_537 = arith.constant 112 : index
    %swap3A_538 = tpu.vector_load %arg5[%swap3A_536, %swap3A_537] {strides = array<i32>} : memref<50x128xi32, #tpu.memory_space<vmem>>, vector<1x16xi32>,
    %swap3A_539 = vector.shape_cast %swap3A_538 : vector<1x16xi32> to vector<16xi32>
    %swap3A_540 = vector.shape_cast %add3A_534 : vector<16xi32> to vector<1x16xi32>
    tpu.vector_store %arg5[%swap3A_536, %swap3A_537], %swap3A_540 {strides = array<i32>} : memref<50x128xi32, #tpu.memory_space<vmem>>, vector<1x16xi32>,
    %dma_start3A_541 = arith.constant 2 : i32
    %dma_start3A_542 = arith.constant 2 : i32
    %dma_start3A_543 = arith.constant 2 : i32
    %dma_start3A_544 = arith.constant 0 : i32
    %dma_start3A_545 = arith.constant 0 : i32
    %dma_start3A_546 = tpu.memref_slice %arg6[%dma_start3A_542, %dma_start3A_544, %dma_start3A_545] : memref<5x128x128xf32, #tpu.memory_space<vmem>> -> memref<1x128x128xf32, #tpu.memory_space<vmem>>
    %dma_start3A_547 = tpu.memref_squeeze %dma_start3A_546 : memref<1x128x128xf32, #tpu.memory_space<vmem>> -> memref<128x128xf32, #tpu.memory_space<vmem>>
    %dma_start3A_548 = arith.constant 0 : i32
    %dma_start3A_549 = tpu.memref_slice %arg5[%dma_start3A_541, %dma_start3A_548] : memref<50x128xi32, #tpu.memory_space<vmem>> -> memref<1x128xi32, #tpu.memory_space<vmem>>
    %dma_start3A_550 = tpu.memref_squeeze %dma_start3A_549 : memref<1x128xi32, #tpu.memory_space<vmem>> -> memref<128xi32, #tpu.memory_space<vmem>>
    %dma_start3A_551 = arith.constant 0 : i32
    %dma_start3A_552 = arith.constant 0 : i32
    %dma_start3A_553 = tpu.memref_slice %arg7[%dma_start3A_551, %dma_start3A_552] : memref<4097x128xf32, #tpu.memory_space<vmem_shared>> -> memref<4097x128xf32, #tpu.memory_space<vmem_shared>>
    %dma_start3A_554 = tpu.memref_slice %arg8[%dma_start3A_543] : memref<5x!tpu.dma_semaphore, #tpu.memory_space<semaphore_mem>> -> memref<1x!tpu.dma_semaphore, #tpu.memory_space<semaphore_mem>>
    %dma_start3A_555 = tpu.memref_squeeze %dma_start3A_554 : memref<1x!tpu.dma_semaphore, #tpu.memory_space<semaphore_mem>> -> memref<!tpu.dma_semaphore, #tpu.memory_space<semaphore_mem>>
    tpu.enqueue_indirect_dma source(%dma_start3A_553 : memref<4097x128xf32, #tpu.memory_space<vmem_shared>>) target(%dma_start3A_547 : memref<128x128xf32, #tpu.memory_space<vmem>>) offsets(%dma_start3A_550 : memref<128xi32, #tpu.memory_space<vmem>>) semaphore(%dma_start3A_555 : memref<!tpu.dma_semaphore, #tpu.memory_space<semaphore_mem>>)
    %get3A_556 = arith.constant 3 : i32
    %get3A_557 = arith.index_cast %get3A_556 : i32 to index
    %get3A_558 = arith.constant 0 : index
    %get3A_559 = tpu.vector_load %arg5[%get3A_557, %get3A_558] {strides = array<i32>} : memref<50x128xi32, #tpu.memory_space<vmem>>, vector<1x16xi32>,
    %get3A_560 = vector.shape_cast %get3A_559 : vector<1x16xi32> to vector<16xi32>
    %max3A_561 = arith.constant -2048 : i32
    %max3A_562 = vector.broadcast %max3A_561 : i32 to vector<16xi32>
    %max3A_563 = arith.maxsi %get3A_560, %max3A_562 : vector<16xi32>
    %min3A_564 = arith.constant 2048 : i32
    %min3A_565 = vector.broadcast %min3A_564 : i32 to vector<16xi32>
    %min3A_566 = arith.minsi %max3A_563, %min3A_565 : vector<16xi32>
    %add3A_567 = arith.constant 2048 : i32
    %add3A_568 = vector.broadcast %add3A_567 : i32 to vector<16xi32>
    %add3A_569 = arith.addi %min3A_566, %add3A_568 : vector<16xi32>
    %swap3A_570 = arith.constant 3 : i32
    %swap3A_571 = arith.index_cast %swap3A_570 : i32 to index
    %swap3A_572 = arith.constant 0 : index
    %swap3A_573 = tpu.vector_load %arg5[%swap3A_571, %swap3A_572] {strides = array<i32>} : memref<50x128xi32, #tpu.memory_space<vmem>>, vector<1x16xi32>,
    %swap3A_574 = vector.shape_cast %swap3A_573 : vector<1x16xi32> to vector<16xi32>
    %swap3A_575 = vector.shape_cast %add3A_569 : vector<16xi32> to vector<1x16xi32>
    tpu.vector_store %arg5[%swap3A_571, %swap3A_572], %swap3A_575 {strides = array<i32>} : memref<50x128xi32, #tpu.memory_space<vmem>>, vector<1x16xi32>,
    %get3A_576 = arith.constant 3 : i32
    %get3A_577 = arith.index_cast %get3A_576 : i32 to index
    %get3A_578 = arith.constant 16 : index
    %get3A_579 = tpu.vector_load %arg5[%get3A_577, %get3A_578] {strides = array<i32>} : memref<50x128xi32, #tpu.memory_space<vmem>>, vector<1x16xi32>,
    %get3A_580 = vector.shape_cast %get3A_579 : vector<1x16xi32> to vector<16xi32>
    %max3A_581 = arith.constant -2048 : i32
    %max3A_582 = vector.broadcast %max3A_581 : i32 to vector<16xi32>
    %max3A_583 = arith.maxsi %get3A_580, %max3A_582 : vector<16xi32>
    %min3A_584 = arith.constant 2048 : i32
    %min3A_585 = vector.broadcast %min3A_584 : i32 to vector<16xi32>
    %min3A_586 = arith.minsi %max3A_583, %min3A_585 : vector<16xi32>
    %add3A_587 = arith.constant 2048 : i32
    %add3A_588 = vector.broadcast %add3A_587 : i32 to vector<16xi32>
    %add3A_589 = arith.addi %min3A_586, %add3A_588 : vector<16xi32>
    %swap3A_590 = arith.constant 3 : i32
    %swap3A_591 = arith.index_cast %swap3A_590 : i32 to index
    %swap3A_592 = arith.constant 16 : index
    %swap3A_593 = tpu.vector_load %arg5[%swap3A_591, %swap3A_592] {strides = array<i32>} : memref<50x128xi32, #tpu.memory_space<vmem>>, vector<1x16xi32>,
    %swap3A_594 = vector.shape_cast %swap3A_593 : vector<1x16xi32> to vector<16xi32>
    %swap3A_595 = vector.shape_cast %add3A_589 : vector<16xi32> to vector<1x16xi32>
    tpu.vector_store %arg5[%swap3A_591, %swap3A_592], %swap3A_595 {strides = array<i32>} : memref<50x128xi32, #tpu.memory_space<vmem>>, vector<1x16xi32>,
    %get3A_596 = arith.constant 3 : i32
    %get3A_597 = arith.index_cast %get3A_596 : i32 to index
    %get3A_598 = arith.constant 32 : index
    %get3A_599 = tpu.vector_load %arg5[%get3A_597, %get3A_598] {strides = array<i32>} : memref<50x128xi32, #tpu.memory_space<vmem>>, vector<1x16xi32>,
    %get3A_600 = vector.shape_cast %get3A_599 : vector<1x16xi32> to vector<16xi32>
    %max3A_601 = arith.constant -2048 : i32
    %max3A_602 = vector.broadcast %max3A_601 : i32 to vector<16xi32>
    %max3A_603 = arith.maxsi %get3A_600, %max3A_602 : vector<16xi32>
    %min3A_604 = arith.constant 2048 : i32
    %min3A_605 = vector.broadcast %min3A_604 : i32 to vector<16xi32>
    %min3A_606 = arith.minsi %max3A_603, %min3A_605 : vector<16xi32>
    %add3A_607 = arith.constant 2048 : i32
    %add3A_608 = vector.broadcast %add3A_607 : i32 to vector<16xi32>
    %add3A_609 = arith.addi %min3A_606, %add3A_608 : vector<16xi32>
    %swap3A_610 = arith.constant 3 : i32
    %swap3A_611 = arith.index_cast %swap3A_610 : i32 to index
    %swap3A_612 = arith.constant 32 : index
    %swap3A_613 = tpu.vector_load %arg5[%swap3A_611, %swap3A_612] {strides = array<i32>} : memref<50x128xi32, #tpu.memory_space<vmem>>, vector<1x16xi32>,
    %swap3A_614 = vector.shape_cast %swap3A_613 : vector<1x16xi32> to vector<16xi32>
    %swap3A_615 = vector.shape_cast %add3A_609 : vector<16xi32> to vector<1x16xi32>
    tpu.vector_store %arg5[%swap3A_611, %swap3A_612], %swap3A_615 {strides = array<i32>} : memref<50x128xi32, #tpu.memory_space<vmem>>, vector<1x16xi32>,
    %get3A_616 = arith.constant 3 : i32
    %get3A_617 = arith.index_cast %get3A_616 : i32 to index
    %get3A_618 = arith.constant 48 : index
    %get3A_619 = tpu.vector_load %arg5[%get3A_617, %get3A_618] {strides = array<i32>} : memref<50x128xi32, #tpu.memory_space<vmem>>, vector<1x16xi32>,
    %get3A_620 = vector.shape_cast %get3A_619 : vector<1x16xi32> to vector<16xi32>
    %max3A_621 = arith.constant -2048 : i32
    %max3A_622 = vector.broadcast %max3A_621 : i32 to vector<16xi32>
    %max3A_623 = arith.maxsi %get3A_620, %max3A_622 : vector<16xi32>
    %min3A_624 = arith.constant 2048 : i32
    %min3A_625 = vector.broadcast %min3A_624 : i32 to vector<16xi32>
    %min3A_626 = arith.minsi %max3A_623, %min3A_625 : vector<16xi32>
    %add3A_627 = arith.constant 2048 : i32
    %add3A_628 = vector.broadcast %add3A_627 : i32 to vector<16xi32>
    %add3A_629 = arith.addi %min3A_626, %add3A_628 : vector<16xi32>
    %swap3A_630 = arith.constant 3 : i32
    %swap3A_631 = arith.index_cast %swap3A_630 : i32 to index
    %swap3A_632 = arith.constant 48 : index
    %swap3A_633 = tpu.vector_load %arg5[%swap3A_631, %swap3A_632] {strides = array<i32>} : memref<50x128xi32, #tpu.memory_space<vmem>>, vector<1x16xi32>,
    %swap3A_634 = vector.shape_cast %swap3A_633 : vector<1x16xi32> to vector<16xi32>
    %swap3A_635 = vector.shape_cast %add3A_629 : vector<16xi32> to vector<1x16xi32>
    tpu.vector_store %arg5[%swap3A_631, %swap3A_632], %swap3A_635 {strides = array<i32>} : memref<50x128xi32, #tpu.memory_space<vmem>>, vector<1x16xi32>,
    %get3A_636 = arith.constant 3 : i32
    %get3A_637 = arith.index_cast %get3A_636 : i32 to index
    %get3A_638 = arith.constant 64 : index
    %get3A_639 = tpu.vector_load %arg5[%get3A_637, %get3A_638] {strides = array<i32>} : memref<50x128xi32, #tpu.memory_space<vmem>>, vector<1x16xi32>,
    %get3A_640 = vector.shape_cast %get3A_639 : vector<1x16xi32> to vector<16xi32>
    %max3A_641 = arith.constant -2048 : i32
    %max3A_642 = vector.broadcast %max3A_641 : i32 to vector<16xi32>
    %max3A_643 = arith.maxsi %get3A_640, %max3A_642 : vector<16xi32>
    %min3A_644 = arith.constant 2048 : i32
    %min3A_645 = vector.broadcast %min3A_644 : i32 to vector<16xi32>
    %min3A_646 = arith.minsi %max3A_643, %min3A_645 : vector<16xi32>
    %add3A_647 = arith.constant 2048 : i32
    %add3A_648 = vector.broadcast %add3A_647 : i32 to vector<16xi32>
    %add3A_649 = arith.addi %min3A_646, %add3A_648 : vector<16xi32>
    %swap3A_650 = arith.constant 3 : i32
    %swap3A_651 = arith.index_cast %swap3A_650 : i32 to index
    %swap3A_652 = arith.constant 64 : index
    %swap3A_653 = tpu.vector_load %arg5[%swap3A_651, %swap3A_652] {strides = array<i32>} : memref<50x128xi32, #tpu.memory_space<vmem>>, vector<1x16xi32>,
    %swap3A_654 = vector.shape_cast %swap3A_653 : vector<1x16xi32> to vector<16xi32>
    %swap3A_655 = vector.shape_cast %add3A_649 : vector<16xi32> to vector<1x16xi32>
    tpu.vector_store %arg5[%swap3A_651, %swap3A_652], %swap3A_655 {strides = array<i32>} : memref<50x128xi32, #tpu.memory_space<vmem>>, vector<1x16xi32>,
    %get3A_656 = arith.constant 3 : i32
    %get3A_657 = arith.index_cast %get3A_656 : i32 to index
    %get3A_658 = arith.constant 80 : index
    %get3A_659 = tpu.vector_load %arg5[%get3A_657, %get3A_658] {strides = array<i32>} : memref<50x128xi32, #tpu.memory_space<vmem>>, vector<1x16xi32>,
    %get3A_660 = vector.shape_cast %get3A_659 : vector<1x16xi32> to vector<16xi32>
    %max3A_661 = arith.constant -2048 : i32
    %max3A_662 = vector.broadcast %max3A_661 : i32 to vector<16xi32>
    %max3A_663 = arith.maxsi %get3A_660, %max3A_662 : vector<16xi32>
    %min3A_664 = arith.constant 2048 : i32
    %min3A_665 = vector.broadcast %min3A_664 : i32 to vector<16xi32>
    %min3A_666 = arith.minsi %max3A_663, %min3A_665 : vector<16xi32>
    %add3A_667 = arith.constant 2048 : i32
    %add3A_668 = vector.broadcast %add3A_667 : i32 to vector<16xi32>
    %add3A_669 = arith.addi %min3A_666, %add3A_668 : vector<16xi32>
    %swap3A_670 = arith.constant 3 : i32
    %swap3A_671 = arith.index_cast %swap3A_670 : i32 to index
    %swap3A_672 = arith.constant 80 : index
    %swap3A_673 = tpu.vector_load %arg5[%swap3A_671, %swap3A_672] {strides = array<i32>} : memref<50x128xi32, #tpu.memory_space<vmem>>, vector<1x16xi32>,
    %swap3A_674 = vector.shape_cast %swap3A_673 : vector<1x16xi32> to vector<16xi32>
    %swap3A_675 = vector.shape_cast %add3A_669 : vector<16xi32> to vector<1x16xi32>
    tpu.vector_store %arg5[%swap3A_671, %swap3A_672], %swap3A_675 {strides = array<i32>} : memref<50x128xi32, #tpu.memory_space<vmem>>, vector<1x16xi32>,
    %get3A_676 = arith.constant 3 : i32
    %get3A_677 = arith.index_cast %get3A_676 : i32 to index
    %get3A_678 = arith.constant 96 : index
    %get3A_679 = tpu.vector_load %arg5[%get3A_677, %get3A_678] {strides = array<i32>} : memref<50x128xi32, #tpu.memory_space<vmem>>, vector<1x16xi32>,
    %get3A_680 = vector.shape_cast %get3A_679 : vector<1x16xi32> to vector<16xi32>
    %max3A_681 = arith.constant -2048 : i32
    %max3A_682 = vector.broadcast %max3A_681 : i32 to vector<16xi32>
    %max3A_683 = arith.maxsi %get3A_680, %max3A_682 : vector<16xi32>
    %min3A_684 = arith.constant 2048 : i32
    %min3A_685 = vector.broadcast %min3A_684 : i32 to vector<16xi32>
    %min3A_686 = arith.minsi %max3A_683, %min3A_685 : vector<16xi32>
    %add3A_687 = arith.constant 2048 : i32
    %add3A_688 = vector.broadcast %add3A_687 : i32 to vector<16xi32>
    %add3A_689 = arith.addi %min3A_686, %add3A_688 : vector<16xi32>
    %swap3A_690 = arith.constant 3 : i32
    %swap3A_691 = arith.index_cast %swap3A_690 : i32 to index
    %swap3A_692 = arith.constant 96 : index
    %swap3A_693 = tpu.vector_load %arg5[%swap3A_691, %swap3A_692] {strides = array<i32>} : memref<50x128xi32, #tpu.memory_space<vmem>>, vector<1x16xi32>,
    %swap3A_694 = vector.shape_cast %swap3A_693 : vector<1x16xi32> to vector<16xi32>
    %swap3A_695 = vector.shape_cast %add3A_689 : vector<16xi32> to vector<1x16xi32>
    tpu.vector_store %arg5[%swap3A_691, %swap3A_692], %swap3A_695 {strides = array<i32>} : memref<50x128xi32, #tpu.memory_space<vmem>>, vector<1x16xi32>,
    %get3A_696 = arith.constant 3 : i32
    %get3A_697 = arith.index_cast %get3A_696 : i32 to index
    %get3A_698 = arith.constant 112 : index
    %get3A_699 = tpu.vector_load %arg5[%get3A_697, %get3A_698] {strides = array<i32>} : memref<50x128xi32, #tpu.memory_space<vmem>>, vector<1x16xi32>,
    %get3A_700 = vector.shape_cast %get3A_699 : vector<1x16xi32> to vector<16xi32>
    %max3A_701 = arith.constant -2048 : i32
    %max3A_702 = vector.broadcast %max3A_701 : i32 to vector<16xi32>
    %max3A_703 = arith.maxsi %get3A_700, %max3A_702 : vector<16xi32>
    %min3A_704 = arith.constant 2048 : i32
    %min3A_705 = vector.broadcast %min3A_704 : i32 to vector<16xi32>
    %min3A_706 = arith.minsi %max3A_703, %min3A_705 : vector<16xi32>
    %add3A_707 = arith.constant 2048 : i32
    %add3A_708 = vector.broadcast %add3A_707 : i32 to vector<16xi32>
    %add3A_709 = arith.addi %min3A_706, %add3A_708 : vector<16xi32>
    %swap3A_710 = arith.constant 3 : i32
    %swap3A_711 = arith.index_cast %swap3A_710 : i32 to index
    %swap3A_712 = arith.constant 112 : index
    %swap3A_713 = tpu.vector_load %arg5[%swap3A_711, %swap3A_712] {strides = array<i32>} : memref<50x128xi32, #tpu.memory_space<vmem>>, vector<1x16xi32>,
    %swap3A_714 = vector.shape_cast %swap3A_713 : vector<1x16xi32> to vector<16xi32>
    %swap3A_715 = vector.shape_cast %add3A_709 : vector<16xi32> to vector<1x16xi32>
    tpu.vector_store %arg5[%swap3A_711, %swap3A_712], %swap3A_715 {strides = array<i32>} : memref<50x128xi32, #tpu.memory_space<vmem>>, vector<1x16xi32>,
    %dma_start3A_716 = arith.constant 3 : i32
    %dma_start3A_717 = arith.constant 3 : i32
    %dma_start3A_718 = arith.constant 3 : i32
    %dma_start3A_719 = arith.constant 0 : i32
    %dma_start3A_720 = arith.constant 0 : i32
    %dma_start3A_721 = tpu.memref_slice %arg6[%dma_start3A_717, %dma_start3A_719, %dma_start3A_720] : memref<5x128x128xf32, #tpu.memory_space<vmem>> -> memref<1x128x128xf32, #tpu.memory_space<vmem>>
    %dma_start3A_722 = tpu.memref_squeeze %dma_start3A_721 : memref<1x128x128xf32, #tpu.memory_space<vmem>> -> memref<128x128xf32, #tpu.memory_space<vmem>>
    %dma_start3A_723 = arith.constant 0 : i32
    %dma_start3A_724 = tpu.memref_slice %arg5[%dma_start3A_716, %dma_start3A_723] : memref<50x128xi32, #tpu.memory_space<vmem>> -> memref<1x128xi32, #tpu.memory_space<vmem>>
    %dma_start3A_725 = tpu.memref_squeeze %dma_start3A_724 : memref<1x128xi32, #tpu.memory_space<vmem>> -> memref<128xi32, #tpu.memory_space<vmem>>
    %dma_start3A_726 = arith.constant 0 : i32
    %dma_start3A_727 = arith.constant 0 : i32
    %dma_start3A_728 = tpu.memref_slice %arg7[%dma_start3A_726, %dma_start3A_727] : memref<4097x128xf32, #tpu.memory_space<vmem_shared>> -> memref<4097x128xf32, #tpu.memory_space<vmem_shared>>
    %dma_start3A_729 = tpu.memref_slice %arg8[%dma_start3A_718] : memref<5x!tpu.dma_semaphore, #tpu.memory_space<semaphore_mem>> -> memref<1x!tpu.dma_semaphore, #tpu.memory_space<semaphore_mem>>
    %dma_start3A_730 = tpu.memref_squeeze %dma_start3A_729 : memref<1x!tpu.dma_semaphore, #tpu.memory_space<semaphore_mem>> -> memref<!tpu.dma_semaphore, #tpu.memory_space<semaphore_mem>>
    tpu.enqueue_indirect_dma source(%dma_start3A_728 : memref<4097x128xf32, #tpu.memory_space<vmem_shared>>) target(%dma_start3A_722 : memref<128x128xf32, #tpu.memory_space<vmem>>) offsets(%dma_start3A_725 : memref<128xi32, #tpu.memory_space<vmem>>) semaphore(%dma_start3A_730 : memref<!tpu.dma_semaphore, #tpu.memory_space<semaphore_mem>>)
    %get3A_731 = arith.constant 4 : i32
    %get3A_732 = arith.index_cast %get3A_731 : i32 to index
    %get3A_733 = arith.constant 0 : index
    %get3A_734 = tpu.vector_load %arg5[%get3A_732, %get3A_733] {strides = array<i32>} : memref<50x128xi32, #tpu.memory_space<vmem>>, vector<1x16xi32>,
    %get3A_735 = vector.shape_cast %get3A_734 : vector<1x16xi32> to vector<16xi32>
    %max3A_736 = arith.constant -2048 : i32
    %max3A_737 = vector.broadcast %max3A_736 : i32 to vector<16xi32>
    %max3A_738 = arith.maxsi %get3A_735, %max3A_737 : vector<16xi32>
    %min3A_739 = arith.constant 2048 : i32
    %min3A_740 = vector.broadcast %min3A_739 : i32 to vector<16xi32>
    %min3A_741 = arith.minsi %max3A_738, %min3A_740 : vector<16xi32>
    %add3A_742 = arith.constant 2048 : i32
    %add3A_743 = vector.broadcast %add3A_742 : i32 to vector<16xi32>
    %add3A_744 = arith.addi %min3A_741, %add3A_743 : vector<16xi32>
    %swap3A_745 = arith.constant 4 : i32
    %swap3A_746 = arith.index_cast %swap3A_745 : i32 to index
    %swap3A_747 = arith.constant 0 : index
    %swap3A_748 = tpu.vector_load %arg5[%swap3A_746, %swap3A_747] {strides = array<i32>} : memref<50x128xi32, #tpu.memory_space<vmem>>, vector<1x16xi32>,
    %swap3A_749 = vector.shape_cast %swap3A_748 : vector<1x16xi32> to vector<16xi32>
    %swap3A_750 = vector.shape_cast %add3A_744 : vector<16xi32> to vector<1x16xi32>
    tpu.vector_store %arg5[%swap3A_746, %swap3A_747], %swap3A_750 {strides = array<i32>} : memref<50x128xi32, #tpu.memory_space<vmem>>, vector<1x16xi32>,
    %get3A_751 = arith.constant 4 : i32
    %get3A_752 = arith.index_cast %get3A_751 : i32 to index
    %get3A_753 = arith.constant 16 : index
    %get3A_754 = tpu.vector_load %arg5[%get3A_752, %get3A_753] {strides = array<i32>} : memref<50x128xi32, #tpu.memory_space<vmem>>, vector<1x16xi32>,
    %get3A_755 = vector.shape_cast %get3A_754 : vector<1x16xi32> to vector<16xi32>
    %max3A_756 = arith.constant -2048 : i32
    %max3A_757 = vector.broadcast %max3A_756 : i32 to vector<16xi32>
    %max3A_758 = arith.maxsi %get3A_755, %max3A_757 : vector<16xi32>
    %min3A_759 = arith.constant 2048 : i32
    %min3A_760 = vector.broadcast %min3A_759 : i32 to vector<16xi32>
    %min3A_761 = arith.minsi %max3A_758, %min3A_760 : vector<16xi32>
    %add3A_762 = arith.constant 2048 : i32
    %add3A_763 = vector.broadcast %add3A_762 : i32 to vector<16xi32>
    %add3A_764 = arith.addi %min3A_761, %add3A_763 : vector<16xi32>
    %swap3A_765 = arith.constant 4 : i32
    %swap3A_766 = arith.index_cast %swap3A_765 : i32 to index
    %swap3A_767 = arith.constant 16 : index
    %swap3A_768 = tpu.vector_load %arg5[%swap3A_766, %swap3A_767] {strides = array<i32>} : memref<50x128xi32, #tpu.memory_space<vmem>>, vector<1x16xi32>,
    %swap3A_769 = vector.shape_cast %swap3A_768 : vector<1x16xi32> to vector<16xi32>
    %swap3A_770 = vector.shape_cast %add3A_764 : vector<16xi32> to vector<1x16xi32>
    tpu.vector_store %arg5[%swap3A_766, %swap3A_767], %swap3A_770 {strides = array<i32>} : memref<50x128xi32, #tpu.memory_space<vmem>>, vector<1x16xi32>,
    %get3A_771 = arith.constant 4 : i32
    %get3A_772 = arith.index_cast %get3A_771 : i32 to index
    %get3A_773 = arith.constant 32 : index
    %get3A_774 = tpu.vector_load %arg5[%get3A_772, %get3A_773] {strides = array<i32>} : memref<50x128xi32, #tpu.memory_space<vmem>>, vector<1x16xi32>,
    %get3A_775 = vector.shape_cast %get3A_774 : vector<1x16xi32> to vector<16xi32>
    %max3A_776 = arith.constant -2048 : i32
    %max3A_777 = vector.broadcast %max3A_776 : i32 to vector<16xi32>
    %max3A_778 = arith.maxsi %get3A_775, %max3A_777 : vector<16xi32>
    %min3A_779 = arith.constant 2048 : i32
    %min3A_780 = vector.broadcast %min3A_779 : i32 to vector<16xi32>
    %min3A_781 = arith.minsi %max3A_778, %min3A_780 : vector<16xi32>
    %add3A_782 = arith.constant 2048 : i32
    %add3A_783 = vector.broadcast %add3A_782 : i32 to vector<16xi32>
    %add3A_784 = arith.addi %min3A_781, %add3A_783 : vector<16xi32>
    %swap3A_785 = arith.constant 4 : i32
    %swap3A_786 = arith.index_cast %swap3A_785 : i32 to index
    %swap3A_787 = arith.constant 32 : index
    %swap3A_788 = tpu.vector_load %arg5[%swap3A_786, %swap3A_787] {strides = array<i32>} : memref<50x128xi32, #tpu.memory_space<vmem>>, vector<1x16xi32>,
    %swap3A_789 = vector.shape_cast %swap3A_788 : vector<1x16xi32> to vector<16xi32>
    %swap3A_790 = vector.shape_cast %add3A_784 : vector<16xi32> to vector<1x16xi32>
    tpu.vector_store %arg5[%swap3A_786, %swap3A_787], %swap3A_790 {strides = array<i32>} : memref<50x128xi32, #tpu.memory_space<vmem>>, vector<1x16xi32>,
    %get3A_791 = arith.constant 4 : i32
    %get3A_792 = arith.index_cast %get3A_791 : i32 to index
    %get3A_793 = arith.constant 48 : index
    %get3A_794 = tpu.vector_load %arg5[%get3A_792, %get3A_793] {strides = array<i32>} : memref<50x128xi32, #tpu.memory_space<vmem>>, vector<1x16xi32>,
    %get3A_795 = vector.shape_cast %get3A_794 : vector<1x16xi32> to vector<16xi32>
    %max3A_796 = arith.constant -2048 : i32
    %max3A_797 = vector.broadcast %max3A_796 : i32 to vector<16xi32>
    %max3A_798 = arith.maxsi %get3A_795, %max3A_797 : vector<16xi32>
    %min3A_799 = arith.constant 2048 : i32
    %min3A_800 = vector.broadcast %min3A_799 : i32 to vector<16xi32>
    %min3A_801 = arith.minsi %max3A_798, %min3A_800 : vector<16xi32>
    %add3A_802 = arith.constant 2048 : i32
    %add3A_803 = vector.broadcast %add3A_802 : i32 to vector<16xi32>
    %add3A_804 = arith.addi %min3A_801, %add3A_803 : vector<16xi32>
    %swap3A_805 = arith.constant 4 : i32
    %swap3A_806 = arith.index_cast %swap3A_805 : i32 to index
    %swap3A_807 = arith.constant 48 : index
    %swap3A_808 = tpu.vector_load %arg5[%swap3A_806, %swap3A_807] {strides = array<i32>} : memref<50x128xi32, #tpu.memory_space<vmem>>, vector<1x16xi32>,
    %swap3A_809 = vector.shape_cast %swap3A_808 : vector<1x16xi32> to vector<16xi32>
    %swap3A_810 = vector.shape_cast %add3A_804 : vector<16xi32> to vector<1x16xi32>
    tpu.vector_store %arg5[%swap3A_806, %swap3A_807], %swap3A_810 {strides = array<i32>} : memref<50x128xi32, #tpu.memory_space<vmem>>, vector<1x16xi32>,
    %get3A_811 = arith.constant 4 : i32
    %get3A_812 = arith.index_cast %get3A_811 : i32 to index
    %get3A_813 = arith.constant 64 : index
    %get3A_814 = tpu.vector_load %arg5[%get3A_812, %get3A_813] {strides = array<i32>} : memref<50x128xi32, #tpu.memory_space<vmem>>, vector<1x16xi32>,
    %get3A_815 = vector.shape_cast %get3A_814 : vector<1x16xi32> to vector<16xi32>
    %max3A_816 = arith.constant -2048 : i32
    %max3A_817 = vector.broadcast %max3A_816 : i32 to vector<16xi32>
    %max3A_818 = arith.maxsi %get3A_815, %max3A_817 : vector<16xi32>
    %min3A_819 = arith.constant 2048 : i32
    %min3A_820 = vector.broadcast %min3A_819 : i32 to vector<16xi32>
    %min3A_821 = arith.minsi %max3A_818, %min3A_820 : vector<16xi32>
    %add3A_822 = arith.constant 2048 : i32
    %add3A_823 = vector.broadcast %add3A_822 : i32 to vector<16xi32>
    %add3A_824 = arith.addi %min3A_821, %add3A_823 : vector<16xi32>
    %swap3A_825 = arith.constant 4 : i32
    %swap3A_826 = arith.index_cast %swap3A_825 : i32 to index
    %swap3A_827 = arith.constant 64 : index
    %swap3A_828 = tpu.vector_load %arg5[%swap3A_826, %swap3A_827] {strides = array<i32>} : memref<50x128xi32, #tpu.memory_space<vmem>>, vector<1x16xi32>,
    %swap3A_829 = vector.shape_cast %swap3A_828 : vector<1x16xi32> to vector<16xi32>
    %swap3A_830 = vector.shape_cast %add3A_824 : vector<16xi32> to vector<1x16xi32>
    tpu.vector_store %arg5[%swap3A_826, %swap3A_827], %swap3A_830 {strides = array<i32>} : memref<50x128xi32, #tpu.memory_space<vmem>>, vector<1x16xi32>,
    %get3A_831 = arith.constant 4 : i32
    %get3A_832 = arith.index_cast %get3A_831 : i32 to index
    %get3A_833 = arith.constant 80 : index
    %get3A_834 = tpu.vector_load %arg5[%get3A_832, %get3A_833] {strides = array<i32>} : memref<50x128xi32, #tpu.memory_space<vmem>>, vector<1x16xi32>,
    %get3A_835 = vector.shape_cast %get3A_834 : vector<1x16xi32> to vector<16xi32>
    %max3A_836 = arith.constant -2048 : i32
    %max3A_837 = vector.broadcast %max3A_836 : i32 to vector<16xi32>
    %max3A_838 = arith.maxsi %get3A_835, %max3A_837 : vector<16xi32>
    %min3A_839 = arith.constant 2048 : i32
    %min3A_840 = vector.broadcast %min3A_839 : i32 to vector<16xi32>
    %min3A_841 = arith.minsi %max3A_838, %min3A_840 : vector<16xi32>
    %add3A_842 = arith.constant 2048 : i32
    %add3A_843 = vector.broadcast %add3A_842 : i32 to vector<16xi32>
    %add3A_844 = arith.addi %min3A_841, %add3A_843 : vector<16xi32>
    %swap3A_845 = arith.constant 4 : i32
    %swap3A_846 = arith.index_cast %swap3A_845 : i32 to index
    %swap3A_847 = arith.constant 80 : index
    %swap3A_848 = tpu.vector_load %arg5[%swap3A_846, %swap3A_847] {strides = array<i32>} : memref<50x128xi32, #tpu.memory_space<vmem>>, vector<1x16xi32>,
    %swap3A_849 = vector.shape_cast %swap3A_848 : vector<1x16xi32> to vector<16xi32>
    %swap3A_850 = vector.shape_cast %add3A_844 : vector<16xi32> to vector<1x16xi32>
    tpu.vector_store %arg5[%swap3A_846, %swap3A_847], %swap3A_850 {strides = array<i32>} : memref<50x128xi32, #tpu.memory_space<vmem>>, vector<1x16xi32>,
    %get3A_851 = arith.constant 4 : i32
    %get3A_852 = arith.index_cast %get3A_851 : i32 to index
    %get3A_853 = arith.constant 96 : index
    %get3A_854 = tpu.vector_load %arg5[%get3A_852, %get3A_853] {strides = array<i32>} : memref<50x128xi32, #tpu.memory_space<vmem>>, vector<1x16xi32>,
    %get3A_855 = vector.shape_cast %get3A_854 : vector<1x16xi32> to vector<16xi32>
    %max3A_856 = arith.constant -2048 : i32
    %max3A_857 = vector.broadcast %max3A_856 : i32 to vector<16xi32>
    %max3A_858 = arith.maxsi %get3A_855, %max3A_857 : vector<16xi32>
    %min3A_859 = arith.constant 2048 : i32
    %min3A_860 = vector.broadcast %min3A_859 : i32 to vector<16xi32>
    %min3A_861 = arith.minsi %max3A_858, %min3A_860 : vector<16xi32>
    %add3A_862 = arith.constant 2048 : i32
    %add3A_863 = vector.broadcast %add3A_862 : i32 to vector<16xi32>
    %add3A_864 = arith.addi %min3A_861, %add3A_863 : vector<16xi32>
    %swap3A_865 = arith.constant 4 : i32
    %swap3A_866 = arith.index_cast %swap3A_865 : i32 to index
    %swap3A_867 = arith.constant 96 : index
    %swap3A_868 = tpu.vector_load %arg5[%swap3A_866, %swap3A_867] {strides = array<i32>} : memref<50x128xi32, #tpu.memory_space<vmem>>, vector<1x16xi32>,
    %swap3A_869 = vector.shape_cast %swap3A_868 : vector<1x16xi32> to vector<16xi32>
    %swap3A_870 = vector.shape_cast %add3A_864 : vector<16xi32> to vector<1x16xi32>
    tpu.vector_store %arg5[%swap3A_866, %swap3A_867], %swap3A_870 {strides = array<i32>} : memref<50x128xi32, #tpu.memory_space<vmem>>, vector<1x16xi32>,
    %get3A_871 = arith.constant 4 : i32
    %get3A_872 = arith.index_cast %get3A_871 : i32 to index
    %get3A_873 = arith.constant 112 : index
    %get3A_874 = tpu.vector_load %arg5[%get3A_872, %get3A_873] {strides = array<i32>} : memref<50x128xi32, #tpu.memory_space<vmem>>, vector<1x16xi32>,
    %get3A_875 = vector.shape_cast %get3A_874 : vector<1x16xi32> to vector<16xi32>
    %max3A_876 = arith.constant -2048 : i32
    %max3A_877 = vector.broadcast %max3A_876 : i32 to vector<16xi32>
    %max3A_878 = arith.maxsi %get3A_875, %max3A_877 : vector<16xi32>
    %min3A_879 = arith.constant 2048 : i32
    %min3A_880 = vector.broadcast %min3A_879 : i32 to vector<16xi32>
    %min3A_881 = arith.minsi %max3A_878, %min3A_880 : vector<16xi32>
    %add3A_882 = arith.constant 2048 : i32
    %add3A_883 = vector.broadcast %add3A_882 : i32 to vector<16xi32>
    %add3A_884 = arith.addi %min3A_881, %add3A_883 : vector<16xi32>
    %swap3A_885 = arith.constant 4 : i32
    %swap3A_886 = arith.index_cast %swap3A_885 : i32 to index
    %swap3A_887 = arith.constant 112 : index
    %swap3A_888 = tpu.vector_load %arg5[%swap3A_886, %swap3A_887] {strides = array<i32>} : memref<50x128xi32, #tpu.memory_space<vmem>>, vector<1x16xi32>,
    %swap3A_889 = vector.shape_cast %swap3A_888 : vector<1x16xi32> to vector<16xi32>
    %swap3A_890 = vector.shape_cast %add3A_884 : vector<16xi32> to vector<1x16xi32>
    tpu.vector_store %arg5[%swap3A_886, %swap3A_887], %swap3A_890 {strides = array<i32>} : memref<50x128xi32, #tpu.memory_space<vmem>>, vector<1x16xi32>,
    %dma_start3A_891 = arith.constant 4 : i32
    %dma_start3A_892 = arith.constant 4 : i32
    %dma_start3A_893 = arith.constant 4 : i32
    %dma_start3A_894 = arith.constant 0 : i32
    %dma_start3A_895 = arith.constant 0 : i32
    %dma_start3A_896 = tpu.memref_slice %arg6[%dma_start3A_892, %dma_start3A_894, %dma_start3A_895] : memref<5x128x128xf32, #tpu.memory_space<vmem>> -> memref<1x128x128xf32, #tpu.memory_space<vmem>>
    %dma_start3A_897 = tpu.memref_squeeze %dma_start3A_896 : memref<1x128x128xf32, #tpu.memory_space<vmem>> -> memref<128x128xf32, #tpu.memory_space<vmem>>
    %dma_start3A_898 = arith.constant 0 : i32
    %dma_start3A_899 = tpu.memref_slice %arg5[%dma_start3A_891, %dma_start3A_898] : memref<50x128xi32, #tpu.memory_space<vmem>> -> memref<1x128xi32, #tpu.memory_space<vmem>>
    %dma_start3A_900 = tpu.memref_squeeze %dma_start3A_899 : memref<1x128xi32, #tpu.memory_space<vmem>> -> memref<128xi32, #tpu.memory_space<vmem>>
    %dma_start3A_901 = arith.constant 0 : i32
    %dma_start3A_902 = arith.constant 0 : i32
    %dma_start3A_903 = tpu.memref_slice %arg7[%dma_start3A_901, %dma_start3A_902] : memref<4097x128xf32, #tpu.memory_space<vmem_shared>> -> memref<4097x128xf32, #tpu.memory_space<vmem_shared>>
    %dma_start3A_904 = tpu.memref_slice %arg8[%dma_start3A_893] : memref<5x!tpu.dma_semaphore, #tpu.memory_space<semaphore_mem>> -> memref<1x!tpu.dma_semaphore, #tpu.memory_space<semaphore_mem>>
    %dma_start3A_905 = tpu.memref_squeeze %dma_start3A_904 : memref<1x!tpu.dma_semaphore, #tpu.memory_space<semaphore_mem>> -> memref<!tpu.dma_semaphore, #tpu.memory_space<semaphore_mem>>
    tpu.enqueue_indirect_dma source(%dma_start3A_903 : memref<4097x128xf32, #tpu.memory_space<vmem_shared>>) target(%dma_start3A_897 : memref<128x128xf32, #tpu.memory_space<vmem>>) offsets(%dma_start3A_900 : memref<128xi32, #tpu.memory_space<vmem>>) semaphore(%dma_start3A_905 : memref<!tpu.dma_semaphore, #tpu.memory_space<semaphore_mem>>)
    %scan3A = arith.constant 0 : i32
    %scan3A_906 = arith.constant 9 : i32
    %scan3A_907 = arith.addi %scan3A, %scan3A_906 : i32
    %scan3A_908 = arith.constant 1 : i32
    scf.for %scan3A_1175 = %scan3A to %scan3A_907 step %scan3A_908  : i32 {
      %mul3A_1176 = arith.constant 5 : i32
      %mul3A_1177 = arith.muli %scan3A_1175, %mul3A_1176 : i32
      %add3A_1178 = arith.constant 0 : i32
      %add3A_1179 = arith.addi %mul3A_1177, %add3A_1178 : i32
      %dma_wait3A_1180 = arith.constant 0 : i32
      %dma_wait3A_1181 = arith.constant 0 : i32
      %dma_wait3A_1182 = arith.constant 0 : i32
      %dma_wait3A_1183 = arith.constant 0 : i32
      %dma_wait3A_1184 = tpu.memref_slice %arg6[%dma_wait3A_1180, %dma_wait3A_1182, %dma_wait3A_1183] : memref<5x128x128xf32, #tpu.memory_space<vmem>> -> memref<1x128x128xf32, #tpu.memory_space<vmem>>
      %dma_wait3A_1185 = tpu.memref_squeeze %dma_wait3A_1184 : memref<1x128x128xf32, #tpu.memory_space<vmem>> -> memref<128x128xf32, #tpu.memory_space<vmem>>
      %dma_wait3A_1186 = arith.constant 0 : i32
      %dma_wait3A_1187 = tpu.memref_slice %arg5[%add3A_1179, %dma_wait3A_1186] : memref<50x128xi32, #tpu.memory_space<vmem>> -> memref<1x128xi32, #tpu.memory_space<vmem>>
      %dma_wait3A_1188 = tpu.memref_squeeze %dma_wait3A_1187 : memref<1x128xi32, #tpu.memory_space<vmem>> -> memref<128xi32, #tpu.memory_space<vmem>>
      %dma_wait3A_1189 = arith.constant 0 : i32
      %dma_wait3A_1190 = arith.constant 0 : i32
      %dma_wait3A_1191 = tpu.memref_slice %arg7[%dma_wait3A_1189, %dma_wait3A_1190] : memref<4097x128xf32, #tpu.memory_space<vmem_shared>> -> memref<4097x128xf32, #tpu.memory_space<vmem_shared>>
      %dma_wait3A_1192 = tpu.memref_slice %arg8[%dma_wait3A_1181] : memref<5x!tpu.dma_semaphore, #tpu.memory_space<semaphore_mem>> -> memref<1x!tpu.dma_semaphore, #tpu.memory_space<semaphore_mem>>
      %dma_wait3A_1193 = tpu.memref_squeeze %dma_wait3A_1192 : memref<1x!tpu.dma_semaphore, #tpu.memory_space<semaphore_mem>> -> memref<!tpu.dma_semaphore, #tpu.memory_space<semaphore_mem>>
      tpu.wait_indirect_dma semaphore(%dma_wait3A_1193 : memref<!tpu.dma_semaphore, #tpu.memory_space<semaphore_mem>>) src(%dma_wait3A_1191 : memref<4097x128xf32, #tpu.memory_space<vmem_shared>>) dst(%dma_wait3A_1185 : memref<128x128xf32, #tpu.memory_space<vmem>>)
      %add3A_1194 = arith.constant 0 : i32
      %add3A_1195 = arith.addi %mul3A_1177, %add3A_1194 : i32
      %dma_start3A_1196 = arith.constant 0 : i32
      %dma_start3A_1197 = arith.constant 0 : i32
      %dma_start3A_1198 = arith.constant 0 : i32
      %dma_start3A_1199 = arith.constant 0 : i32
      %dma_start3A_1200 = tpu.memref_slice %arg6[%dma_start3A_1196, %dma_start3A_1198, %dma_start3A_1199] : memref<5x128x128xf32, #tpu.memory_space<vmem>> -> memref<1x128x128xf32, #tpu.memory_space<vmem>>
      %dma_start3A_1201 = tpu.memref_squeeze %dma_start3A_1200 : memref<1x128x128xf32, #tpu.memory_space<vmem>> -> memref<128x128xf32, #tpu.memory_space<vmem>>
      %dma_start3A_1202 = arith.constant 0 : i32
      %dma_start3A_1203 = tpu.memref_slice %arg4[%add3A_1195, %mul3A_2, %dma_start3A_1202] : memref<50x4096x128xf32, #tpu.memory_space<hbm>> -> memref<1x128x128xf32, #tpu.memory_space<hbm>>
      %dma_start3A_1204 = tpu.memref_squeeze %dma_start3A_1203 : memref<1x128x128xf32, #tpu.memory_space<hbm>> -> memref<128x128xf32, #tpu.memory_space<hbm>>
      %dma_start3A_1205 = tpu.memref_slice %arg9[%dma_start3A_1197] : memref<5x!tpu.dma_semaphore, #tpu.memory_space<semaphore_mem>> -> memref<1x!tpu.dma_semaphore, #tpu.memory_space<semaphore_mem>>
      %dma_start3A_1206 = tpu.memref_squeeze %dma_start3A_1205 : memref<1x!tpu.dma_semaphore, #tpu.memory_space<semaphore_mem>> -> memref<!tpu.dma_semaphore, #tpu.memory_space<semaphore_mem>>
      %dma_start3A_1207 = arith.constant 0 : i32
      %dma_start3A_1208 = tpu.memref_slice %arg4[%add3A_1195, %mul3A_2, %dma_start3A_1207] : memref<50x4096x128xf32, #tpu.memory_space<hbm>> -> memref<1x128x128xf32, #tpu.memory_space<hbm>>
      %dma_start3A_1209 = tpu.memref_squeeze %dma_start3A_1208 : memref<1x128x128xf32, #tpu.memory_space<hbm>> -> memref<128x128xf32, #tpu.memory_space<hbm>>
      %dma_start3A_1210 = arith.constant 0 : i32
      %dma_start3A_1211 = arith.constant 0 : i32
      %dma_start3A_1212 = tpu.memref_slice %arg6[%dma_start3A_1196, %dma_start3A_1210, %dma_start3A_1211] : memref<5x128x128xf32, #tpu.memory_space<vmem>> -> memref<1x128x128xf32, #tpu.memory_space<vmem>>
      %dma_start3A_1213 = tpu.memref_squeeze %dma_start3A_1212 : memref<1x128x128xf32, #tpu.memory_space<vmem>> -> memref<128x128xf32, #tpu.memory_space<vmem>>
      tpu.enqueue_dma source(%dma_start3A_1213 : memref<128x128xf32, #tpu.memory_space<vmem>>) target(%dma_start3A_1209 : memref<128x128xf32, #tpu.memory_space<hbm>>) target_semaphore(%dma_start3A_1206 : memref<!tpu.dma_semaphore, #tpu.memory_space<semaphore_mem>>)
      %add3A_1214 = arith.constant 1 : i32
      %add3A_1215 = arith.addi %mul3A_1177, %add3A_1214 : i32
      %dma_wait3A_1216 = arith.constant 1 : i32
      %dma_wait3A_1217 = arith.constant 1 : i32
      %dma_wait3A_1218 = arith.constant 0 : i32
      %dma_wait3A_1219 = arith.constant 0 : i32
      %dma_wait3A_1220 = tpu.memref_slice %arg6[%dma_wait3A_1216, %dma_wait3A_1218, %dma_wait3A_1219] : memref<5x128x128xf32, #tpu.memory_space<vmem>> -> memref<1x128x128xf32, #tpu.memory_space<vmem>>
      %dma_wait3A_1221 = tpu.memref_squeeze %dma_wait3A_1220 : memref<1x128x128xf32, #tpu.memory_space<vmem>> -> memref<128x128xf32, #tpu.memory_space<vmem>>
      %dma_wait3A_1222 = arith.constant 0 : i32
      %dma_wait3A_1223 = tpu.memref_slice %arg5[%add3A_1215, %dma_wait3A_1222] : memref<50x128xi32, #tpu.memory_space<vmem>> -> memref<1x128xi32, #tpu.memory_space<vmem>>
      %dma_wait3A_1224 = tpu.memref_squeeze %dma_wait3A_1223 : memref<1x128xi32, #tpu.memory_space<vmem>> -> memref<128xi32, #tpu.memory_space<vmem>>
      %dma_wait3A_1225 = arith.constant 0 : i32
      %dma_wait3A_1226 = arith.constant 0 : i32
      %dma_wait3A_1227 = tpu.memref_slice %arg7[%dma_wait3A_1225, %dma_wait3A_1226] : memref<4097x128xf32, #tpu.memory_space<vmem_shared>> -> memref<4097x128xf32, #tpu.memory_space<vmem_shared>>
      %dma_wait3A_1228 = tpu.memref_slice %arg8[%dma_wait3A_1217] : memref<5x!tpu.dma_semaphore, #tpu.memory_space<semaphore_mem>> -> memref<1x!tpu.dma_semaphore, #tpu.memory_space<semaphore_mem>>
      %dma_wait3A_1229 = tpu.memref_squeeze %dma_wait3A_1228 : memref<1x!tpu.dma_semaphore, #tpu.memory_space<semaphore_mem>> -> memref<!tpu.dma_semaphore, #tpu.memory_space<semaphore_mem>>
      tpu.wait_indirect_dma semaphore(%dma_wait3A_1229 : memref<!tpu.dma_semaphore, #tpu.memory_space<semaphore_mem>>) src(%dma_wait3A_1227 : memref<4097x128xf32, #tpu.memory_space<vmem_shared>>) dst(%dma_wait3A_1221 : memref<128x128xf32, #tpu.memory_space<vmem>>)
      %add3A_1230 = arith.constant 1 : i32
      %add3A_1231 = arith.addi %mul3A_1177, %add3A_1230 : i32
      %dma_start3A_1232 = arith.constant 1 : i32
      %dma_start3A_1233 = arith.constant 1 : i32
      %dma_start3A_1234 = arith.constant 0 : i32
      %dma_start3A_1235 = arith.constant 0 : i32
      %dma_start3A_1236 = tpu.memref_slice %arg6[%dma_start3A_1232, %dma_start3A_1234, %dma_start3A_1235] : memref<5x128x128xf32, #tpu.memory_space<vmem>> -> memref<1x128x128xf32, #tpu.memory_space<vmem>>
      %dma_start3A_1237 = tpu.memref_squeeze %dma_start3A_1236 : memref<1x128x128xf32, #tpu.memory_space<vmem>> -> memref<128x128xf32, #tpu.memory_space<vmem>>
      %dma_start3A_1238 = arith.constant 0 : i32
      %dma_start3A_1239 = tpu.memref_slice %arg4[%add3A_1231, %mul3A_2, %dma_start3A_1238] : memref<50x4096x128xf32, #tpu.memory_space<hbm>> -> memref<1x128x128xf32, #tpu.memory_space<hbm>>
      %dma_start3A_1240 = tpu.memref_squeeze %dma_start3A_1239 : memref<1x128x128xf32, #tpu.memory_space<hbm>> -> memref<128x128xf32, #tpu.memory_space<hbm>>
      %dma_start3A_1241 = tpu.memref_slice %arg9[%dma_start3A_1233] : memref<5x!tpu.dma_semaphore, #tpu.memory_space<semaphore_mem>> -> memref<1x!tpu.dma_semaphore, #tpu.memory_space<semaphore_mem>>
      %dma_start3A_1242 = tpu.memref_squeeze %dma_start3A_1241 : memref<1x!tpu.dma_semaphore, #tpu.memory_space<semaphore_mem>> -> memref<!tpu.dma_semaphore, #tpu.memory_space<semaphore_mem>>
      %dma_start3A_1243 = arith.constant 0 : i32
      %dma_start3A_1244 = tpu.memref_slice %arg4[%add3A_1231, %mul3A_2, %dma_start3A_1243] : memref<50x4096x128xf32, #tpu.memory_space<hbm>> -> memref<1x128x128xf32, #tpu.memory_space<hbm>>
      %dma_start3A_1245 = tpu.memref_squeeze %dma_start3A_1244 : memref<1x128x128xf32, #tpu.memory_space<hbm>> -> memref<128x128xf32, #tpu.memory_space<hbm>>
      %dma_start3A_1246 = arith.constant 0 : i32
      %dma_start3A_1247 = arith.constant 0 : i32
      %dma_start3A_1248 = tpu.memref_slice %arg6[%dma_start3A_1232, %dma_start3A_1246, %dma_start3A_1247] : memref<5x128x128xf32, #tpu.memory_space<vmem>> -> memref<1x128x128xf32, #tpu.memory_space<vmem>>
      %dma_start3A_1249 = tpu.memref_squeeze %dma_start3A_1248 : memref<1x128x128xf32, #tpu.memory_space<vmem>> -> memref<128x128xf32, #tpu.memory_space<vmem>>
      tpu.enqueue_dma source(%dma_start3A_1249 : memref<128x128xf32, #tpu.memory_space<vmem>>) target(%dma_start3A_1245 : memref<128x128xf32, #tpu.memory_space<hbm>>) target_semaphore(%dma_start3A_1242 : memref<!tpu.dma_semaphore, #tpu.memory_space<semaphore_mem>>)
      %add3A_1250 = arith.constant 2 : i32
      %add3A_1251 = arith.addi %mul3A_1177, %add3A_1250 : i32
      %dma_wait3A_1252 = arith.constant 2 : i32
      %dma_wait3A_1253 = arith.constant 2 : i32
      %dma_wait3A_1254 = arith.constant 0 : i32
      %dma_wait3A_1255 = arith.constant 0 : i32
      %dma_wait3A_1256 = tpu.memref_slice %arg6[%dma_wait3A_1252, %dma_wait3A_1254, %dma_wait3A_1255] : memref<5x128x128xf32, #tpu.memory_space<vmem>> -> memref<1x128x128xf32, #tpu.memory_space<vmem>>
      %dma_wait3A_1257 = tpu.memref_squeeze %dma_wait3A_1256 : memref<1x128x128xf32, #tpu.memory_space<vmem>> -> memref<128x128xf32, #tpu.memory_space<vmem>>
      %dma_wait3A_1258 = arith.constant 0 : i32
      %dma_wait3A_1259 = tpu.memref_slice %arg5[%add3A_1251, %dma_wait3A_1258] : memref<50x128xi32, #tpu.memory_space<vmem>> -> memref<1x128xi32, #tpu.memory_space<vmem>>
      %dma_wait3A_1260 = tpu.memref_squeeze %dma_wait3A_1259 : memref<1x128xi32, #tpu.memory_space<vmem>> -> memref<128xi32, #tpu.memory_space<vmem>>
      %dma_wait3A_1261 = arith.constant 0 : i32
      %dma_wait3A_1262 = arith.constant 0 : i32
      %dma_wait3A_1263 = tpu.memref_slice %arg7[%dma_wait3A_1261, %dma_wait3A_1262] : memref<4097x128xf32, #tpu.memory_space<vmem_shared>> -> memref<4097x128xf32, #tpu.memory_space<vmem_shared>>
      %dma_wait3A_1264 = tpu.memref_slice %arg8[%dma_wait3A_1253] : memref<5x!tpu.dma_semaphore, #tpu.memory_space<semaphore_mem>> -> memref<1x!tpu.dma_semaphore, #tpu.memory_space<semaphore_mem>>
      %dma_wait3A_1265 = tpu.memref_squeeze %dma_wait3A_1264 : memref<1x!tpu.dma_semaphore, #tpu.memory_space<semaphore_mem>> -> memref<!tpu.dma_semaphore, #tpu.memory_space<semaphore_mem>>
      tpu.wait_indirect_dma semaphore(%dma_wait3A_1265 : memref<!tpu.dma_semaphore, #tpu.memory_space<semaphore_mem>>) src(%dma_wait3A_1263 : memref<4097x128xf32, #tpu.memory_space<vmem_shared>>) dst(%dma_wait3A_1257 : memref<128x128xf32, #tpu.memory_space<vmem>>)
      %add3A_1266 = arith.constant 2 : i32
      %add3A_1267 = arith.addi %mul3A_1177, %add3A_1266 : i32
      %dma_start3A_1268 = arith.constant 2 : i32
      %dma_start3A_1269 = arith.constant 2 : i32
      %dma_start3A_1270 = arith.constant 0 : i32
      %dma_start3A_1271 = arith.constant 0 : i32
      %dma_start3A_1272 = tpu.memref_slice %arg6[%dma_start3A_1268, %dma_start3A_1270, %dma_start3A_1271] : memref<5x128x128xf32, #tpu.memory_space<vmem>> -> memref<1x128x128xf32, #tpu.memory_space<vmem>>
      %dma_start3A_1273 = tpu.memref_squeeze %dma_start3A_1272 : memref<1x128x128xf32, #tpu.memory_space<vmem>> -> memref<128x128xf32, #tpu.memory_space<vmem>>
      %dma_start3A_1274 = arith.constant 0 : i32
      %dma_start3A_1275 = tpu.memref_slice %arg4[%add3A_1267, %mul3A_2, %dma_start3A_1274] : memref<50x4096x128xf32, #tpu.memory_space<hbm>> -> memref<1x128x128xf32, #tpu.memory_space<hbm>>
      %dma_start3A_1276 = tpu.memref_squeeze %dma_start3A_1275 : memref<1x128x128xf32, #tpu.memory_space<hbm>> -> memref<128x128xf32, #tpu.memory_space<hbm>>
      %dma_start3A_1277 = tpu.memref_slice %arg9[%dma_start3A_1269] : memref<5x!tpu.dma_semaphore, #tpu.memory_space<semaphore_mem>> -> memref<1x!tpu.dma_semaphore, #tpu.memory_space<semaphore_mem>>
      %dma_start3A_1278 = tpu.memref_squeeze %dma_start3A_1277 : memref<1x!tpu.dma_semaphore, #tpu.memory_space<semaphore_mem>> -> memref<!tpu.dma_semaphore, #tpu.memory_space<semaphore_mem>>
      %dma_start3A_1279 = arith.constant 0 : i32
      %dma_start3A_1280 = tpu.memref_slice %arg4[%add3A_1267, %mul3A_2, %dma_start3A_1279] : memref<50x4096x128xf32, #tpu.memory_space<hbm>> -> memref<1x128x128xf32, #tpu.memory_space<hbm>>
      %dma_start3A_1281 = tpu.memref_squeeze %dma_start3A_1280 : memref<1x128x128xf32, #tpu.memory_space<hbm>> -> memref<128x128xf32, #tpu.memory_space<hbm>>
      %dma_start3A_1282 = arith.constant 0 : i32
      %dma_start3A_1283 = arith.constant 0 : i32
      %dma_start3A_1284 = tpu.memref_slice %arg6[%dma_start3A_1268, %dma_start3A_1282, %dma_start3A_1283] : memref<5x128x128xf32, #tpu.memory_space<vmem>> -> memref<1x128x128xf32, #tpu.memory_space<vmem>>
      %dma_start3A_1285 = tpu.memref_squeeze %dma_start3A_1284 : memref<1x128x128xf32, #tpu.memory_space<vmem>> -> memref<128x128xf32, #tpu.memory_space<vmem>>
      tpu.enqueue_dma source(%dma_start3A_1285 : memref<128x128xf32, #tpu.memory_space<vmem>>) target(%dma_start3A_1281 : memref<128x128xf32, #tpu.memory_space<hbm>>) target_semaphore(%dma_start3A_1278 : memref<!tpu.dma_semaphore, #tpu.memory_space<semaphore_mem>>)
      %add3A_1286 = arith.constant 3 : i32
      %add3A_1287 = arith.addi %mul3A_1177, %add3A_1286 : i32
      %dma_wait3A_1288 = arith.constant 3 : i32
      %dma_wait3A_1289 = arith.constant 3 : i32
      %dma_wait3A_1290 = arith.constant 0 : i32
      %dma_wait3A_1291 = arith.constant 0 : i32
      %dma_wait3A_1292 = tpu.memref_slice %arg6[%dma_wait3A_1288, %dma_wait3A_1290, %dma_wait3A_1291] : memref<5x128x128xf32, #tpu.memory_space<vmem>> -> memref<1x128x128xf32, #tpu.memory_space<vmem>>
      %dma_wait3A_1293 = tpu.memref_squeeze %dma_wait3A_1292 : memref<1x128x128xf32, #tpu.memory_space<vmem>> -> memref<128x128xf32, #tpu.memory_space<vmem>>
      %dma_wait3A_1294 = arith.constant 0 : i32
      %dma_wait3A_1295 = tpu.memref_slice %arg5[%add3A_1287, %dma_wait3A_1294] : memref<50x128xi32, #tpu.memory_space<vmem>> -> memref<1x128xi32, #tpu.memory_space<vmem>>
      %dma_wait3A_1296 = tpu.memref_squeeze %dma_wait3A_1295 : memref<1x128xi32, #tpu.memory_space<vmem>> -> memref<128xi32, #tpu.memory_space<vmem>>
      %dma_wait3A_1297 = arith.constant 0 : i32
      %dma_wait3A_1298 = arith.constant 0 : i32
      %dma_wait3A_1299 = tpu.memref_slice %arg7[%dma_wait3A_1297, %dma_wait3A_1298] : memref<4097x128xf32, #tpu.memory_space<vmem_shared>> -> memref<4097x128xf32, #tpu.memory_space<vmem_shared>>
      %dma_wait3A_1300 = tpu.memref_slice %arg8[%dma_wait3A_1289] : memref<5x!tpu.dma_semaphore, #tpu.memory_space<semaphore_mem>> -> memref<1x!tpu.dma_semaphore, #tpu.memory_space<semaphore_mem>>
      %dma_wait3A_1301 = tpu.memref_squeeze %dma_wait3A_1300 : memref<1x!tpu.dma_semaphore, #tpu.memory_space<semaphore_mem>> -> memref<!tpu.dma_semaphore, #tpu.memory_space<semaphore_mem>>
      tpu.wait_indirect_dma semaphore(%dma_wait3A_1301 : memref<!tpu.dma_semaphore, #tpu.memory_space<semaphore_mem>>) src(%dma_wait3A_1299 : memref<4097x128xf32, #tpu.memory_space<vmem_shared>>) dst(%dma_wait3A_1293 : memref<128x128xf32, #tpu.memory_space<vmem>>)
      %add3A_1302 = arith.constant 3 : i32
      %add3A_1303 = arith.addi %mul3A_1177, %add3A_1302 : i32
      %dma_start3A_1304 = arith.constant 3 : i32
      %dma_start3A_1305 = arith.constant 3 : i32
      %dma_start3A_1306 = arith.constant 0 : i32
      %dma_start3A_1307 = arith.constant 0 : i32
      %dma_start3A_1308 = tpu.memref_slice %arg6[%dma_start3A_1304, %dma_start3A_1306, %dma_start3A_1307] : memref<5x128x128xf32, #tpu.memory_space<vmem>> -> memref<1x128x128xf32, #tpu.memory_space<vmem>>
      %dma_start3A_1309 = tpu.memref_squeeze %dma_start3A_1308 : memref<1x128x128xf32, #tpu.memory_space<vmem>> -> memref<128x128xf32, #tpu.memory_space<vmem>>
      %dma_start3A_1310 = arith.constant 0 : i32
      %dma_start3A_1311 = tpu.memref_slice %arg4[%add3A_1303, %mul3A_2, %dma_start3A_1310] : memref<50x4096x128xf32, #tpu.memory_space<hbm>> -> memref<1x128x128xf32, #tpu.memory_space<hbm>>
      %dma_start3A_1312 = tpu.memref_squeeze %dma_start3A_1311 : memref<1x128x128xf32, #tpu.memory_space<hbm>> -> memref<128x128xf32, #tpu.memory_space<hbm>>
      %dma_start3A_1313 = tpu.memref_slice %arg9[%dma_start3A_1305] : memref<5x!tpu.dma_semaphore, #tpu.memory_space<semaphore_mem>> -> memref<1x!tpu.dma_semaphore, #tpu.memory_space<semaphore_mem>>
      %dma_start3A_1314 = tpu.memref_squeeze %dma_start3A_1313 : memref<1x!tpu.dma_semaphore, #tpu.memory_space<semaphore_mem>> -> memref<!tpu.dma_semaphore, #tpu.memory_space<semaphore_mem>>
      %dma_start3A_1315 = arith.constant 0 : i32
      %dma_start3A_1316 = tpu.memref_slice %arg4[%add3A_1303, %mul3A_2, %dma_start3A_1315] : memref<50x4096x128xf32, #tpu.memory_space<hbm>> -> memref<1x128x128xf32, #tpu.memory_space<hbm>>
      %dma_start3A_1317 = tpu.memref_squeeze %dma_start3A_1316 : memref<1x128x128xf32, #tpu.memory_space<hbm>> -> memref<128x128xf32, #tpu.memory_space<hbm>>
      %dma_start3A_1318 = arith.constant 0 : i32
      %dma_start3A_1319 = arith.constant 0 : i32
      %dma_start3A_1320 = tpu.memref_slice %arg6[%dma_start3A_1304, %dma_start3A_1318, %dma_start3A_1319] : memref<5x128x128xf32, #tpu.memory_space<vmem>> -> memref<1x128x128xf32, #tpu.memory_space<vmem>>
      %dma_start3A_1321 = tpu.memref_squeeze %dma_start3A_1320 : memref<1x128x128xf32, #tpu.memory_space<vmem>> -> memref<128x128xf32, #tpu.memory_space<vmem>>
      tpu.enqueue_dma source(%dma_start3A_1321 : memref<128x128xf32, #tpu.memory_space<vmem>>) target(%dma_start3A_1317 : memref<128x128xf32, #tpu.memory_space<hbm>>) target_semaphore(%dma_start3A_1314 : memref<!tpu.dma_semaphore, #tpu.memory_space<semaphore_mem>>)
      %add3A_1322 = arith.constant 4 : i32
      %add3A_1323 = arith.addi %mul3A_1177, %add3A_1322 : i32
      %dma_wait3A_1324 = arith.constant 4 : i32
      %dma_wait3A_1325 = arith.constant 4 : i32
      %dma_wait3A_1326 = arith.constant 0 : i32
      %dma_wait3A_1327 = arith.constant 0 : i32
      %dma_wait3A_1328 = tpu.memref_slice %arg6[%dma_wait3A_1324, %dma_wait3A_1326, %dma_wait3A_1327] : memref<5x128x128xf32, #tpu.memory_space<vmem>> -> memref<1x128x128xf32, #tpu.memory_space<vmem>>
      %dma_wait3A_1329 = tpu.memref_squeeze %dma_wait3A_1328 : memref<1x128x128xf32, #tpu.memory_space<vmem>> -> memref<128x128xf32, #tpu.memory_space<vmem>>
      %dma_wait3A_1330 = arith.constant 0 : i32
      %dma_wait3A_1331 = tpu.memref_slice %arg5[%add3A_1323, %dma_wait3A_1330] : memref<50x128xi32, #tpu.memory_space<vmem>> -> memref<1x128xi32, #tpu.memory_space<vmem>>
      %dma_wait3A_1332 = tpu.memref_squeeze %dma_wait3A_1331 : memref<1x128xi32, #tpu.memory_space<vmem>> -> memref<128xi32, #tpu.memory_space<vmem>>
      %dma_wait3A_1333 = arith.constant 0 : i32
      %dma_wait3A_1334 = arith.constant 0 : i32
      %dma_wait3A_1335 = tpu.memref_slice %arg7[%dma_wait3A_1333, %dma_wait3A_1334] : memref<4097x128xf32, #tpu.memory_space<vmem_shared>> -> memref<4097x128xf32, #tpu.memory_space<vmem_shared>>
      %dma_wait3A_1336 = tpu.memref_slice %arg8[%dma_wait3A_1325] : memref<5x!tpu.dma_semaphore, #tpu.memory_space<semaphore_mem>> -> memref<1x!tpu.dma_semaphore, #tpu.memory_space<semaphore_mem>>
      %dma_wait3A_1337 = tpu.memref_squeeze %dma_wait3A_1336 : memref<1x!tpu.dma_semaphore, #tpu.memory_space<semaphore_mem>> -> memref<!tpu.dma_semaphore, #tpu.memory_space<semaphore_mem>>
      tpu.wait_indirect_dma semaphore(%dma_wait3A_1337 : memref<!tpu.dma_semaphore, #tpu.memory_space<semaphore_mem>>) src(%dma_wait3A_1335 : memref<4097x128xf32, #tpu.memory_space<vmem_shared>>) dst(%dma_wait3A_1329 : memref<128x128xf32, #tpu.memory_space<vmem>>)
      %add3A_1338 = arith.constant 4 : i32
      %add3A_1339 = arith.addi %mul3A_1177, %add3A_1338 : i32
      %dma_start3A_1340 = arith.constant 4 : i32
      %dma_start3A_1341 = arith.constant 4 : i32
      %dma_start3A_1342 = arith.constant 0 : i32
      %dma_start3A_1343 = arith.constant 0 : i32
      %dma_start3A_1344 = tpu.memref_slice %arg6[%dma_start3A_1340, %dma_start3A_1342, %dma_start3A_1343] : memref<5x128x128xf32, #tpu.memory_space<vmem>> -> memref<1x128x128xf32, #tpu.memory_space<vmem>>
      %dma_start3A_1345 = tpu.memref_squeeze %dma_start3A_1344 : memref<1x128x128xf32, #tpu.memory_space<vmem>> -> memref<128x128xf32, #tpu.memory_space<vmem>>
      %dma_start3A_1346 = arith.constant 0 : i32
      %dma_start3A_1347 = tpu.memref_slice %arg4[%add3A_1339, %mul3A_2, %dma_start3A_1346] : memref<50x4096x128xf32, #tpu.memory_space<hbm>> -> memref<1x128x128xf32, #tpu.memory_space<hbm>>
      %dma_start3A_1348 = tpu.memref_squeeze %dma_start3A_1347 : memref<1x128x128xf32, #tpu.memory_space<hbm>> -> memref<128x128xf32, #tpu.memory_space<hbm>>
      %dma_start3A_1349 = tpu.memref_slice %arg9[%dma_start3A_1341] : memref<5x!tpu.dma_semaphore, #tpu.memory_space<semaphore_mem>> -> memref<1x!tpu.dma_semaphore, #tpu.memory_space<semaphore_mem>>
      %dma_start3A_1350 = tpu.memref_squeeze %dma_start3A_1349 : memref<1x!tpu.dma_semaphore, #tpu.memory_space<semaphore_mem>> -> memref<!tpu.dma_semaphore, #tpu.memory_space<semaphore_mem>>
      %dma_start3A_1351 = arith.constant 0 : i32
      %dma_start3A_1352 = tpu.memref_slice %arg4[%add3A_1339, %mul3A_2, %dma_start3A_1351] : memref<50x4096x128xf32, #tpu.memory_space<hbm>> -> memref<1x128x128xf32, #tpu.memory_space<hbm>>
      %dma_start3A_1353 = tpu.memref_squeeze %dma_start3A_1352 : memref<1x128x128xf32, #tpu.memory_space<hbm>> -> memref<128x128xf32, #tpu.memory_space<hbm>>
      %dma_start3A_1354 = arith.constant 0 : i32
      %dma_start3A_1355 = arith.constant 0 : i32
      %dma_start3A_1356 = tpu.memref_slice %arg6[%dma_start3A_1340, %dma_start3A_1354, %dma_start3A_1355] : memref<5x128x128xf32, #tpu.memory_space<vmem>> -> memref<1x128x128xf32, #tpu.memory_space<vmem>>
      %dma_start3A_1357 = tpu.memref_squeeze %dma_start3A_1356 : memref<1x128x128xf32, #tpu.memory_space<vmem>> -> memref<128x128xf32, #tpu.memory_space<vmem>>
      tpu.enqueue_dma source(%dma_start3A_1357 : memref<128x128xf32, #tpu.memory_space<vmem>>) target(%dma_start3A_1353 : memref<128x128xf32, #tpu.memory_space<hbm>>) target_semaphore(%dma_start3A_1350 : memref<!tpu.dma_semaphore, #tpu.memory_space<semaphore_mem>>)
      %add3A_1358 = arith.constant 0 : i32
      %add3A_1359 = arith.addi %mul3A_1177, %add3A_1358 : i32
      %add3A_1360 = arith.constant 5 : i32
      %add3A_1361 = arith.addi %add3A_1359, %add3A_1360 : i32
      %get3A_1362 = arith.index_cast %add3A_1361 : i32 to index
      %get3A_1363 = arith.constant 0 : index
      %get3A_1364 = tpu.vector_load %arg5[%get3A_1362, %get3A_1363] {strides = array<i32>} : memref<50x128xi32, #tpu.memory_space<vmem>>, vector<1x16xi32>,
      %get3A_1365 = vector.shape_cast %get3A_1364 : vector<1x16xi32> to vector<16xi32>
      %max3A_1366 = arith.constant -2048 : i32
      %max3A_1367 = vector.broadcast %max3A_1366 : i32 to vector<16xi32>
      %max3A_1368 = arith.maxsi %get3A_1365, %max3A_1367 : vector<16xi32>
      %min3A_1369 = arith.constant 2048 : i32
      %min3A_1370 = vector.broadcast %min3A_1369 : i32 to vector<16xi32>
      %min3A_1371 = arith.minsi %max3A_1368, %min3A_1370 : vector<16xi32>
      %add3A_1372 = arith.constant 2048 : i32
      %add3A_1373 = vector.broadcast %add3A_1372 : i32 to vector<16xi32>
      %add3A_1374 = arith.addi %min3A_1371, %add3A_1373 : vector<16xi32>
      %swap3A_1375 = arith.index_cast %add3A_1361 : i32 to index
      %swap3A_1376 = arith.constant 0 : index
      %swap3A_1377 = tpu.vector_load %arg5[%swap3A_1375, %swap3A_1376] {strides = array<i32>} : memref<50x128xi32, #tpu.memory_space<vmem>>, vector<1x16xi32>,
      %swap3A_1378 = vector.shape_cast %swap3A_1377 : vector<1x16xi32> to vector<16xi32>
      %swap3A_1379 = vector.shape_cast %add3A_1374 : vector<16xi32> to vector<1x16xi32>
      tpu.vector_store %arg5[%swap3A_1375, %swap3A_1376], %swap3A_1379 {strides = array<i32>} : memref<50x128xi32, #tpu.memory_space<vmem>>, vector<1x16xi32>,
      %get3A_1380 = arith.index_cast %add3A_1361 : i32 to index
      %get3A_1381 = arith.constant 16 : index
      %get3A_1382 = tpu.vector_load %arg5[%get3A_1380, %get3A_1381] {strides = array<i32>} : memref<50x128xi32, #tpu.memory_space<vmem>>, vector<1x16xi32>,
      %get3A_1383 = vector.shape_cast %get3A_1382 : vector<1x16xi32> to vector<16xi32>
      %max3A_1384 = arith.constant -2048 : i32
      %max3A_1385 = vector.broadcast %max3A_1384 : i32 to vector<16xi32>
      %max3A_1386 = arith.maxsi %get3A_1383, %max3A_1385 : vector<16xi32>
      %min3A_1387 = arith.constant 2048 : i32
      %min3A_1388 = vector.broadcast %min3A_1387 : i32 to vector<16xi32>
      %min3A_1389 = arith.minsi %max3A_1386, %min3A_1388 : vector<16xi32>
      %add3A_1390 = arith.constant 2048 : i32
      %add3A_1391 = vector.broadcast %add3A_1390 : i32 to vector<16xi32>
      %add3A_1392 = arith.addi %min3A_1389, %add3A_1391 : vector<16xi32>
      %swap3A_1393 = arith.index_cast %add3A_1361 : i32 to index
      %swap3A_1394 = arith.constant 16 : index
      %swap3A_1395 = tpu.vector_load %arg5[%swap3A_1393, %swap3A_1394] {strides = array<i32>} : memref<50x128xi32, #tpu.memory_space<vmem>>, vector<1x16xi32>,
      %swap3A_1396 = vector.shape_cast %swap3A_1395 : vector<1x16xi32> to vector<16xi32>
      %swap3A_1397 = vector.shape_cast %add3A_1392 : vector<16xi32> to vector<1x16xi32>
      tpu.vector_store %arg5[%swap3A_1393, %swap3A_1394], %swap3A_1397 {strides = array<i32>} : memref<50x128xi32, #tpu.memory_space<vmem>>, vector<1x16xi32>,
      %get3A_1398 = arith.index_cast %add3A_1361 : i32 to index
      %get3A_1399 = arith.constant 32 : index
      %get3A_1400 = tpu.vector_load %arg5[%get3A_1398, %get3A_1399] {strides = array<i32>} : memref<50x128xi32, #tpu.memory_space<vmem>>, vector<1x16xi32>,
      %get3A_1401 = vector.shape_cast %get3A_1400 : vector<1x16xi32> to vector<16xi32>
      %max3A_1402 = arith.constant -2048 : i32
      %max3A_1403 = vector.broadcast %max3A_1402 : i32 to vector<16xi32>
      %max3A_1404 = arith.maxsi %get3A_1401, %max3A_1403 : vector<16xi32>
      %min3A_1405 = arith.constant 2048 : i32
      %min3A_1406 = vector.broadcast %min3A_1405 : i32 to vector<16xi32>
      %min3A_1407 = arith.minsi %max3A_1404, %min3A_1406 : vector<16xi32>
      %add3A_1408 = arith.constant 2048 : i32
      %add3A_1409 = vector.broadcast %add3A_1408 : i32 to vector<16xi32>
      %add3A_1410 = arith.addi %min3A_1407, %add3A_1409 : vector<16xi32>
      %swap3A_1411 = arith.index_cast %add3A_1361 : i32 to index
      %swap3A_1412 = arith.constant 32 : index
      %swap3A_1413 = tpu.vector_load %arg5[%swap3A_1411, %swap3A_1412] {strides = array<i32>} : memref<50x128xi32, #tpu.memory_space<vmem>>, vector<1x16xi32>,
      %swap3A_1414 = vector.shape_cast %swap3A_1413 : vector<1x16xi32> to vector<16xi32>
      %swap3A_1415 = vector.shape_cast %add3A_1410 : vector<16xi32> to vector<1x16xi32>
      tpu.vector_store %arg5[%swap3A_1411, %swap3A_1412], %swap3A_1415 {strides = array<i32>} : memref<50x128xi32, #tpu.memory_space<vmem>>, vector<1x16xi32>,
      %get3A_1416 = arith.index_cast %add3A_1361 : i32 to index
      %get3A_1417 = arith.constant 48 : index
      %get3A_1418 = tpu.vector_load %arg5[%get3A_1416, %get3A_1417] {strides = array<i32>} : memref<50x128xi32, #tpu.memory_space<vmem>>, vector<1x16xi32>,
      %get3A_1419 = vector.shape_cast %get3A_1418 : vector<1x16xi32> to vector<16xi32>
      %max3A_1420 = arith.constant -2048 : i32
      %max3A_1421 = vector.broadcast %max3A_1420 : i32 to vector<16xi32>
      %max3A_1422 = arith.maxsi %get3A_1419, %max3A_1421 : vector<16xi32>
      %min3A_1423 = arith.constant 2048 : i32
      %min3A_1424 = vector.broadcast %min3A_1423 : i32 to vector<16xi32>
      %min3A_1425 = arith.minsi %max3A_1422, %min3A_1424 : vector<16xi32>
      %add3A_1426 = arith.constant 2048 : i32
      %add3A_1427 = vector.broadcast %add3A_1426 : i32 to vector<16xi32>
      %add3A_1428 = arith.addi %min3A_1425, %add3A_1427 : vector<16xi32>
      %swap3A_1429 = arith.index_cast %add3A_1361 : i32 to index
      %swap3A_1430 = arith.constant 48 : index
      %swap3A_1431 = tpu.vector_load %arg5[%swap3A_1429, %swap3A_1430] {strides = array<i32>} : memref<50x128xi32, #tpu.memory_space<vmem>>, vector<1x16xi32>,
      %swap3A_1432 = vector.shape_cast %swap3A_1431 : vector<1x16xi32> to vector<16xi32>
      %swap3A_1433 = vector.shape_cast %add3A_1428 : vector<16xi32> to vector<1x16xi32>
      tpu.vector_store %arg5[%swap3A_1429, %swap3A_1430], %swap3A_1433 {strides = array<i32>} : memref<50x128xi32, #tpu.memory_space<vmem>>, vector<1x16xi32>,
      %get3A_1434 = arith.index_cast %add3A_1361 : i32 to index
      %get3A_1435 = arith.constant 64 : index
      %get3A_1436 = tpu.vector_load %arg5[%get3A_1434, %get3A_1435] {strides = array<i32>} : memref<50x128xi32, #tpu.memory_space<vmem>>, vector<1x16xi32>,
      %get3A_1437 = vector.shape_cast %get3A_1436 : vector<1x16xi32> to vector<16xi32>
      %max3A_1438 = arith.constant -2048 : i32
      %max3A_1439 = vector.broadcast %max3A_1438 : i32 to vector<16xi32>
      %max3A_1440 = arith.maxsi %get3A_1437, %max3A_1439 : vector<16xi32>
      %min3A_1441 = arith.constant 2048 : i32
      %min3A_1442 = vector.broadcast %min3A_1441 : i32 to vector<16xi32>
      %min3A_1443 = arith.minsi %max3A_1440, %min3A_1442 : vector<16xi32>
      %add3A_1444 = arith.constant 2048 : i32
      %add3A_1445 = vector.broadcast %add3A_1444 : i32 to vector<16xi32>
      %add3A_1446 = arith.addi %min3A_1443, %add3A_1445 : vector<16xi32>
      %swap3A_1447 = arith.index_cast %add3A_1361 : i32 to index
      %swap3A_1448 = arith.constant 64 : index
      %swap3A_1449 = tpu.vector_load %arg5[%swap3A_1447, %swap3A_1448] {strides = array<i32>} : memref<50x128xi32, #tpu.memory_space<vmem>>, vector<1x16xi32>,
      %swap3A_1450 = vector.shape_cast %swap3A_1449 : vector<1x16xi32> to vector<16xi32>
      %swap3A_1451 = vector.shape_cast %add3A_1446 : vector<16xi32> to vector<1x16xi32>
      tpu.vector_store %arg5[%swap3A_1447, %swap3A_1448], %swap3A_1451 {strides = array<i32>} : memref<50x128xi32, #tpu.memory_space<vmem>>, vector<1x16xi32>,
      %get3A_1452 = arith.index_cast %add3A_1361 : i32 to index
      %get3A_1453 = arith.constant 80 : index
      %get3A_1454 = tpu.vector_load %arg5[%get3A_1452, %get3A_1453] {strides = array<i32>} : memref<50x128xi32, #tpu.memory_space<vmem>>, vector<1x16xi32>,
      %get3A_1455 = vector.shape_cast %get3A_1454 : vector<1x16xi32> to vector<16xi32>
      %max3A_1456 = arith.constant -2048 : i32
      %max3A_1457 = vector.broadcast %max3A_1456 : i32 to vector<16xi32>
      %max3A_1458 = arith.maxsi %get3A_1455, %max3A_1457 : vector<16xi32>
      %min3A_1459 = arith.constant 2048 : i32
      %min3A_1460 = vector.broadcast %min3A_1459 : i32 to vector<16xi32>
      %min3A_1461 = arith.minsi %max3A_1458, %min3A_1460 : vector<16xi32>
      %add3A_1462 = arith.constant 2048 : i32
      %add3A_1463 = vector.broadcast %add3A_1462 : i32 to vector<16xi32>
      %add3A_1464 = arith.addi %min3A_1461, %add3A_1463 : vector<16xi32>
      %swap3A_1465 = arith.index_cast %add3A_1361 : i32 to index
      %swap3A_1466 = arith.constant 80 : index
      %swap3A_1467 = tpu.vector_load %arg5[%swap3A_1465, %swap3A_1466] {strides = array<i32>} : memref<50x128xi32, #tpu.memory_space<vmem>>, vector<1x16xi32>,
      %swap3A_1468 = vector.shape_cast %swap3A_1467 : vector<1x16xi32> to vector<16xi32>
      %swap3A_1469 = vector.shape_cast %add3A_1464 : vector<16xi32> to vector<1x16xi32>
      tpu.vector_store %arg5[%swap3A_1465, %swap3A_1466], %swap3A_1469 {strides = array<i32>} : memref<50x128xi32, #tpu.memory_space<vmem>>, vector<1x16xi32>,
      %get3A_1470 = arith.index_cast %add3A_1361 : i32 to index
      %get3A_1471 = arith.constant 96 : index
      %get3A_1472 = tpu.vector_load %arg5[%get3A_1470, %get3A_1471] {strides = array<i32>} : memref<50x128xi32, #tpu.memory_space<vmem>>, vector<1x16xi32>,
      %get3A_1473 = vector.shape_cast %get3A_1472 : vector<1x16xi32> to vector<16xi32>
      %max3A_1474 = arith.constant -2048 : i32
      %max3A_1475 = vector.broadcast %max3A_1474 : i32 to vector<16xi32>
      %max3A_1476 = arith.maxsi %get3A_1473, %max3A_1475 : vector<16xi32>
      %min3A_1477 = arith.constant 2048 : i32
      %min3A_1478 = vector.broadcast %min3A_1477 : i32 to vector<16xi32>
      %min3A_1479 = arith.minsi %max3A_1476, %min3A_1478 : vector<16xi32>
      %add3A_1480 = arith.constant 2048 : i32
      %add3A_1481 = vector.broadcast %add3A_1480 : i32 to vector<16xi32>
      %add3A_1482 = arith.addi %min3A_1479, %add3A_1481 : vector<16xi32>
      %swap3A_1483 = arith.index_cast %add3A_1361 : i32 to index
      %swap3A_1484 = arith.constant 96 : index
      %swap3A_1485 = tpu.vector_load %arg5[%swap3A_1483, %swap3A_1484] {strides = array<i32>} : memref<50x128xi32, #tpu.memory_space<vmem>>, vector<1x16xi32>,
      %swap3A_1486 = vector.shape_cast %swap3A_1485 : vector<1x16xi32> to vector<16xi32>
      %swap3A_1487 = vector.shape_cast %add3A_1482 : vector<16xi32> to vector<1x16xi32>
      tpu.vector_store %arg5[%swap3A_1483, %swap3A_1484], %swap3A_1487 {strides = array<i32>} : memref<50x128xi32, #tpu.memory_space<vmem>>, vector<1x16xi32>,
      %get3A_1488 = arith.index_cast %add3A_1361 : i32 to index
      %get3A_1489 = arith.constant 112 : index
      %get3A_1490 = tpu.vector_load %arg5[%get3A_1488, %get3A_1489] {strides = array<i32>} : memref<50x128xi32, #tpu.memory_space<vmem>>, vector<1x16xi32>,
      %get3A_1491 = vector.shape_cast %get3A_1490 : vector<1x16xi32> to vector<16xi32>
      %max3A_1492 = arith.constant -2048 : i32
      %max3A_1493 = vector.broadcast %max3A_1492 : i32 to vector<16xi32>
      %max3A_1494 = arith.maxsi %get3A_1491, %max3A_1493 : vector<16xi32>
      %min3A_1495 = arith.constant 2048 : i32
      %min3A_1496 = vector.broadcast %min3A_1495 : i32 to vector<16xi32>
      %min3A_1497 = arith.minsi %max3A_1494, %min3A_1496 : vector<16xi32>
      %add3A_1498 = arith.constant 2048 : i32
      %add3A_1499 = vector.broadcast %add3A_1498 : i32 to vector<16xi32>
      %add3A_1500 = arith.addi %min3A_1497, %add3A_1499 : vector<16xi32>
      %swap3A_1501 = arith.index_cast %add3A_1361 : i32 to index
      %swap3A_1502 = arith.constant 112 : index
      %swap3A_1503 = tpu.vector_load %arg5[%swap3A_1501, %swap3A_1502] {strides = array<i32>} : memref<50x128xi32, #tpu.memory_space<vmem>>, vector<1x16xi32>,
      %swap3A_1504 = vector.shape_cast %swap3A_1503 : vector<1x16xi32> to vector<16xi32>
      %swap3A_1505 = vector.shape_cast %add3A_1500 : vector<16xi32> to vector<1x16xi32>
      tpu.vector_store %arg5[%swap3A_1501, %swap3A_1502], %swap3A_1505 {strides = array<i32>} : memref<50x128xi32, #tpu.memory_space<vmem>>, vector<1x16xi32>,
      %add3A_1506 = arith.constant 0 : i32
      %add3A_1507 = arith.addi %mul3A_1177, %add3A_1506 : i32
      %dma_wait3A_1508 = arith.constant 0 : i32
      %dma_wait3A_1509 = arith.constant 0 : i32
      %dma_wait3A_1510 = arith.constant 0 : i32
      %dma_wait3A_1511 = arith.constant 0 : i32
      %dma_wait3A_1512 = tpu.memref_slice %arg6[%dma_wait3A_1508, %dma_wait3A_1510, %dma_wait3A_1511] : memref<5x128x128xf32, #tpu.memory_space<vmem>> -> memref<1x128x128xf32, #tpu.memory_space<vmem>>
      %dma_wait3A_1513 = tpu.memref_squeeze %dma_wait3A_1512 : memref<1x128x128xf32, #tpu.memory_space<vmem>> -> memref<128x128xf32, #tpu.memory_space<vmem>>
      %dma_wait3A_1514 = arith.constant 0 : i32
      %dma_wait3A_1515 = tpu.memref_slice %arg4[%add3A_1507, %mul3A_2, %dma_wait3A_1514] : memref<50x4096x128xf32, #tpu.memory_space<hbm>> -> memref<1x128x128xf32, #tpu.memory_space<hbm>>
      %dma_wait3A_1516 = tpu.memref_squeeze %dma_wait3A_1515 : memref<1x128x128xf32, #tpu.memory_space<hbm>> -> memref<128x128xf32, #tpu.memory_space<hbm>>
      %dma_wait3A_1517 = tpu.memref_slice %arg9[%dma_wait3A_1509] : memref<5x!tpu.dma_semaphore, #tpu.memory_space<semaphore_mem>> -> memref<1x!tpu.dma_semaphore, #tpu.memory_space<semaphore_mem>>
      %dma_wait3A_1518 = tpu.memref_squeeze %dma_wait3A_1517 : memref<1x!tpu.dma_semaphore, #tpu.memory_space<semaphore_mem>> -> memref<!tpu.dma_semaphore, #tpu.memory_space<semaphore_mem>>
      %dma_wait3A_1519 = arith.constant 0 : i32
      %dma_wait3A_1520 = tpu.memref_slice %arg4[%add3A_1507, %mul3A_2, %dma_wait3A_1519] : memref<50x4096x128xf32, #tpu.memory_space<hbm>> -> memref<1x128x128xf32, #tpu.memory_space<hbm>>
      %dma_wait3A_1521 = tpu.memref_squeeze %dma_wait3A_1520 : memref<1x128x128xf32, #tpu.memory_space<hbm>> -> memref<128x128xf32, #tpu.memory_space<hbm>>
      %dma_wait3A_1522 = arith.constant 0 : i32
      %dma_wait3A_1523 = arith.constant 0 : i32
      %dma_wait3A_1524 = tpu.memref_slice %arg6[%dma_wait3A_1508, %dma_wait3A_1522, %dma_wait3A_1523] : memref<5x128x128xf32, #tpu.memory_space<vmem>> -> memref<1x128x128xf32, #tpu.memory_space<vmem>>
      %dma_wait3A_1525 = tpu.memref_squeeze %dma_wait3A_1524 : memref<1x128x128xf32, #tpu.memory_space<vmem>> -> memref<128x128xf32, #tpu.memory_space<vmem>>
      tpu.wait_dma2 semaphore(%dma_wait3A_1518 : memref<!tpu.dma_semaphore, #tpu.memory_space<semaphore_mem>>) src(%dma_wait3A_1525 : memref<128x128xf32, #tpu.memory_space<vmem>>) dst(%dma_wait3A_1521 : memref<128x128xf32, #tpu.memory_space<hbm>>)
      %add3A_1526 = arith.constant 0 : i32
      %add3A_1527 = arith.addi %mul3A_1177, %add3A_1526 : i32
      %add3A_1528 = arith.constant 5 : i32
      %add3A_1529 = arith.addi %add3A_1527, %add3A_1528 : i32
      %dma_start3A_1530 = arith.constant 0 : i32
      %dma_start3A_1531 = arith.constant 0 : i32
      %dma_start3A_1532 = arith.constant 0 : i32
      %dma_start3A_1533 = arith.constant 0 : i32
      %dma_start3A_1534 = tpu.memref_slice %arg6[%dma_start3A_1530, %dma_start3A_1532, %dma_start3A_1533] : memref<5x128x128xf32, #tpu.memory_space<vmem>> -> memref<1x128x128xf32, #tpu.memory_space<vmem>>
      %dma_start3A_1535 = tpu.memref_squeeze %dma_start3A_1534 : memref<1x128x128xf32, #tpu.memory_space<vmem>> -> memref<128x128xf32, #tpu.memory_space<vmem>>
      %dma_start3A_1536 = arith.constant 0 : i32
      %dma_start3A_1537 = tpu.memref_slice %arg5[%add3A_1529, %dma_start3A_1536] : memref<50x128xi32, #tpu.memory_space<vmem>> -> memref<1x128xi32, #tpu.memory_space<vmem>>
      %dma_start3A_1538 = tpu.memref_squeeze %dma_start3A_1537 : memref<1x128xi32, #tpu.memory_space<vmem>> -> memref<128xi32, #tpu.memory_space<vmem>>
      %dma_start3A_1539 = arith.constant 0 : i32
      %dma_start3A_1540 = arith.constant 0 : i32
      %dma_start3A_1541 = tpu.memref_slice %arg7[%dma_start3A_1539, %dma_start3A_1540] : memref<4097x128xf32, #tpu.memory_space<vmem_shared>> -> memref<4097x128xf32, #tpu.memory_space<vmem_shared>>
      %dma_start3A_1542 = tpu.memref_slice %arg8[%dma_start3A_1531] : memref<5x!tpu.dma_semaphore, #tpu.memory_space<semaphore_mem>> -> memref<1x!tpu.dma_semaphore, #tpu.memory_space<semaphore_mem>>
      %dma_start3A_1543 = tpu.memref_squeeze %dma_start3A_1542 : memref<1x!tpu.dma_semaphore, #tpu.memory_space<semaphore_mem>> -> memref<!tpu.dma_semaphore, #tpu.memory_space<semaphore_mem>>
      tpu.enqueue_indirect_dma source(%dma_start3A_1541 : memref<4097x128xf32, #tpu.memory_space<vmem_shared>>) target(%dma_start3A_1535 : memref<128x128xf32, #tpu.memory_space<vmem>>) offsets(%dma_start3A_1538 : memref<128xi32, #tpu.memory_space<vmem>>) semaphore(%dma_start3A_1543 : memref<!tpu.dma_semaphore, #tpu.memory_space<semaphore_mem>>)
      %add3A_1544 = arith.constant 1 : i32
      %add3A_1545 = arith.addi %mul3A_1177, %add3A_1544 : i32
      %add3A_1546 = arith.constant 5 : i32
      %add3A_1547 = arith.addi %add3A_1545, %add3A_1546 : i32
      %get3A_1548 = arith.index_cast %add3A_1547 : i32 to index
      %get3A_1549 = arith.constant 0 : index
      %get3A_1550 = tpu.vector_load %arg5[%get3A_1548, %get3A_1549] {strides = array<i32>} : memref<50x128xi32, #tpu.memory_space<vmem>>, vector<1x16xi32>,
      %get3A_1551 = vector.shape_cast %get3A_1550 : vector<1x16xi32> to vector<16xi32>
      %max3A_1552 = arith.constant -2048 : i32
      %max3A_1553 = vector.broadcast %max3A_1552 : i32 to vector<16xi32>
      %max3A_1554 = arith.maxsi %get3A_1551, %max3A_1553 : vector<16xi32>
      %min3A_1555 = arith.constant 2048 : i32
      %min3A_1556 = vector.broadcast %min3A_1555 : i32 to vector<16xi32>
      %min3A_1557 = arith.minsi %max3A_1554, %min3A_1556 : vector<16xi32>
      %add3A_1558 = arith.constant 2048 : i32
      %add3A_1559 = vector.broadcast %add3A_1558 : i32 to vector<16xi32>
      %add3A_1560 = arith.addi %min3A_1557, %add3A_1559 : vector<16xi32>
      %swap3A_1561 = arith.index_cast %add3A_1547 : i32 to index
      %swap3A_1562 = arith.constant 0 : index
      %swap3A_1563 = tpu.vector_load %arg5[%swap3A_1561, %swap3A_1562] {strides = array<i32>} : memref<50x128xi32, #tpu.memory_space<vmem>>, vector<1x16xi32>,
      %swap3A_1564 = vector.shape_cast %swap3A_1563 : vector<1x16xi32> to vector<16xi32>
      %swap3A_1565 = vector.shape_cast %add3A_1560 : vector<16xi32> to vector<1x16xi32>
      tpu.vector_store %arg5[%swap3A_1561, %swap3A_1562], %swap3A_1565 {strides = array<i32>} : memref<50x128xi32, #tpu.memory_space<vmem>>, vector<1x16xi32>,
      %get3A_1566 = arith.index_cast %add3A_1547 : i32 to index
      %get3A_1567 = arith.constant 16 : index
      %get3A_1568 = tpu.vector_load %arg5[%get3A_1566, %get3A_1567] {strides = array<i32>} : memref<50x128xi32, #tpu.memory_space<vmem>>, vector<1x16xi32>,
      %get3A_1569 = vector.shape_cast %get3A_1568 : vector<1x16xi32> to vector<16xi32>
      %max3A_1570 = arith.constant -2048 : i32
      %max3A_1571 = vector.broadcast %max3A_1570 : i32 to vector<16xi32>
      %max3A_1572 = arith.maxsi %get3A_1569, %max3A_1571 : vector<16xi32>
      %min3A_1573 = arith.constant 2048 : i32
      %min3A_1574 = vector.broadcast %min3A_1573 : i32 to vector<16xi32>
      %min3A_1575 = arith.minsi %max3A_1572, %min3A_1574 : vector<16xi32>
      %add3A_1576 = arith.constant 2048 : i32
      %add3A_1577 = vector.broadcast %add3A_1576 : i32 to vector<16xi32>
      %add3A_1578 = arith.addi %min3A_1575, %add3A_1577 : vector<16xi32>
      %swap3A_1579 = arith.index_cast %add3A_1547 : i32 to index
      %swap3A_1580 = arith.constant 16 : index
      %swap3A_1581 = tpu.vector_load %arg5[%swap3A_1579, %swap3A_1580] {strides = array<i32>} : memref<50x128xi32, #tpu.memory_space<vmem>>, vector<1x16xi32>,
      %swap3A_1582 = vector.shape_cast %swap3A_1581 : vector<1x16xi32> to vector<16xi32>
      %swap3A_1583 = vector.shape_cast %add3A_1578 : vector<16xi32> to vector<1x16xi32>
      tpu.vector_store %arg5[%swap3A_1579, %swap3A_1580], %swap3A_1583 {strides = array<i32>} : memref<50x128xi32, #tpu.memory_space<vmem>>, vector<1x16xi32>,
      %get3A_1584 = arith.index_cast %add3A_1547 : i32 to index
      %get3A_1585 = arith.constant 32 : index
      %get3A_1586 = tpu.vector_load %arg5[%get3A_1584, %get3A_1585] {strides = array<i32>} : memref<50x128xi32, #tpu.memory_space<vmem>>, vector<1x16xi32>,
      %get3A_1587 = vector.shape_cast %get3A_1586 : vector<1x16xi32> to vector<16xi32>
      %max3A_1588 = arith.constant -2048 : i32
      %max3A_1589 = vector.broadcast %max3A_1588 : i32 to vector<16xi32>
      %max3A_1590 = arith.maxsi %get3A_1587, %max3A_1589 : vector<16xi32>
      %min3A_1591 = arith.constant 2048 : i32
      %min3A_1592 = vector.broadcast %min3A_1591 : i32 to vector<16xi32>
      %min3A_1593 = arith.minsi %max3A_1590, %min3A_1592 : vector<16xi32>
      %add3A_1594 = arith.constant 2048 : i32
      %add3A_1595 = vector.broadcast %add3A_1594 : i32 to vector<16xi32>
      %add3A_1596 = arith.addi %min3A_1593, %add3A_1595 : vector<16xi32>
      %swap3A_1597 = arith.index_cast %add3A_1547 : i32 to index
      %swap3A_1598 = arith.constant 32 : index
      %swap3A_1599 = tpu.vector_load %arg5[%swap3A_1597, %swap3A_1598] {strides = array<i32>} : memref<50x128xi32, #tpu.memory_space<vmem>>, vector<1x16xi32>,
      %swap3A_1600 = vector.shape_cast %swap3A_1599 : vector<1x16xi32> to vector<16xi32>
      %swap3A_1601 = vector.shape_cast %add3A_1596 : vector<16xi32> to vector<1x16xi32>
      tpu.vector_store %arg5[%swap3A_1597, %swap3A_1598], %swap3A_1601 {strides = array<i32>} : memref<50x128xi32, #tpu.memory_space<vmem>>, vector<1x16xi32>,
      %get3A_1602 = arith.index_cast %add3A_1547 : i32 to index
      %get3A_1603 = arith.constant 48 : index
      %get3A_1604 = tpu.vector_load %arg5[%get3A_1602, %get3A_1603] {strides = array<i32>} : memref<50x128xi32, #tpu.memory_space<vmem>>, vector<1x16xi32>,
      %get3A_1605 = vector.shape_cast %get3A_1604 : vector<1x16xi32> to vector<16xi32>
      %max3A_1606 = arith.constant -2048 : i32
      %max3A_1607 = vector.broadcast %max3A_1606 : i32 to vector<16xi32>
      %max3A_1608 = arith.maxsi %get3A_1605, %max3A_1607 : vector<16xi32>
      %min3A_1609 = arith.constant 2048 : i32
      %min3A_1610 = vector.broadcast %min3A_1609 : i32 to vector<16xi32>
      %min3A_1611 = arith.minsi %max3A_1608, %min3A_1610 : vector<16xi32>
      %add3A_1612 = arith.constant 2048 : i32
      %add3A_1613 = vector.broadcast %add3A_1612 : i32 to vector<16xi32>
      %add3A_1614 = arith.addi %min3A_1611, %add3A_1613 : vector<16xi32>
      %swap3A_1615 = arith.index_cast %add3A_1547 : i32 to index
      %swap3A_1616 = arith.constant 48 : index
      %swap3A_1617 = tpu.vector_load %arg5[%swap3A_1615, %swap3A_1616] {strides = array<i32>} : memref<50x128xi32, #tpu.memory_space<vmem>>, vector<1x16xi32>,
      %swap3A_1618 = vector.shape_cast %swap3A_1617 : vector<1x16xi32> to vector<16xi32>
      %swap3A_1619 = vector.shape_cast %add3A_1614 : vector<16xi32> to vector<1x16xi32>
      tpu.vector_store %arg5[%swap3A_1615, %swap3A_1616], %swap3A_1619 {strides = array<i32>} : memref<50x128xi32, #tpu.memory_space<vmem>>, vector<1x16xi32>,
      %get3A_1620 = arith.index_cast %add3A_1547 : i32 to index
      %get3A_1621 = arith.constant 64 : index
      %get3A_1622 = tpu.vector_load %arg5[%get3A_1620, %get3A_1621] {strides = array<i32>} : memref<50x128xi32, #tpu.memory_space<vmem>>, vector<1x16xi32>,
      %get3A_1623 = vector.shape_cast %get3A_1622 : vector<1x16xi32> to vector<16xi32>
      %max3A_1624 = arith.constant -2048 : i32
      %max3A_1625 = vector.broadcast %max3A_1624 : i32 to vector<16xi32>
      %max3A_1626 = arith.maxsi %get3A_1623, %max3A_1625 : vector<16xi32>
      %min3A_1627 = arith.constant 2048 : i32
      %min3A_1628 = vector.broadcast %min3A_1627 : i32 to vector<16xi32>
      %min3A_1629 = arith.minsi %max3A_1626, %min3A_1628 : vector<16xi32>
      %add3A_1630 = arith.constant 2048 : i32
      %add3A_1631 = vector.broadcast %add3A_1630 : i32 to vector<16xi32>
      %add3A_1632 = arith.addi %min3A_1629, %add3A_1631 : vector<16xi32>
      %swap3A_1633 = arith.index_cast %add3A_1547 : i32 to index
      %swap3A_1634 = arith.constant 64 : index
      %swap3A_1635 = tpu.vector_load %arg5[%swap3A_1633, %swap3A_1634] {strides = array<i32>} : memref<50x128xi32, #tpu.memory_space<vmem>>, vector<1x16xi32>,
      %swap3A_1636 = vector.shape_cast %swap3A_1635 : vector<1x16xi32> to vector<16xi32>
      %swap3A_1637 = vector.shape_cast %add3A_1632 : vector<16xi32> to vector<1x16xi32>
      tpu.vector_store %arg5[%swap3A_1633, %swap3A_1634], %swap3A_1637 {strides = array<i32>} : memref<50x128xi32, #tpu.memory_space<vmem>>, vector<1x16xi32>,
      %get3A_1638 = arith.index_cast %add3A_1547 : i32 to index
      %get3A_1639 = arith.constant 80 : index
      %get3A_1640 = tpu.vector_load %arg5[%get3A_1638, %get3A_1639] {strides = array<i32>} : memref<50x128xi32, #tpu.memory_space<vmem>>, vector<1x16xi32>,
      %get3A_1641 = vector.shape_cast %get3A_1640 : vector<1x16xi32> to vector<16xi32>
      %max3A_1642 = arith.constant -2048 : i32
      %max3A_1643 = vector.broadcast %max3A_1642 : i32 to vector<16xi32>
      %max3A_1644 = arith.maxsi %get3A_1641, %max3A_1643 : vector<16xi32>
      %min3A_1645 = arith.constant 2048 : i32
      %min3A_1646 = vector.broadcast %min3A_1645 : i32 to vector<16xi32>
      %min3A_1647 = arith.minsi %max3A_1644, %min3A_1646 : vector<16xi32>
      %add3A_1648 = arith.constant 2048 : i32
      %add3A_1649 = vector.broadcast %add3A_1648 : i32 to vector<16xi32>
      %add3A_1650 = arith.addi %min3A_1647, %add3A_1649 : vector<16xi32>
      %swap3A_1651 = arith.index_cast %add3A_1547 : i32 to index
      %swap3A_1652 = arith.constant 80 : index
      %swap3A_1653 = tpu.vector_load %arg5[%swap3A_1651, %swap3A_1652] {strides = array<i32>} : memref<50x128xi32, #tpu.memory_space<vmem>>, vector<1x16xi32>,
      %swap3A_1654 = vector.shape_cast %swap3A_1653 : vector<1x16xi32> to vector<16xi32>
      %swap3A_1655 = vector.shape_cast %add3A_1650 : vector<16xi32> to vector<1x16xi32>
      tpu.vector_store %arg5[%swap3A_1651, %swap3A_1652], %swap3A_1655 {strides = array<i32>} : memref<50x128xi32, #tpu.memory_space<vmem>>, vector<1x16xi32>,
      %get3A_1656 = arith.index_cast %add3A_1547 : i32 to index
      %get3A_1657 = arith.constant 96 : index
      %get3A_1658 = tpu.vector_load %arg5[%get3A_1656, %get3A_1657] {strides = array<i32>} : memref<50x128xi32, #tpu.memory_space<vmem>>, vector<1x16xi32>,
      %get3A_1659 = vector.shape_cast %get3A_1658 : vector<1x16xi32> to vector<16xi32>
      %max3A_1660 = arith.constant -2048 : i32
      %max3A_1661 = vector.broadcast %max3A_1660 : i32 to vector<16xi32>
      %max3A_1662 = arith.maxsi %get3A_1659, %max3A_1661 : vector<16xi32>
      %min3A_1663 = arith.constant 2048 : i32
      %min3A_1664 = vector.broadcast %min3A_1663 : i32 to vector<16xi32>
      %min3A_1665 = arith.minsi %max3A_1662, %min3A_1664 : vector<16xi32>
      %add3A_1666 = arith.constant 2048 : i32
      %add3A_1667 = vector.broadcast %add3A_1666 : i32 to vector<16xi32>
      %add3A_1668 = arith.addi %min3A_1665, %add3A_1667 : vector<16xi32>
      %swap3A_1669 = arith.index_cast %add3A_1547 : i32 to index
      %swap3A_1670 = arith.constant 96 : index
      %swap3A_1671 = tpu.vector_load %arg5[%swap3A_1669, %swap3A_1670] {strides = array<i32>} : memref<50x128xi32, #tpu.memory_space<vmem>>, vector<1x16xi32>,
      %swap3A_1672 = vector.shape_cast %swap3A_1671 : vector<1x16xi32> to vector<16xi32>
      %swap3A_1673 = vector.shape_cast %add3A_1668 : vector<16xi32> to vector<1x16xi32>
      tpu.vector_store %arg5[%swap3A_1669, %swap3A_1670], %swap3A_1673 {strides = array<i32>} : memref<50x128xi32, #tpu.memory_space<vmem>>, vector<1x16xi32>,
      %get3A_1674 = arith.index_cast %add3A_1547 : i32 to index
      %get3A_1675 = arith.constant 112 : index
      %get3A_1676 = tpu.vector_load %arg5[%get3A_1674, %get3A_1675] {strides = array<i32>} : memref<50x128xi32, #tpu.memory_space<vmem>>, vector<1x16xi32>,
      %get3A_1677 = vector.shape_cast %get3A_1676 : vector<1x16xi32> to vector<16xi32>
      %max3A_1678 = arith.constant -2048 : i32
      %max3A_1679 = vector.broadcast %max3A_1678 : i32 to vector<16xi32>
      %max3A_1680 = arith.maxsi %get3A_1677, %max3A_1679 : vector<16xi32>
      %min3A_1681 = arith.constant 2048 : i32
      %min3A_1682 = vector.broadcast %min3A_1681 : i32 to vector<16xi32>
      %min3A_1683 = arith.minsi %max3A_1680, %min3A_1682 : vector<16xi32>
      %add3A_1684 = arith.constant 2048 : i32
      %add3A_1685 = vector.broadcast %add3A_1684 : i32 to vector<16xi32>
      %add3A_1686 = arith.addi %min3A_1683, %add3A_1685 : vector<16xi32>
      %swap3A_1687 = arith.index_cast %add3A_1547 : i32 to index
      %swap3A_1688 = arith.constant 112 : index
      %swap3A_1689 = tpu.vector_load %arg5[%swap3A_1687, %swap3A_1688] {strides = array<i32>} : memref<50x128xi32, #tpu.memory_space<vmem>>, vector<1x16xi32>,
      %swap3A_1690 = vector.shape_cast %swap3A_1689 : vector<1x16xi32> to vector<16xi32>
      %swap3A_1691 = vector.shape_cast %add3A_1686 : vector<16xi32> to vector<1x16xi32>
      tpu.vector_store %arg5[%swap3A_1687, %swap3A_1688], %swap3A_1691 {strides = array<i32>} : memref<50x128xi32, #tpu.memory_space<vmem>>, vector<1x16xi32>,
      %add3A_1692 = arith.constant 1 : i32
      %add3A_1693 = arith.addi %mul3A_1177, %add3A_1692 : i32
      %dma_wait3A_1694 = arith.constant 1 : i32
      %dma_wait3A_1695 = arith.constant 1 : i32
      %dma_wait3A_1696 = arith.constant 0 : i32
      %dma_wait3A_1697 = arith.constant 0 : i32
      %dma_wait3A_1698 = tpu.memref_slice %arg6[%dma_wait3A_1694, %dma_wait3A_1696, %dma_wait3A_1697] : memref<5x128x128xf32, #tpu.memory_space<vmem>> -> memref<1x128x128xf32, #tpu.memory_space<vmem>>
      %dma_wait3A_1699 = tpu.memref_squeeze %dma_wait3A_1698 : memref<1x128x128xf32, #tpu.memory_space<vmem>> -> memref<128x128xf32, #tpu.memory_space<vmem>>
      %dma_wait3A_1700 = arith.constant 0 : i32
      %dma_wait3A_1701 = tpu.memref_slice %arg4[%add3A_1693, %mul3A_2, %dma_wait3A_1700] : memref<50x4096x128xf32, #tpu.memory_space<hbm>> -> memref<1x128x128xf32, #tpu.memory_space<hbm>>
      %dma_wait3A_1702 = tpu.memref_squeeze %dma_wait3A_1701 : memref<1x128x128xf32, #tpu.memory_space<hbm>> -> memref<128x128xf32, #tpu.memory_space<hbm>>
      %dma_wait3A_1703 = tpu.memref_slice %arg9[%dma_wait3A_1695] : memref<5x!tpu.dma_semaphore, #tpu.memory_space<semaphore_mem>> -> memref<1x!tpu.dma_semaphore, #tpu.memory_space<semaphore_mem>>
      %dma_wait3A_1704 = tpu.memref_squeeze %dma_wait3A_1703 : memref<1x!tpu.dma_semaphore, #tpu.memory_space<semaphore_mem>> -> memref<!tpu.dma_semaphore, #tpu.memory_space<semaphore_mem>>
      %dma_wait3A_1705 = arith.constant 0 : i32
      %dma_wait3A_1706 = tpu.memref_slice %arg4[%add3A_1693, %mul3A_2, %dma_wait3A_1705] : memref<50x4096x128xf32, #tpu.memory_space<hbm>> -> memref<1x128x128xf32, #tpu.memory_space<hbm>>
      %dma_wait3A_1707 = tpu.memref_squeeze %dma_wait3A_1706 : memref<1x128x128xf32, #tpu.memory_space<hbm>> -> memref<128x128xf32, #tpu.memory_space<hbm>>
      %dma_wait3A_1708 = arith.constant 0 : i32
      %dma_wait3A_1709 = arith.constant 0 : i32
      %dma_wait3A_1710 = tpu.memref_slice %arg6[%dma_wait3A_1694, %dma_wait3A_1708, %dma_wait3A_1709] : memref<5x128x128xf32, #tpu.memory_space<vmem>> -> memref<1x128x128xf32, #tpu.memory_space<vmem>>
      %dma_wait3A_1711 = tpu.memref_squeeze %dma_wait3A_1710 : memref<1x128x128xf32, #tpu.memory_space<vmem>> -> memref<128x128xf32, #tpu.memory_space<vmem>>
      tpu.wait_dma2 semaphore(%dma_wait3A_1704 : memref<!tpu.dma_semaphore, #tpu.memory_space<semaphore_mem>>) src(%dma_wait3A_1711 : memref<128x128xf32, #tpu.memory_space<vmem>>) dst(%dma_wait3A_1707 : memref<128x128xf32, #tpu.memory_space<hbm>>)
      %add3A_1712 = arith.constant 1 : i32
      %add3A_1713 = arith.addi %mul3A_1177, %add3A_1712 : i32
      %add3A_1714 = arith.constant 5 : i32
      %add3A_1715 = arith.addi %add3A_1713, %add3A_1714 : i32
      %dma_start3A_1716 = arith.constant 1 : i32
      %dma_start3A_1717 = arith.constant 1 : i32
      %dma_start3A_1718 = arith.constant 0 : i32
      %dma_start3A_1719 = arith.constant 0 : i32
      %dma_start3A_1720 = tpu.memref_slice %arg6[%dma_start3A_1716, %dma_start3A_1718, %dma_start3A_1719] : memref<5x128x128xf32, #tpu.memory_space<vmem>> -> memref<1x128x128xf32, #tpu.memory_space<vmem>>
      %dma_start3A_1721 = tpu.memref_squeeze %dma_start3A_1720 : memref<1x128x128xf32, #tpu.memory_space<vmem>> -> memref<128x128xf32, #tpu.memory_space<vmem>>
      %dma_start3A_1722 = arith.constant 0 : i32
      %dma_start3A_1723 = tpu.memref_slice %arg5[%add3A_1715, %dma_start3A_1722] : memref<50x128xi32, #tpu.memory_space<vmem>> -> memref<1x128xi32, #tpu.memory_space<vmem>>
      %dma_start3A_1724 = tpu.memref_squeeze %dma_start3A_1723 : memref<1x128xi32, #tpu.memory_space<vmem>> -> memref<128xi32, #tpu.memory_space<vmem>>
      %dma_start3A_1725 = arith.constant 0 : i32
      %dma_start3A_1726 = arith.constant 0 : i32
      %dma_start3A_1727 = tpu.memref_slice %arg7[%dma_start3A_1725, %dma_start3A_1726] : memref<4097x128xf32, #tpu.memory_space<vmem_shared>> -> memref<4097x128xf32, #tpu.memory_space<vmem_shared>>
      %dma_start3A_1728 = tpu.memref_slice %arg8[%dma_start3A_1717] : memref<5x!tpu.dma_semaphore, #tpu.memory_space<semaphore_mem>> -> memref<1x!tpu.dma_semaphore, #tpu.memory_space<semaphore_mem>>
      %dma_start3A_1729 = tpu.memref_squeeze %dma_start3A_1728 : memref<1x!tpu.dma_semaphore, #tpu.memory_space<semaphore_mem>> -> memref<!tpu.dma_semaphore, #tpu.memory_space<semaphore_mem>>
      tpu.enqueue_indirect_dma source(%dma_start3A_1727 : memref<4097x128xf32, #tpu.memory_space<vmem_shared>>) target(%dma_start3A_1721 : memref<128x128xf32, #tpu.memory_space<vmem>>) offsets(%dma_start3A_1724 : memref<128xi32, #tpu.memory_space<vmem>>) semaphore(%dma_start3A_1729 : memref<!tpu.dma_semaphore, #tpu.memory_space<semaphore_mem>>)
      %add3A_1730 = arith.constant 2 : i32
      %add3A_1731 = arith.addi %mul3A_1177, %add3A_1730 : i32
      %add3A_1732 = arith.constant 5 : i32
      %add3A_1733 = arith.addi %add3A_1731, %add3A_1732 : i32
      %get3A_1734 = arith.index_cast %add3A_1733 : i32 to index
      %get3A_1735 = arith.constant 0 : index
      %get3A_1736 = tpu.vector_load %arg5[%get3A_1734, %get3A_1735] {strides = array<i32>} : memref<50x128xi32, #tpu.memory_space<vmem>>, vector<1x16xi32>,
      %get3A_1737 = vector.shape_cast %get3A_1736 : vector<1x16xi32> to vector<16xi32>
      %max3A_1738 = arith.constant -2048 : i32
      %max3A_1739 = vector.broadcast %max3A_1738 : i32 to vector<16xi32>
      %max3A_1740 = arith.maxsi %get3A_1737, %max3A_1739 : vector<16xi32>
      %min3A_1741 = arith.constant 2048 : i32
      %min3A_1742 = vector.broadcast %min3A_1741 : i32 to vector<16xi32>
      %min3A_1743 = arith.minsi %max3A_1740, %min3A_1742 : vector<16xi32>
      %add3A_1744 = arith.constant 2048 : i32
      %add3A_1745 = vector.broadcast %add3A_1744 : i32 to vector<16xi32>
      %add3A_1746 = arith.addi %min3A_1743, %add3A_1745 : vector<16xi32>
      %swap3A_1747 = arith.index_cast %add3A_1733 : i32 to index
      %swap3A_1748 = arith.constant 0 : index
      %swap3A_1749 = tpu.vector_load %arg5[%swap3A_1747, %swap3A_1748] {strides = array<i32>} : memref<50x128xi32, #tpu.memory_space<vmem>>, vector<1x16xi32>,
      %swap3A_1750 = vector.shape_cast %swap3A_1749 : vector<1x16xi32> to vector<16xi32>
      %swap3A_1751 = vector.shape_cast %add3A_1746 : vector<16xi32> to vector<1x16xi32>
      tpu.vector_store %arg5[%swap3A_1747, %swap3A_1748], %swap3A_1751 {strides = array<i32>} : memref<50x128xi32, #tpu.memory_space<vmem>>, vector<1x16xi32>,
      %get3A_1752 = arith.index_cast %add3A_1733 : i32 to index
      %get3A_1753 = arith.constant 16 : index
      %get3A_1754 = tpu.vector_load %arg5[%get3A_1752, %get3A_1753] {strides = array<i32>} : memref<50x128xi32, #tpu.memory_space<vmem>>, vector<1x16xi32>,
      %get3A_1755 = vector.shape_cast %get3A_1754 : vector<1x16xi32> to vector<16xi32>
      %max3A_1756 = arith.constant -2048 : i32
      %max3A_1757 = vector.broadcast %max3A_1756 : i32 to vector<16xi32>
      %max3A_1758 = arith.maxsi %get3A_1755, %max3A_1757 : vector<16xi32>
      %min3A_1759 = arith.constant 2048 : i32
      %min3A_1760 = vector.broadcast %min3A_1759 : i32 to vector<16xi32>
      %min3A_1761 = arith.minsi %max3A_1758, %min3A_1760 : vector<16xi32>
      %add3A_1762 = arith.constant 2048 : i32
      %add3A_1763 = vector.broadcast %add3A_1762 : i32 to vector<16xi32>
      %add3A_1764 = arith.addi %min3A_1761, %add3A_1763 : vector<16xi32>
      %swap3A_1765 = arith.index_cast %add3A_1733 : i32 to index
      %swap3A_1766 = arith.constant 16 : index
      %swap3A_1767 = tpu.vector_load %arg5[%swap3A_1765, %swap3A_1766] {strides = array<i32>} : memref<50x128xi32, #tpu.memory_space<vmem>>, vector<1x16xi32>,
      %swap3A_1768 = vector.shape_cast %swap3A_1767 : vector<1x16xi32> to vector<16xi32>
      %swap3A_1769 = vector.shape_cast %add3A_1764 : vector<16xi32> to vector<1x16xi32>
      tpu.vector_store %arg5[%swap3A_1765, %swap3A_1766], %swap3A_1769 {strides = array<i32>} : memref<50x128xi32, #tpu.memory_space<vmem>>, vector<1x16xi32>,
      %get3A_1770 = arith.index_cast %add3A_1733 : i32 to index
      %get3A_1771 = arith.constant 32 : index
      %get3A_1772 = tpu.vector_load %arg5[%get3A_1770, %get3A_1771] {strides = array<i32>} : memref<50x128xi32, #tpu.memory_space<vmem>>, vector<1x16xi32>,
      %get3A_1773 = vector.shape_cast %get3A_1772 : vector<1x16xi32> to vector<16xi32>
      %max3A_1774 = arith.constant -2048 : i32
      %max3A_1775 = vector.broadcast %max3A_1774 : i32 to vector<16xi32>
      %max3A_1776 = arith.maxsi %get3A_1773, %max3A_1775 : vector<16xi32>
      %min3A_1777 = arith.constant 2048 : i32
      %min3A_1778 = vector.broadcast %min3A_1777 : i32 to vector<16xi32>
      %min3A_1779 = arith.minsi %max3A_1776, %min3A_1778 : vector<16xi32>
      %add3A_1780 = arith.constant 2048 : i32
      %add3A_1781 = vector.broadcast %add3A_1780 : i32 to vector<16xi32>
      %add3A_1782 = arith.addi %min3A_1779, %add3A_1781 : vector<16xi32>
      %swap3A_1783 = arith.index_cast %add3A_1733 : i32 to index
      %swap3A_1784 = arith.constant 32 : index
      %swap3A_1785 = tpu.vector_load %arg5[%swap3A_1783, %swap3A_1784] {strides = array<i32>} : memref<50x128xi32, #tpu.memory_space<vmem>>, vector<1x16xi32>,
      %swap3A_1786 = vector.shape_cast %swap3A_1785 : vector<1x16xi32> to vector<16xi32>
      %swap3A_1787 = vector.shape_cast %add3A_1782 : vector<16xi32> to vector<1x16xi32>
      tpu.vector_store %arg5[%swap3A_1783, %swap3A_1784], %swap3A_1787 {strides = array<i32>} : memref<50x128xi32, #tpu.memory_space<vmem>>, vector<1x16xi32>,
      %get3A_1788 = arith.index_cast %add3A_1733 : i32 to index
      %get3A_1789 = arith.constant 48 : index
      %get3A_1790 = tpu.vector_load %arg5[%get3A_1788, %get3A_1789] {strides = array<i32>} : memref<50x128xi32, #tpu.memory_space<vmem>>, vector<1x16xi32>,
      %get3A_1791 = vector.shape_cast %get3A_1790 : vector<1x16xi32> to vector<16xi32>
      %max3A_1792 = arith.constant -2048 : i32
      %max3A_1793 = vector.broadcast %max3A_1792 : i32 to vector<16xi32>
      %max3A_1794 = arith.maxsi %get3A_1791, %max3A_1793 : vector<16xi32>
      %min3A_1795 = arith.constant 2048 : i32
      %min3A_1796 = vector.broadcast %min3A_1795 : i32 to vector<16xi32>
      %min3A_1797 = arith.minsi %max3A_1794, %min3A_1796 : vector<16xi32>
      %add3A_1798 = arith.constant 2048 : i32
      %add3A_1799 = vector.broadcast %add3A_1798 : i32 to vector<16xi32>
      %add3A_1800 = arith.addi %min3A_1797, %add3A_1799 : vector<16xi32>
      %swap3A_1801 = arith.index_cast %add3A_1733 : i32 to index
      %swap3A_1802 = arith.constant 48 : index
      %swap3A_1803 = tpu.vector_load %arg5[%swap3A_1801, %swap3A_1802] {strides = array<i32>} : memref<50x128xi32, #tpu.memory_space<vmem>>, vector<1x16xi32>,
      %swap3A_1804 = vector.shape_cast %swap3A_1803 : vector<1x16xi32> to vector<16xi32>
      %swap3A_1805 = vector.shape_cast %add3A_1800 : vector<16xi32> to vector<1x16xi32>
      tpu.vector_store %arg5[%swap3A_1801, %swap3A_1802], %swap3A_1805 {strides = array<i32>} : memref<50x128xi32, #tpu.memory_space<vmem>>, vector<1x16xi32>,
      %get3A_1806 = arith.index_cast %add3A_1733 : i32 to index
      %get3A_1807 = arith.constant 64 : index
      %get3A_1808 = tpu.vector_load %arg5[%get3A_1806, %get3A_1807] {strides = array<i32>} : memref<50x128xi32, #tpu.memory_space<vmem>>, vector<1x16xi32>,
      %get3A_1809 = vector.shape_cast %get3A_1808 : vector<1x16xi32> to vector<16xi32>
      %max3A_1810 = arith.constant -2048 : i32
      %max3A_1811 = vector.broadcast %max3A_1810 : i32 to vector<16xi32>
      %max3A_1812 = arith.maxsi %get3A_1809, %max3A_1811 : vector<16xi32>
      %min3A_1813 = arith.constant 2048 : i32
      %min3A_1814 = vector.broadcast %min3A_1813 : i32 to vector<16xi32>
      %min3A_1815 = arith.minsi %max3A_1812, %min3A_1814 : vector<16xi32>
      %add3A_1816 = arith.constant 2048 : i32
      %add3A_1817 = vector.broadcast %add3A_1816 : i32 to vector<16xi32>
      %add3A_1818 = arith.addi %min3A_1815, %add3A_1817 : vector<16xi32>
      %swap3A_1819 = arith.index_cast %add3A_1733 : i32 to index
      %swap3A_1820 = arith.constant 64 : index
      %swap3A_1821 = tpu.vector_load %arg5[%swap3A_1819, %swap3A_1820] {strides = array<i32>} : memref<50x128xi32, #tpu.memory_space<vmem>>, vector<1x16xi32>,
      %swap3A_1822 = vector.shape_cast %swap3A_1821 : vector<1x16xi32> to vector<16xi32>
      %swap3A_1823 = vector.shape_cast %add3A_1818 : vector<16xi32> to vector<1x16xi32>
      tpu.vector_store %arg5[%swap3A_1819, %swap3A_1820], %swap3A_1823 {strides = array<i32>} : memref<50x128xi32, #tpu.memory_space<vmem>>, vector<1x16xi32>,
      %get3A_1824 = arith.index_cast %add3A_1733 : i32 to index
      %get3A_1825 = arith.constant 80 : index
      %get3A_1826 = tpu.vector_load %arg5[%get3A_1824, %get3A_1825] {strides = array<i32>} : memref<50x128xi32, #tpu.memory_space<vmem>>, vector<1x16xi32>,
      %get3A_1827 = vector.shape_cast %get3A_1826 : vector<1x16xi32> to vector<16xi32>
      %max3A_1828 = arith.constant -2048 : i32
      %max3A_1829 = vector.broadcast %max3A_1828 : i32 to vector<16xi32>
      %max3A_1830 = arith.maxsi %get3A_1827, %max3A_1829 : vector<16xi32>
      %min3A_1831 = arith.constant 2048 : i32
      %min3A_1832 = vector.broadcast %min3A_1831 : i32 to vector<16xi32>
      %min3A_1833 = arith.minsi %max3A_1830, %min3A_1832 : vector<16xi32>
      %add3A_1834 = arith.constant 2048 : i32
      %add3A_1835 = vector.broadcast %add3A_1834 : i32 to vector<16xi32>
      %add3A_1836 = arith.addi %min3A_1833, %add3A_1835 : vector<16xi32>
      %swap3A_1837 = arith.index_cast %add3A_1733 : i32 to index
      %swap3A_1838 = arith.constant 80 : index
      %swap3A_1839 = tpu.vector_load %arg5[%swap3A_1837, %swap3A_1838] {strides = array<i32>} : memref<50x128xi32, #tpu.memory_space<vmem>>, vector<1x16xi32>,
      %swap3A_1840 = vector.shape_cast %swap3A_1839 : vector<1x16xi32> to vector<16xi32>
      %swap3A_1841 = vector.shape_cast %add3A_1836 : vector<16xi32> to vector<1x16xi32>
      tpu.vector_store %arg5[%swap3A_1837, %swap3A_1838], %swap3A_1841 {strides = array<i32>} : memref<50x128xi32, #tpu.memory_space<vmem>>, vector<1x16xi32>,
      %get3A_1842 = arith.index_cast %add3A_1733 : i32 to index
      %get3A_1843 = arith.constant 96 : index
      %get3A_1844 = tpu.vector_load %arg5[%get3A_1842, %get3A_1843] {strides = array<i32>} : memref<50x128xi32, #tpu.memory_space<vmem>>, vector<1x16xi32>,
      %get3A_1845 = vector.shape_cast %get3A_1844 : vector<1x16xi32> to vector<16xi32>
      %max3A_1846 = arith.constant -2048 : i32
      %max3A_1847 = vector.broadcast %max3A_1846 : i32 to vector<16xi32>
      %max3A_1848 = arith.maxsi %get3A_1845, %max3A_1847 : vector<16xi32>
      %min3A_1849 = arith.constant 2048 : i32
      %min3A_1850 = vector.broadcast %min3A_1849 : i32 to vector<16xi32>
      %min3A_1851 = arith.minsi %max3A_1848, %min3A_1850 : vector<16xi32>
      %add3A_1852 = arith.constant 2048 : i32
      %add3A_1853 = vector.broadcast %add3A_1852 : i32 to vector<16xi32>
      %add3A_1854 = arith.addi %min3A_1851, %add3A_1853 : vector<16xi32>
      %swap3A_1855 = arith.index_cast %add3A_1733 : i32 to index
      %swap3A_1856 = arith.constant 96 : index
      %swap3A_1857 = tpu.vector_load %arg5[%swap3A_1855, %swap3A_1856] {strides = array<i32>} : memref<50x128xi32, #tpu.memory_space<vmem>>, vector<1x16xi32>,
      %swap3A_1858 = vector.shape_cast %swap3A_1857 : vector<1x16xi32> to vector<16xi32>
      %swap3A_1859 = vector.shape_cast %add3A_1854 : vector<16xi32> to vector<1x16xi32>
      tpu.vector_store %arg5[%swap3A_1855, %swap3A_1856], %swap3A_1859 {strides = array<i32>} : memref<50x128xi32, #tpu.memory_space<vmem>>, vector<1x16xi32>,
      %get3A_1860 = arith.index_cast %add3A_1733 : i32 to index
      %get3A_1861 = arith.constant 112 : index
      %get3A_1862 = tpu.vector_load %arg5[%get3A_1860, %get3A_1861] {strides = array<i32>} : memref<50x128xi32, #tpu.memory_space<vmem>>, vector<1x16xi32>,
      %get3A_1863 = vector.shape_cast %get3A_1862 : vector<1x16xi32> to vector<16xi32>
      %max3A_1864 = arith.constant -2048 : i32
      %max3A_1865 = vector.broadcast %max3A_1864 : i32 to vector<16xi32>
      %max3A_1866 = arith.maxsi %get3A_1863, %max3A_1865 : vector<16xi32>
      %min3A_1867 = arith.constant 2048 : i32
      %min3A_1868 = vector.broadcast %min3A_1867 : i32 to vector<16xi32>
      %min3A_1869 = arith.minsi %max3A_1866, %min3A_1868 : vector<16xi32>
      %add3A_1870 = arith.constant 2048 : i32
      %add3A_1871 = vector.broadcast %add3A_1870 : i32 to vector<16xi32>
      %add3A_1872 = arith.addi %min3A_1869, %add3A_1871 : vector<16xi32>
      %swap3A_1873 = arith.index_cast %add3A_1733 : i32 to index
      %swap3A_1874 = arith.constant 112 : index
      %swap3A_1875 = tpu.vector_load %arg5[%swap3A_1873, %swap3A_1874] {strides = array<i32>} : memref<50x128xi32, #tpu.memory_space<vmem>>, vector<1x16xi32>,
      %swap3A_1876 = vector.shape_cast %swap3A_1875 : vector<1x16xi32> to vector<16xi32>
      %swap3A_1877 = vector.shape_cast %add3A_1872 : vector<16xi32> to vector<1x16xi32>
      tpu.vector_store %arg5[%swap3A_1873, %swap3A_1874], %swap3A_1877 {strides = array<i32>} : memref<50x128xi32, #tpu.memory_space<vmem>>, vector<1x16xi32>,
      %add3A_1878 = arith.constant 2 : i32
      %add3A_1879 = arith.addi %mul3A_1177, %add3A_1878 : i32
      %dma_wait3A_1880 = arith.constant 2 : i32
      %dma_wait3A_1881 = arith.constant 2 : i32
      %dma_wait3A_1882 = arith.constant 0 : i32
      %dma_wait3A_1883 = arith.constant 0 : i32
      %dma_wait3A_1884 = tpu.memref_slice %arg6[%dma_wait3A_1880, %dma_wait3A_1882, %dma_wait3A_1883] : memref<5x128x128xf32, #tpu.memory_space<vmem>> -> memref<1x128x128xf32, #tpu.memory_space<vmem>>
      %dma_wait3A_1885 = tpu.memref_squeeze %dma_wait3A_1884 : memref<1x128x128xf32, #tpu.memory_space<vmem>> -> memref<128x128xf32, #tpu.memory_space<vmem>>
      %dma_wait3A_1886 = arith.constant 0 : i32
      %dma_wait3A_1887 = tpu.memref_slice %arg4[%add3A_1879, %mul3A_2, %dma_wait3A_1886] : memref<50x4096x128xf32, #tpu.memory_space<hbm>> -> memref<1x128x128xf32, #tpu.memory_space<hbm>>
      %dma_wait3A_1888 = tpu.memref_squeeze %dma_wait3A_1887 : memref<1x128x128xf32, #tpu.memory_space<hbm>> -> memref<128x128xf32, #tpu.memory_space<hbm>>
      %dma_wait3A_1889 = tpu.memref_slice %arg9[%dma_wait3A_1881] : memref<5x!tpu.dma_semaphore, #tpu.memory_space<semaphore_mem>> -> memref<1x!tpu.dma_semaphore, #tpu.memory_space<semaphore_mem>>
      %dma_wait3A_1890 = tpu.memref_squeeze %dma_wait3A_1889 : memref<1x!tpu.dma_semaphore, #tpu.memory_space<semaphore_mem>> -> memref<!tpu.dma_semaphore, #tpu.memory_space<semaphore_mem>>
      %dma_wait3A_1891 = arith.constant 0 : i32
      %dma_wait3A_1892 = tpu.memref_slice %arg4[%add3A_1879, %mul3A_2, %dma_wait3A_1891] : memref<50x4096x128xf32, #tpu.memory_space<hbm>> -> memref<1x128x128xf32, #tpu.memory_space<hbm>>
      %dma_wait3A_1893 = tpu.memref_squeeze %dma_wait3A_1892 : memref<1x128x128xf32, #tpu.memory_space<hbm>> -> memref<128x128xf32, #tpu.memory_space<hbm>>
      %dma_wait3A_1894 = arith.constant 0 : i32
      %dma_wait3A_1895 = arith.constant 0 : i32
      %dma_wait3A_1896 = tpu.memref_slice %arg6[%dma_wait3A_1880, %dma_wait3A_1894, %dma_wait3A_1895] : memref<5x128x128xf32, #tpu.memory_space<vmem>> -> memref<1x128x128xf32, #tpu.memory_space<vmem>>
      %dma_wait3A_1897 = tpu.memref_squeeze %dma_wait3A_1896 : memref<1x128x128xf32, #tpu.memory_space<vmem>> -> memref<128x128xf32, #tpu.memory_space<vmem>>
      tpu.wait_dma2 semaphore(%dma_wait3A_1890 : memref<!tpu.dma_semaphore, #tpu.memory_space<semaphore_mem>>) src(%dma_wait3A_1897 : memref<128x128xf32, #tpu.memory_space<vmem>>) dst(%dma_wait3A_1893 : memref<128x128xf32, #tpu.memory_space<hbm>>)
      %add3A_1898 = arith.constant 2 : i32
      %add3A_1899 = arith.addi %mul3A_1177, %add3A_1898 : i32
      %add3A_1900 = arith.constant 5 : i32
      %add3A_1901 = arith.addi %add3A_1899, %add3A_1900 : i32
      %dma_start3A_1902 = arith.constant 2 : i32
      %dma_start3A_1903 = arith.constant 2 : i32
      %dma_start3A_1904 = arith.constant 0 : i32
      %dma_start3A_1905 = arith.constant 0 : i32
      %dma_start3A_1906 = tpu.memref_slice %arg6[%dma_start3A_1902, %dma_start3A_1904, %dma_start3A_1905] : memref<5x128x128xf32, #tpu.memory_space<vmem>> -> memref<1x128x128xf32, #tpu.memory_space<vmem>>
      %dma_start3A_1907 = tpu.memref_squeeze %dma_start3A_1906 : memref<1x128x128xf32, #tpu.memory_space<vmem>> -> memref<128x128xf32, #tpu.memory_space<vmem>>
      %dma_start3A_1908 = arith.constant 0 : i32
      %dma_start3A_1909 = tpu.memref_slice %arg5[%add3A_1901, %dma_start3A_1908] : memref<50x128xi32, #tpu.memory_space<vmem>> -> memref<1x128xi32, #tpu.memory_space<vmem>>
      %dma_start3A_1910 = tpu.memref_squeeze %dma_start3A_1909 : memref<1x128xi32, #tpu.memory_space<vmem>> -> memref<128xi32, #tpu.memory_space<vmem>>
      %dma_start3A_1911 = arith.constant 0 : i32
      %dma_start3A_1912 = arith.constant 0 : i32
      %dma_start3A_1913 = tpu.memref_slice %arg7[%dma_start3A_1911, %dma_start3A_1912] : memref<4097x128xf32, #tpu.memory_space<vmem_shared>> -> memref<4097x128xf32, #tpu.memory_space<vmem_shared>>
      %dma_start3A_1914 = tpu.memref_slice %arg8[%dma_start3A_1903] : memref<5x!tpu.dma_semaphore, #tpu.memory_space<semaphore_mem>> -> memref<1x!tpu.dma_semaphore, #tpu.memory_space<semaphore_mem>>
      %dma_start3A_1915 = tpu.memref_squeeze %dma_start3A_1914 : memref<1x!tpu.dma_semaphore, #tpu.memory_space<semaphore_mem>> -> memref<!tpu.dma_semaphore, #tpu.memory_space<semaphore_mem>>
      tpu.enqueue_indirect_dma source(%dma_start3A_1913 : memref<4097x128xf32, #tpu.memory_space<vmem_shared>>) target(%dma_start3A_1907 : memref<128x128xf32, #tpu.memory_space<vmem>>) offsets(%dma_start3A_1910 : memref<128xi32, #tpu.memory_space<vmem>>) semaphore(%dma_start3A_1915 : memref<!tpu.dma_semaphore, #tpu.memory_space<semaphore_mem>>)
      %add3A_1916 = arith.constant 3 : i32
      %add3A_1917 = arith.addi %mul3A_1177, %add3A_1916 : i32
      %add3A_1918 = arith.constant 5 : i32
      %add3A_1919 = arith.addi %add3A_1917, %add3A_1918 : i32
      %get3A_1920 = arith.index_cast %add3A_1919 : i32 to index
      %get3A_1921 = arith.constant 0 : index
      %get3A_1922 = tpu.vector_load %arg5[%get3A_1920, %get3A_1921] {strides = array<i32>} : memref<50x128xi32, #tpu.memory_space<vmem>>, vector<1x16xi32>,
      %get3A_1923 = vector.shape_cast %get3A_1922 : vector<1x16xi32> to vector<16xi32>
      %max3A_1924 = arith.constant -2048 : i32
      %max3A_1925 = vector.broadcast %max3A_1924 : i32 to vector<16xi32>
      %max3A_1926 = arith.maxsi %get3A_1923, %max3A_1925 : vector<16xi32>
      %min3A_1927 = arith.constant 2048 : i32
      %min3A_1928 = vector.broadcast %min3A_1927 : i32 to vector<16xi32>
      %min3A_1929 = arith.minsi %max3A_1926, %min3A_1928 : vector<16xi32>
      %add3A_1930 = arith.constant 2048 : i32
      %add3A_1931 = vector.broadcast %add3A_1930 : i32 to vector<16xi32>
      %add3A_1932 = arith.addi %min3A_1929, %add3A_1931 : vector<16xi32>
      %swap3A_1933 = arith.index_cast %add3A_1919 : i32 to index
      %swap3A_1934 = arith.constant 0 : index
      %swap3A_1935 = tpu.vector_load %arg5[%swap3A_1933, %swap3A_1934] {strides = array<i32>} : memref<50x128xi32, #tpu.memory_space<vmem>>, vector<1x16xi32>,
      %swap3A_1936 = vector.shape_cast %swap3A_1935 : vector<1x16xi32> to vector<16xi32>
      %swap3A_1937 = vector.shape_cast %add3A_1932 : vector<16xi32> to vector<1x16xi32>
      tpu.vector_store %arg5[%swap3A_1933, %swap3A_1934], %swap3A_1937 {strides = array<i32>} : memref<50x128xi32, #tpu.memory_space<vmem>>, vector<1x16xi32>,
      %get3A_1938 = arith.index_cast %add3A_1919 : i32 to index
      %get3A_1939 = arith.constant 16 : index
      %get3A_1940 = tpu.vector_load %arg5[%get3A_1938, %get3A_1939] {strides = array<i32>} : memref<50x128xi32, #tpu.memory_space<vmem>>, vector<1x16xi32>,
      %get3A_1941 = vector.shape_cast %get3A_1940 : vector<1x16xi32> to vector<16xi32>
      %max3A_1942 = arith.constant -2048 : i32
      %max3A_1943 = vector.broadcast %max3A_1942 : i32 to vector<16xi32>
      %max3A_1944 = arith.maxsi %get3A_1941, %max3A_1943 : vector<16xi32>
      %min3A_1945 = arith.constant 2048 : i32
      %min3A_1946 = vector.broadcast %min3A_1945 : i32 to vector<16xi32>
      %min3A_1947 = arith.minsi %max3A_1944, %min3A_1946 : vector<16xi32>
      %add3A_1948 = arith.constant 2048 : i32
      %add3A_1949 = vector.broadcast %add3A_1948 : i32 to vector<16xi32>
      %add3A_1950 = arith.addi %min3A_1947, %add3A_1949 : vector<16xi32>
      %swap3A_1951 = arith.index_cast %add3A_1919 : i32 to index
      %swap3A_1952 = arith.constant 16 : index
      %swap3A_1953 = tpu.vector_load %arg5[%swap3A_1951, %swap3A_1952] {strides = array<i32>} : memref<50x128xi32, #tpu.memory_space<vmem>>, vector<1x16xi32>,
      %swap3A_1954 = vector.shape_cast %swap3A_1953 : vector<1x16xi32> to vector<16xi32>
      %swap3A_1955 = vector.shape_cast %add3A_1950 : vector<16xi32> to vector<1x16xi32>
      tpu.vector_store %arg5[%swap3A_1951, %swap3A_1952], %swap3A_1955 {strides = array<i32>} : memref<50x128xi32, #tpu.memory_space<vmem>>, vector<1x16xi32>,
      %get3A_1956 = arith.index_cast %add3A_1919 : i32 to index
      %get3A_1957 = arith.constant 32 : index
      %get3A_1958 = tpu.vector_load %arg5[%get3A_1956, %get3A_1957] {strides = array<i32>} : memref<50x128xi32, #tpu.memory_space<vmem>>, vector<1x16xi32>,
      %get3A_1959 = vector.shape_cast %get3A_1958 : vector<1x16xi32> to vector<16xi32>
      %max3A_1960 = arith.constant -2048 : i32
      %max3A_1961 = vector.broadcast %max3A_1960 : i32 to vector<16xi32>
      %max3A_1962 = arith.maxsi %get3A_1959, %max3A_1961 : vector<16xi32>
      %min3A_1963 = arith.constant 2048 : i32
      %min3A_1964 = vector.broadcast %min3A_1963 : i32 to vector<16xi32>
      %min3A_1965 = arith.minsi %max3A_1962, %min3A_1964 : vector<16xi32>
      %add3A_1966 = arith.constant 2048 : i32
      %add3A_1967 = vector.broadcast %add3A_1966 : i32 to vector<16xi32>
      %add3A_1968 = arith.addi %min3A_1965, %add3A_1967 : vector<16xi32>
      %swap3A_1969 = arith.index_cast %add3A_1919 : i32 to index
      %swap3A_1970 = arith.constant 32 : index
      %swap3A_1971 = tpu.vector_load %arg5[%swap3A_1969, %swap3A_1970] {strides = array<i32>} : memref<50x128xi32, #tpu.memory_space<vmem>>, vector<1x16xi32>,
      %swap3A_1972 = vector.shape_cast %swap3A_1971 : vector<1x16xi32> to vector<16xi32>
      %swap3A_1973 = vector.shape_cast %add3A_1968 : vector<16xi32> to vector<1x16xi32>
      tpu.vector_store %arg5[%swap3A_1969, %swap3A_1970], %swap3A_1973 {strides = array<i32>} : memref<50x128xi32, #tpu.memory_space<vmem>>, vector<1x16xi32>,
      %get3A_1974 = arith.index_cast %add3A_1919 : i32 to index
      %get3A_1975 = arith.constant 48 : index
      %get3A_1976 = tpu.vector_load %arg5[%get3A_1974, %get3A_1975] {strides = array<i32>} : memref<50x128xi32, #tpu.memory_space<vmem>>, vector<1x16xi32>,
      %get3A_1977 = vector.shape_cast %get3A_1976 : vector<1x16xi32> to vector<16xi32>
      %max3A_1978 = arith.constant -2048 : i32
      %max3A_1979 = vector.broadcast %max3A_1978 : i32 to vector<16xi32>
      %max3A_1980 = arith.maxsi %get3A_1977, %max3A_1979 : vector<16xi32>
      %min3A_1981 = arith.constant 2048 : i32
      %min3A_1982 = vector.broadcast %min3A_1981 : i32 to vector<16xi32>
      %min3A_1983 = arith.minsi %max3A_1980, %min3A_1982 : vector<16xi32>
      %add3A_1984 = arith.constant 2048 : i32
      %add3A_1985 = vector.broadcast %add3A_1984 : i32 to vector<16xi32>
      %add3A_1986 = arith.addi %min3A_1983, %add3A_1985 : vector<16xi32>
      %swap3A_1987 = arith.index_cast %add3A_1919 : i32 to index
      %swap3A_1988 = arith.constant 48 : index
      %swap3A_1989 = tpu.vector_load %arg5[%swap3A_1987, %swap3A_1988] {strides = array<i32>} : memref<50x128xi32, #tpu.memory_space<vmem>>, vector<1x16xi32>,
      %swap3A_1990 = vector.shape_cast %swap3A_1989 : vector<1x16xi32> to vector<16xi32>
      %swap3A_1991 = vector.shape_cast %add3A_1986 : vector<16xi32> to vector<1x16xi32>
      tpu.vector_store %arg5[%swap3A_1987, %swap3A_1988], %swap3A_1991 {strides = array<i32>} : memref<50x128xi32, #tpu.memory_space<vmem>>, vector<1x16xi32>,
      %get3A_1992 = arith.index_cast %add3A_1919 : i32 to index
      %get3A_1993 = arith.constant 64 : index
      %get3A_1994 = tpu.vector_load %arg5[%get3A_1992, %get3A_1993] {strides = array<i32>} : memref<50x128xi32, #tpu.memory_space<vmem>>, vector<1x16xi32>,
      %get3A_1995 = vector.shape_cast %get3A_1994 : vector<1x16xi32> to vector<16xi32>
      %max3A_1996 = arith.constant -2048 : i32
      %max3A_1997 = vector.broadcast %max3A_1996 : i32 to vector<16xi32>
      %max3A_1998 = arith.maxsi %get3A_1995, %max3A_1997 : vector<16xi32>
      %min3A_1999 = arith.constant 2048 : i32
      %min3A_2000 = vector.broadcast %min3A_1999 : i32 to vector<16xi32>
      %min3A_2001 = arith.minsi %max3A_1998, %min3A_2000 : vector<16xi32>
      %add3A_2002 = arith.constant 2048 : i32
      %add3A_2003 = vector.broadcast %add3A_2002 : i32 to vector<16xi32>
      %add3A_2004 = arith.addi %min3A_2001, %add3A_2003 : vector<16xi32>
      %swap3A_2005 = arith.index_cast %add3A_1919 : i32 to index
      %swap3A_2006 = arith.constant 64 : index
      %swap3A_2007 = tpu.vector_load %arg5[%swap3A_2005, %swap3A_2006] {strides = array<i32>} : memref<50x128xi32, #tpu.memory_space<vmem>>, vector<1x16xi32>,
      %swap3A_2008 = vector.shape_cast %swap3A_2007 : vector<1x16xi32> to vector<16xi32>
      %swap3A_2009 = vector.shape_cast %add3A_2004 : vector<16xi32> to vector<1x16xi32>
      tpu.vector_store %arg5[%swap3A_2005, %swap3A_2006], %swap3A_2009 {strides = array<i32>} : memref<50x128xi32, #tpu.memory_space<vmem>>, vector<1x16xi32>,
      %get3A_2010 = arith.index_cast %add3A_1919 : i32 to index
      %get3A_2011 = arith.constant 80 : index
      %get3A_2012 = tpu.vector_load %arg5[%get3A_2010, %get3A_2011] {strides = array<i32>} : memref<50x128xi32, #tpu.memory_space<vmem>>, vector<1x16xi32>,
      %get3A_2013 = vector.shape_cast %get3A_2012 : vector<1x16xi32> to vector<16xi32>
      %max3A_2014 = arith.constant -2048 : i32
      %max3A_2015 = vector.broadcast %max3A_2014 : i32 to vector<16xi32>
      %max3A_2016 = arith.maxsi %get3A_2013, %max3A_2015 : vector<16xi32>
      %min3A_2017 = arith.constant 2048 : i32
      %min3A_2018 = vector.broadcast %min3A_2017 : i32 to vector<16xi32>
      %min3A_2019 = arith.minsi %max3A_2016, %min3A_2018 : vector<16xi32>
      %add3A_2020 = arith.constant 2048 : i32
      %add3A_2021 = vector.broadcast %add3A_2020 : i32 to vector<16xi32>
      %add3A_2022 = arith.addi %min3A_2019, %add3A_2021 : vector<16xi32>
      %swap3A_2023 = arith.index_cast %add3A_1919 : i32 to index
      %swap3A_2024 = arith.constant 80 : index
      %swap3A_2025 = tpu.vector_load %arg5[%swap3A_2023, %swap3A_2024] {strides = array<i32>} : memref<50x128xi32, #tpu.memory_space<vmem>>, vector<1x16xi32>,
      %swap3A_2026 = vector.shape_cast %swap3A_2025 : vector<1x16xi32> to vector<16xi32>
      %swap3A_2027 = vector.shape_cast %add3A_2022 : vector<16xi32> to vector<1x16xi32>
      tpu.vector_store %arg5[%swap3A_2023, %swap3A_2024], %swap3A_2027 {strides = array<i32>} : memref<50x128xi32, #tpu.memory_space<vmem>>, vector<1x16xi32>,
      %get3A_2028 = arith.index_cast %add3A_1919 : i32 to index
      %get3A_2029 = arith.constant 96 : index
      %get3A_2030 = tpu.vector_load %arg5[%get3A_2028, %get3A_2029] {strides = array<i32>} : memref<50x128xi32, #tpu.memory_space<vmem>>, vector<1x16xi32>,
      %get3A_2031 = vector.shape_cast %get3A_2030 : vector<1x16xi32> to vector<16xi32>
      %max3A_2032 = arith.constant -2048 : i32
      %max3A_2033 = vector.broadcast %max3A_2032 : i32 to vector<16xi32>
      %max3A_2034 = arith.maxsi %get3A_2031, %max3A_2033 : vector<16xi32>
      %min3A_2035 = arith.constant 2048 : i32
      %min3A_2036 = vector.broadcast %min3A_2035 : i32 to vector<16xi32>
      %min3A_2037 = arith.minsi %max3A_2034, %min3A_2036 : vector<16xi32>
      %add3A_2038 = arith.constant 2048 : i32
      %add3A_2039 = vector.broadcast %add3A_2038 : i32 to vector<16xi32>
      %add3A_2040 = arith.addi %min3A_2037, %add3A_2039 : vector<16xi32>
      %swap3A_2041 = arith.index_cast %add3A_1919 : i32 to index
      %swap3A_2042 = arith.constant 96 : index
      %swap3A_2043 = tpu.vector_load %arg5[%swap3A_2041, %swap3A_2042] {strides = array<i32>} : memref<50x128xi32, #tpu.memory_space<vmem>>, vector<1x16xi32>,
      %swap3A_2044 = vector.shape_cast %swap3A_2043 : vector<1x16xi32> to vector<16xi32>
      %swap3A_2045 = vector.shape_cast %add3A_2040 : vector<16xi32> to vector<1x16xi32>
      tpu.vector_store %arg5[%swap3A_2041, %swap3A_2042], %swap3A_2045 {strides = array<i32>} : memref<50x128xi32, #tpu.memory_space<vmem>>, vector<1x16xi32>,
      %get3A_2046 = arith.index_cast %add3A_1919 : i32 to index
      %get3A_2047 = arith.constant 112 : index
      %get3A_2048 = tpu.vector_load %arg5[%get3A_2046, %get3A_2047] {strides = array<i32>} : memref<50x128xi32, #tpu.memory_space<vmem>>, vector<1x16xi32>,
      %get3A_2049 = vector.shape_cast %get3A_2048 : vector<1x16xi32> to vector<16xi32>
      %max3A_2050 = arith.constant -2048 : i32
      %max3A_2051 = vector.broadcast %max3A_2050 : i32 to vector<16xi32>
      %max3A_2052 = arith.maxsi %get3A_2049, %max3A_2051 : vector<16xi32>
      %min3A_2053 = arith.constant 2048 : i32
      %min3A_2054 = vector.broadcast %min3A_2053 : i32 to vector<16xi32>
      %min3A_2055 = arith.minsi %max3A_2052, %min3A_2054 : vector<16xi32>
      %add3A_2056 = arith.constant 2048 : i32
      %add3A_2057 = vector.broadcast %add3A_2056 : i32 to vector<16xi32>
      %add3A_2058 = arith.addi %min3A_2055, %add3A_2057 : vector<16xi32>
      %swap3A_2059 = arith.index_cast %add3A_1919 : i32 to index
      %swap3A_2060 = arith.constant 112 : index
      %swap3A_2061 = tpu.vector_load %arg5[%swap3A_2059, %swap3A_2060] {strides = array<i32>} : memref<50x128xi32, #tpu.memory_space<vmem>>, vector<1x16xi32>,
      %swap3A_2062 = vector.shape_cast %swap3A_2061 : vector<1x16xi32> to vector<16xi32>
      %swap3A_2063 = vector.shape_cast %add3A_2058 : vector<16xi32> to vector<1x16xi32>
      tpu.vector_store %arg5[%swap3A_2059, %swap3A_2060], %swap3A_2063 {strides = array<i32>} : memref<50x128xi32, #tpu.memory_space<vmem>>, vector<1x16xi32>,
      %add3A_2064 = arith.constant 3 : i32
      %add3A_2065 = arith.addi %mul3A_1177, %add3A_2064 : i32
      %dma_wait3A_2066 = arith.constant 3 : i32
      %dma_wait3A_2067 = arith.constant 3 : i32
      %dma_wait3A_2068 = arith.constant 0 : i32
      %dma_wait3A_2069 = arith.constant 0 : i32
      %dma_wait3A_2070 = tpu.memref_slice %arg6[%dma_wait3A_2066, %dma_wait3A_2068, %dma_wait3A_2069] : memref<5x128x128xf32, #tpu.memory_space<vmem>> -> memref<1x128x128xf32, #tpu.memory_space<vmem>>
      %dma_wait3A_2071 = tpu.memref_squeeze %dma_wait3A_2070 : memref<1x128x128xf32, #tpu.memory_space<vmem>> -> memref<128x128xf32, #tpu.memory_space<vmem>>
      %dma_wait3A_2072 = arith.constant 0 : i32
      %dma_wait3A_2073 = tpu.memref_slice %arg4[%add3A_2065, %mul3A_2, %dma_wait3A_2072] : memref<50x4096x128xf32, #tpu.memory_space<hbm>> -> memref<1x128x128xf32, #tpu.memory_space<hbm>>
      %dma_wait3A_2074 = tpu.memref_squeeze %dma_wait3A_2073 : memref<1x128x128xf32, #tpu.memory_space<hbm>> -> memref<128x128xf32, #tpu.memory_space<hbm>>
      %dma_wait3A_2075 = tpu.memref_slice %arg9[%dma_wait3A_2067] : memref<5x!tpu.dma_semaphore, #tpu.memory_space<semaphore_mem>> -> memref<1x!tpu.dma_semaphore, #tpu.memory_space<semaphore_mem>>
      %dma_wait3A_2076 = tpu.memref_squeeze %dma_wait3A_2075 : memref<1x!tpu.dma_semaphore, #tpu.memory_space<semaphore_mem>> -> memref<!tpu.dma_semaphore, #tpu.memory_space<semaphore_mem>>
      %dma_wait3A_2077 = arith.constant 0 : i32
      %dma_wait3A_2078 = tpu.memref_slice %arg4[%add3A_2065, %mul3A_2, %dma_wait3A_2077] : memref<50x4096x128xf32, #tpu.memory_space<hbm>> -> memref<1x128x128xf32, #tpu.memory_space<hbm>>
      %dma_wait3A_2079 = tpu.memref_squeeze %dma_wait3A_2078 : memref<1x128x128xf32, #tpu.memory_space<hbm>> -> memref<128x128xf32, #tpu.memory_space<hbm>>
      %dma_wait3A_2080 = arith.constant 0 : i32
      %dma_wait3A_2081 = arith.constant 0 : i32
      %dma_wait3A_2082 = tpu.memref_slice %arg6[%dma_wait3A_2066, %dma_wait3A_2080, %dma_wait3A_2081] : memref<5x128x128xf32, #tpu.memory_space<vmem>> -> memref<1x128x128xf32, #tpu.memory_space<vmem>>
      %dma_wait3A_2083 = tpu.memref_squeeze %dma_wait3A_2082 : memref<1x128x128xf32, #tpu.memory_space<vmem>> -> memref<128x128xf32, #tpu.memory_space<vmem>>
      tpu.wait_dma2 semaphore(%dma_wait3A_2076 : memref<!tpu.dma_semaphore, #tpu.memory_space<semaphore_mem>>) src(%dma_wait3A_2083 : memref<128x128xf32, #tpu.memory_space<vmem>>) dst(%dma_wait3A_2079 : memref<128x128xf32, #tpu.memory_space<hbm>>)
      %add3A_2084 = arith.constant 3 : i32
      %add3A_2085 = arith.addi %mul3A_1177, %add3A_2084 : i32
      %add3A_2086 = arith.constant 5 : i32
      %add3A_2087 = arith.addi %add3A_2085, %add3A_2086 : i32
      %dma_start3A_2088 = arith.constant 3 : i32
      %dma_start3A_2089 = arith.constant 3 : i32
      %dma_start3A_2090 = arith.constant 0 : i32
      %dma_start3A_2091 = arith.constant 0 : i32
      %dma_start3A_2092 = tpu.memref_slice %arg6[%dma_start3A_2088, %dma_start3A_2090, %dma_start3A_2091] : memref<5x128x128xf32, #tpu.memory_space<vmem>> -> memref<1x128x128xf32, #tpu.memory_space<vmem>>
      %dma_start3A_2093 = tpu.memref_squeeze %dma_start3A_2092 : memref<1x128x128xf32, #tpu.memory_space<vmem>> -> memref<128x128xf32, #tpu.memory_space<vmem>>
      %dma_start3A_2094 = arith.constant 0 : i32
      %dma_start3A_2095 = tpu.memref_slice %arg5[%add3A_2087, %dma_start3A_2094] : memref<50x128xi32, #tpu.memory_space<vmem>> -> memref<1x128xi32, #tpu.memory_space<vmem>>
      %dma_start3A_2096 = tpu.memref_squeeze %dma_start3A_2095 : memref<1x128xi32, #tpu.memory_space<vmem>> -> memref<128xi32, #tpu.memory_space<vmem>>
      %dma_start3A_2097 = arith.constant 0 : i32
      %dma_start3A_2098 = arith.constant 0 : i32
      %dma_start3A_2099 = tpu.memref_slice %arg7[%dma_start3A_2097, %dma_start3A_2098] : memref<4097x128xf32, #tpu.memory_space<vmem_shared>> -> memref<4097x128xf32, #tpu.memory_space<vmem_shared>>
      %dma_start3A_2100 = tpu.memref_slice %arg8[%dma_start3A_2089] : memref<5x!tpu.dma_semaphore, #tpu.memory_space<semaphore_mem>> -> memref<1x!tpu.dma_semaphore, #tpu.memory_space<semaphore_mem>>
      %dma_start3A_2101 = tpu.memref_squeeze %dma_start3A_2100 : memref<1x!tpu.dma_semaphore, #tpu.memory_space<semaphore_mem>> -> memref<!tpu.dma_semaphore, #tpu.memory_space<semaphore_mem>>
      tpu.enqueue_indirect_dma source(%dma_start3A_2099 : memref<4097x128xf32, #tpu.memory_space<vmem_shared>>) target(%dma_start3A_2093 : memref<128x128xf32, #tpu.memory_space<vmem>>) offsets(%dma_start3A_2096 : memref<128xi32, #tpu.memory_space<vmem>>) semaphore(%dma_start3A_2101 : memref<!tpu.dma_semaphore, #tpu.memory_space<semaphore_mem>>)
      %add3A_2102 = arith.constant 4 : i32
      %add3A_2103 = arith.addi %mul3A_1177, %add3A_2102 : i32
      %add3A_2104 = arith.constant 5 : i32
      %add3A_2105 = arith.addi %add3A_2103, %add3A_2104 : i32
      %get3A_2106 = arith.index_cast %add3A_2105 : i32 to index
      %get3A_2107 = arith.constant 0 : index
      %get3A_2108 = tpu.vector_load %arg5[%get3A_2106, %get3A_2107] {strides = array<i32>} : memref<50x128xi32, #tpu.memory_space<vmem>>, vector<1x16xi32>,
      %get3A_2109 = vector.shape_cast %get3A_2108 : vector<1x16xi32> to vector<16xi32>
      %max3A_2110 = arith.constant -2048 : i32
      %max3A_2111 = vector.broadcast %max3A_2110 : i32 to vector<16xi32>
      %max3A_2112 = arith.maxsi %get3A_2109, %max3A_2111 : vector<16xi32>
      %min3A_2113 = arith.constant 2048 : i32
      %min3A_2114 = vector.broadcast %min3A_2113 : i32 to vector<16xi32>
      %min3A_2115 = arith.minsi %max3A_2112, %min3A_2114 : vector<16xi32>
      %add3A_2116 = arith.constant 2048 : i32
      %add3A_2117 = vector.broadcast %add3A_2116 : i32 to vector<16xi32>
      %add3A_2118 = arith.addi %min3A_2115, %add3A_2117 : vector<16xi32>
      %swap3A_2119 = arith.index_cast %add3A_2105 : i32 to index
      %swap3A_2120 = arith.constant 0 : index
      %swap3A_2121 = tpu.vector_load %arg5[%swap3A_2119, %swap3A_2120] {strides = array<i32>} : memref<50x128xi32, #tpu.memory_space<vmem>>, vector<1x16xi32>,
      %swap3A_2122 = vector.shape_cast %swap3A_2121 : vector<1x16xi32> to vector<16xi32>
      %swap3A_2123 = vector.shape_cast %add3A_2118 : vector<16xi32> to vector<1x16xi32>
      tpu.vector_store %arg5[%swap3A_2119, %swap3A_2120], %swap3A_2123 {strides = array<i32>} : memref<50x128xi32, #tpu.memory_space<vmem>>, vector<1x16xi32>,
      %get3A_2124 = arith.index_cast %add3A_2105 : i32 to index
      %get3A_2125 = arith.constant 16 : index
      %get3A_2126 = tpu.vector_load %arg5[%get3A_2124, %get3A_2125] {strides = array<i32>} : memref<50x128xi32, #tpu.memory_space<vmem>>, vector<1x16xi32>,
      %get3A_2127 = vector.shape_cast %get3A_2126 : vector<1x16xi32> to vector<16xi32>
      %max3A_2128 = arith.constant -2048 : i32
      %max3A_2129 = vector.broadcast %max3A_2128 : i32 to vector<16xi32>
      %max3A_2130 = arith.maxsi %get3A_2127, %max3A_2129 : vector<16xi32>
      %min3A_2131 = arith.constant 2048 : i32
      %min3A_2132 = vector.broadcast %min3A_2131 : i32 to vector<16xi32>
      %min3A_2133 = arith.minsi %max3A_2130, %min3A_2132 : vector<16xi32>
      %add3A_2134 = arith.constant 2048 : i32
      %add3A_2135 = vector.broadcast %add3A_2134 : i32 to vector<16xi32>
      %add3A_2136 = arith.addi %min3A_2133, %add3A_2135 : vector<16xi32>
      %swap3A_2137 = arith.index_cast %add3A_2105 : i32 to index
      %swap3A_2138 = arith.constant 16 : index
      %swap3A_2139 = tpu.vector_load %arg5[%swap3A_2137, %swap3A_2138] {strides = array<i32>} : memref<50x128xi32, #tpu.memory_space<vmem>>, vector<1x16xi32>,
      %swap3A_2140 = vector.shape_cast %swap3A_2139 : vector<1x16xi32> to vector<16xi32>
      %swap3A_2141 = vector.shape_cast %add3A_2136 : vector<16xi32> to vector<1x16xi32>
      tpu.vector_store %arg5[%swap3A_2137, %swap3A_2138], %swap3A_2141 {strides = array<i32>} : memref<50x128xi32, #tpu.memory_space<vmem>>, vector<1x16xi32>,
      %get3A_2142 = arith.index_cast %add3A_2105 : i32 to index
      %get3A_2143 = arith.constant 32 : index
      %get3A_2144 = tpu.vector_load %arg5[%get3A_2142, %get3A_2143] {strides = array<i32>} : memref<50x128xi32, #tpu.memory_space<vmem>>, vector<1x16xi32>,
      %get3A_2145 = vector.shape_cast %get3A_2144 : vector<1x16xi32> to vector<16xi32>
      %max3A_2146 = arith.constant -2048 : i32
      %max3A_2147 = vector.broadcast %max3A_2146 : i32 to vector<16xi32>
      %max3A_2148 = arith.maxsi %get3A_2145, %max3A_2147 : vector<16xi32>
      %min3A_2149 = arith.constant 2048 : i32
      %min3A_2150 = vector.broadcast %min3A_2149 : i32 to vector<16xi32>
      %min3A_2151 = arith.minsi %max3A_2148, %min3A_2150 : vector<16xi32>
      %add3A_2152 = arith.constant 2048 : i32
      %add3A_2153 = vector.broadcast %add3A_2152 : i32 to vector<16xi32>
      %add3A_2154 = arith.addi %min3A_2151, %add3A_2153 : vector<16xi32>
      %swap3A_2155 = arith.index_cast %add3A_2105 : i32 to index
      %swap3A_2156 = arith.constant 32 : index
      %swap3A_2157 = tpu.vector_load %arg5[%swap3A_2155, %swap3A_2156] {strides = array<i32>} : memref<50x128xi32, #tpu.memory_space<vmem>>, vector<1x16xi32>,
      %swap3A_2158 = vector.shape_cast %swap3A_2157 : vector<1x16xi32> to vector<16xi32>
      %swap3A_2159 = vector.shape_cast %add3A_2154 : vector<16xi32> to vector<1x16xi32>
      tpu.vector_store %arg5[%swap3A_2155, %swap3A_2156], %swap3A_2159 {strides = array<i32>} : memref<50x128xi32, #tpu.memory_space<vmem>>, vector<1x16xi32>,
      %get3A_2160 = arith.index_cast %add3A_2105 : i32 to index
      %get3A_2161 = arith.constant 48 : index
      %get3A_2162 = tpu.vector_load %arg5[%get3A_2160, %get3A_2161] {strides = array<i32>} : memref<50x128xi32, #tpu.memory_space<vmem>>, vector<1x16xi32>,
      %get3A_2163 = vector.shape_cast %get3A_2162 : vector<1x16xi32> to vector<16xi32>
      %max3A_2164 = arith.constant -2048 : i32
      %max3A_2165 = vector.broadcast %max3A_2164 : i32 to vector<16xi32>
      %max3A_2166 = arith.maxsi %get3A_2163, %max3A_2165 : vector<16xi32>
      %min3A_2167 = arith.constant 2048 : i32
      %min3A_2168 = vector.broadcast %min3A_2167 : i32 to vector<16xi32>
      %min3A_2169 = arith.minsi %max3A_2166, %min3A_2168 : vector<16xi32>
      %add3A_2170 = arith.constant 2048 : i32
      %add3A_2171 = vector.broadcast %add3A_2170 : i32 to vector<16xi32>
      %add3A_2172 = arith.addi %min3A_2169, %add3A_2171 : vector<16xi32>
      %swap3A_2173 = arith.index_cast %add3A_2105 : i32 to index
      %swap3A_2174 = arith.constant 48 : index
      %swap3A_2175 = tpu.vector_load %arg5[%swap3A_2173, %swap3A_2174] {strides = array<i32>} : memref<50x128xi32, #tpu.memory_space<vmem>>, vector<1x16xi32>,
      %swap3A_2176 = vector.shape_cast %swap3A_2175 : vector<1x16xi32> to vector<16xi32>
      %swap3A_2177 = vector.shape_cast %add3A_2172 : vector<16xi32> to vector<1x16xi32>
      tpu.vector_store %arg5[%swap3A_2173, %swap3A_2174], %swap3A_2177 {strides = array<i32>} : memref<50x128xi32, #tpu.memory_space<vmem>>, vector<1x16xi32>,
      %get3A_2178 = arith.index_cast %add3A_2105 : i32 to index
      %get3A_2179 = arith.constant 64 : index
      %get3A_2180 = tpu.vector_load %arg5[%get3A_2178, %get3A_2179] {strides = array<i32>} : memref<50x128xi32, #tpu.memory_space<vmem>>, vector<1x16xi32>,
      %get3A_2181 = vector.shape_cast %get3A_2180 : vector<1x16xi32> to vector<16xi32>
      %max3A_2182 = arith.constant -2048 : i32
      %max3A_2183 = vector.broadcast %max3A_2182 : i32 to vector<16xi32>
      %max3A_2184 = arith.maxsi %get3A_2181, %max3A_2183 : vector<16xi32>
      %min3A_2185 = arith.constant 2048 : i32
      %min3A_2186 = vector.broadcast %min3A_2185 : i32 to vector<16xi32>
      %min3A_2187 = arith.minsi %max3A_2184, %min3A_2186 : vector<16xi32>
      %add3A_2188 = arith.constant 2048 : i32
      %add3A_2189 = vector.broadcast %add3A_2188 : i32 to vector<16xi32>
      %add3A_2190 = arith.addi %min3A_2187, %add3A_2189 : vector<16xi32>
      %swap3A_2191 = arith.index_cast %add3A_2105 : i32 to index
      %swap3A_2192 = arith.constant 64 : index
      %swap3A_2193 = tpu.vector_load %arg5[%swap3A_2191, %swap3A_2192] {strides = array<i32>} : memref<50x128xi32, #tpu.memory_space<vmem>>, vector<1x16xi32>,
      %swap3A_2194 = vector.shape_cast %swap3A_2193 : vector<1x16xi32> to vector<16xi32>
      %swap3A_2195 = vector.shape_cast %add3A_2190 : vector<16xi32> to vector<1x16xi32>
      tpu.vector_store %arg5[%swap3A_2191, %swap3A_2192], %swap3A_2195 {strides = array<i32>} : memref<50x128xi32, #tpu.memory_space<vmem>>, vector<1x16xi32>,
      %get3A_2196 = arith.index_cast %add3A_2105 : i32 to index
      %get3A_2197 = arith.constant 80 : index
      %get3A_2198 = tpu.vector_load %arg5[%get3A_2196, %get3A_2197] {strides = array<i32>} : memref<50x128xi32, #tpu.memory_space<vmem>>, vector<1x16xi32>,
      %get3A_2199 = vector.shape_cast %get3A_2198 : vector<1x16xi32> to vector<16xi32>
      %max3A_2200 = arith.constant -2048 : i32
      %max3A_2201 = vector.broadcast %max3A_2200 : i32 to vector<16xi32>
      %max3A_2202 = arith.maxsi %get3A_2199, %max3A_2201 : vector<16xi32>
      %min3A_2203 = arith.constant 2048 : i32
      %min3A_2204 = vector.broadcast %min3A_2203 : i32 to vector<16xi32>
      %min3A_2205 = arith.minsi %max3A_2202, %min3A_2204 : vector<16xi32>
      %add3A_2206 = arith.constant 2048 : i32
      %add3A_2207 = vector.broadcast %add3A_2206 : i32 to vector<16xi32>
      %add3A_2208 = arith.addi %min3A_2205, %add3A_2207 : vector<16xi32>
      %swap3A_2209 = arith.index_cast %add3A_2105 : i32 to index
      %swap3A_2210 = arith.constant 80 : index
      %swap3A_2211 = tpu.vector_load %arg5[%swap3A_2209, %swap3A_2210] {strides = array<i32>} : memref<50x128xi32, #tpu.memory_space<vmem>>, vector<1x16xi32>,
      %swap3A_2212 = vector.shape_cast %swap3A_2211 : vector<1x16xi32> to vector<16xi32>
      %swap3A_2213 = vector.shape_cast %add3A_2208 : vector<16xi32> to vector<1x16xi32>
      tpu.vector_store %arg5[%swap3A_2209, %swap3A_2210], %swap3A_2213 {strides = array<i32>} : memref<50x128xi32, #tpu.memory_space<vmem>>, vector<1x16xi32>,
      %get3A_2214 = arith.index_cast %add3A_2105 : i32 to index
      %get3A_2215 = arith.constant 96 : index
      %get3A_2216 = tpu.vector_load %arg5[%get3A_2214, %get3A_2215] {strides = array<i32>} : memref<50x128xi32, #tpu.memory_space<vmem>>, vector<1x16xi32>,
      %get3A_2217 = vector.shape_cast %get3A_2216 : vector<1x16xi32> to vector<16xi32>
      %max3A_2218 = arith.constant -2048 : i32
      %max3A_2219 = vector.broadcast %max3A_2218 : i32 to vector<16xi32>
      %max3A_2220 = arith.maxsi %get3A_2217, %max3A_2219 : vector<16xi32>
      %min3A_2221 = arith.constant 2048 : i32
      %min3A_2222 = vector.broadcast %min3A_2221 : i32 to vector<16xi32>
      %min3A_2223 = arith.minsi %max3A_2220, %min3A_2222 : vector<16xi32>
      %add3A_2224 = arith.constant 2048 : i32
      %add3A_2225 = vector.broadcast %add3A_2224 : i32 to vector<16xi32>
      %add3A_2226 = arith.addi %min3A_2223, %add3A_2225 : vector<16xi32>
      %swap3A_2227 = arith.index_cast %add3A_2105 : i32 to index
      %swap3A_2228 = arith.constant 96 : index
      %swap3A_2229 = tpu.vector_load %arg5[%swap3A_2227, %swap3A_2228] {strides = array<i32>} : memref<50x128xi32, #tpu.memory_space<vmem>>, vector<1x16xi32>,
      %swap3A_2230 = vector.shape_cast %swap3A_2229 : vector<1x16xi32> to vector<16xi32>
      %swap3A_2231 = vector.shape_cast %add3A_2226 : vector<16xi32> to vector<1x16xi32>
      tpu.vector_store %arg5[%swap3A_2227, %swap3A_2228], %swap3A_2231 {strides = array<i32>} : memref<50x128xi32, #tpu.memory_space<vmem>>, vector<1x16xi32>,
      %get3A_2232 = arith.index_cast %add3A_2105 : i32 to index
      %get3A_2233 = arith.constant 112 : index
      %get3A_2234 = tpu.vector_load %arg5[%get3A_2232, %get3A_2233] {strides = array<i32>} : memref<50x128xi32, #tpu.memory_space<vmem>>, vector<1x16xi32>,
      %get3A_2235 = vector.shape_cast %get3A_2234 : vector<1x16xi32> to vector<16xi32>
      %max3A_2236 = arith.constant -2048 : i32
      %max3A_2237 = vector.broadcast %max3A_2236 : i32 to vector<16xi32>
      %max3A_2238 = arith.maxsi %get3A_2235, %max3A_2237 : vector<16xi32>
      %min3A_2239 = arith.constant 2048 : i32
      %min3A_2240 = vector.broadcast %min3A_2239 : i32 to vector<16xi32>
      %min3A_2241 = arith.minsi %max3A_2238, %min3A_2240 : vector<16xi32>
      %add3A_2242 = arith.constant 2048 : i32
      %add3A_2243 = vector.broadcast %add3A_2242 : i32 to vector<16xi32>
      %add3A_2244 = arith.addi %min3A_2241, %add3A_2243 : vector<16xi32>
      %swap3A_2245 = arith.index_cast %add3A_2105 : i32 to index
      %swap3A_2246 = arith.constant 112 : index
      %swap3A_2247 = tpu.vector_load %arg5[%swap3A_2245, %swap3A_2246] {strides = array<i32>} : memref<50x128xi32, #tpu.memory_space<vmem>>, vector<1x16xi32>,
      %swap3A_2248 = vector.shape_cast %swap3A_2247 : vector<1x16xi32> to vector<16xi32>
      %swap3A_2249 = vector.shape_cast %add3A_2244 : vector<16xi32> to vector<1x16xi32>
      tpu.vector_store %arg5[%swap3A_2245, %swap3A_2246], %swap3A_2249 {strides = array<i32>} : memref<50x128xi32, #tpu.memory_space<vmem>>, vector<1x16xi32>,
      %add3A_2250 = arith.constant 4 : i32
      %add3A_2251 = arith.addi %mul3A_1177, %add3A_2250 : i32
      %dma_wait3A_2252 = arith.constant 4 : i32
      %dma_wait3A_2253 = arith.constant 4 : i32
      %dma_wait3A_2254 = arith.constant 0 : i32
      %dma_wait3A_2255 = arith.constant 0 : i32
      %dma_wait3A_2256 = tpu.memref_slice %arg6[%dma_wait3A_2252, %dma_wait3A_2254, %dma_wait3A_2255] : memref<5x128x128xf32, #tpu.memory_space<vmem>> -> memref<1x128x128xf32, #tpu.memory_space<vmem>>
      %dma_wait3A_2257 = tpu.memref_squeeze %dma_wait3A_2256 : memref<1x128x128xf32, #tpu.memory_space<vmem>> -> memref<128x128xf32, #tpu.memory_space<vmem>>
      %dma_wait3A_2258 = arith.constant 0 : i32
      %dma_wait3A_2259 = tpu.memref_slice %arg4[%add3A_2251, %mul3A_2, %dma_wait3A_2258] : memref<50x4096x128xf32, #tpu.memory_space<hbm>> -> memref<1x128x128xf32, #tpu.memory_space<hbm>>
      %dma_wait3A_2260 = tpu.memref_squeeze %dma_wait3A_2259 : memref<1x128x128xf32, #tpu.memory_space<hbm>> -> memref<128x128xf32, #tpu.memory_space<hbm>>
      %dma_wait3A_2261 = tpu.memref_slice %arg9[%dma_wait3A_2253] : memref<5x!tpu.dma_semaphore, #tpu.memory_space<semaphore_mem>> -> memref<1x!tpu.dma_semaphore, #tpu.memory_space<semaphore_mem>>
      %dma_wait3A_2262 = tpu.memref_squeeze %dma_wait3A_2261 : memref<1x!tpu.dma_semaphore, #tpu.memory_space<semaphore_mem>> -> memref<!tpu.dma_semaphore, #tpu.memory_space<semaphore_mem>>
      %dma_wait3A_2263 = arith.constant 0 : i32
      %dma_wait3A_2264 = tpu.memref_slice %arg4[%add3A_2251, %mul3A_2, %dma_wait3A_2263] : memref<50x4096x128xf32, #tpu.memory_space<hbm>> -> memref<1x128x128xf32, #tpu.memory_space<hbm>>
      %dma_wait3A_2265 = tpu.memref_squeeze %dma_wait3A_2264 : memref<1x128x128xf32, #tpu.memory_space<hbm>> -> memref<128x128xf32, #tpu.memory_space<hbm>>
      %dma_wait3A_2266 = arith.constant 0 : i32
      %dma_wait3A_2267 = arith.constant 0 : i32
      %dma_wait3A_2268 = tpu.memref_slice %arg6[%dma_wait3A_2252, %dma_wait3A_2266, %dma_wait3A_2267] : memref<5x128x128xf32, #tpu.memory_space<vmem>> -> memref<1x128x128xf32, #tpu.memory_space<vmem>>
      %dma_wait3A_2269 = tpu.memref_squeeze %dma_wait3A_2268 : memref<1x128x128xf32, #tpu.memory_space<vmem>> -> memref<128x128xf32, #tpu.memory_space<vmem>>
      tpu.wait_dma2 semaphore(%dma_wait3A_2262 : memref<!tpu.dma_semaphore, #tpu.memory_space<semaphore_mem>>) src(%dma_wait3A_2269 : memref<128x128xf32, #tpu.memory_space<vmem>>) dst(%dma_wait3A_2265 : memref<128x128xf32, #tpu.memory_space<hbm>>)
      %add3A_2270 = arith.constant 4 : i32
      %add3A_2271 = arith.addi %mul3A_1177, %add3A_2270 : i32
      %add3A_2272 = arith.constant 5 : i32
      %add3A_2273 = arith.addi %add3A_2271, %add3A_2272 : i32
      %dma_start3A_2274 = arith.constant 4 : i32
      %dma_start3A_2275 = arith.constant 4 : i32
      %dma_start3A_2276 = arith.constant 0 : i32
      %dma_start3A_2277 = arith.constant 0 : i32
      %dma_start3A_2278 = tpu.memref_slice %arg6[%dma_start3A_2274, %dma_start3A_2276, %dma_start3A_2277] : memref<5x128x128xf32, #tpu.memory_space<vmem>> -> memref<1x128x128xf32, #tpu.memory_space<vmem>>
      %dma_start3A_2279 = tpu.memref_squeeze %dma_start3A_2278 : memref<1x128x128xf32, #tpu.memory_space<vmem>> -> memref<128x128xf32, #tpu.memory_space<vmem>>
      %dma_start3A_2280 = arith.constant 0 : i32
      %dma_start3A_2281 = tpu.memref_slice %arg5[%add3A_2273, %dma_start3A_2280] : memref<50x128xi32, #tpu.memory_space<vmem>> -> memref<1x128xi32, #tpu.memory_space<vmem>>
      %dma_start3A_2282 = tpu.memref_squeeze %dma_start3A_2281 : memref<1x128xi32, #tpu.memory_space<vmem>> -> memref<128xi32, #tpu.memory_space<vmem>>
      %dma_start3A_2283 = arith.constant 0 : i32
      %dma_start3A_2284 = arith.constant 0 : i32
      %dma_start3A_2285 = tpu.memref_slice %arg7[%dma_start3A_2283, %dma_start3A_2284] : memref<4097x128xf32, #tpu.memory_space<vmem_shared>> -> memref<4097x128xf32, #tpu.memory_space<vmem_shared>>
      %dma_start3A_2286 = tpu.memref_slice %arg8[%dma_start3A_2275] : memref<5x!tpu.dma_semaphore, #tpu.memory_space<semaphore_mem>> -> memref<1x!tpu.dma_semaphore, #tpu.memory_space<semaphore_mem>>
      %dma_start3A_2287 = tpu.memref_squeeze %dma_start3A_2286 : memref<1x!tpu.dma_semaphore, #tpu.memory_space<semaphore_mem>> -> memref<!tpu.dma_semaphore, #tpu.memory_space<semaphore_mem>>
      tpu.enqueue_indirect_dma source(%dma_start3A_2285 : memref<4097x128xf32, #tpu.memory_space<vmem_shared>>) target(%dma_start3A_2279 : memref<128x128xf32, #tpu.memory_space<vmem>>) offsets(%dma_start3A_2282 : memref<128xi32, #tpu.memory_space<vmem>>) semaphore(%dma_start3A_2287 : memref<!tpu.dma_semaphore, #tpu.memory_space<semaphore_mem>>)
    }
    %scan3A_909 = arith.constant 9 : i32
    %dma_wait3A_910 = arith.constant 45 : i32
    %dma_wait3A_911 = arith.constant 0 : i32
    %dma_wait3A_912 = arith.constant 0 : i32
    %dma_wait3A_913 = arith.constant 0 : i32
    %dma_wait3A_914 = arith.constant 0 : i32
    %dma_wait3A_915 = tpu.memref_slice %arg6[%dma_wait3A_911, %dma_wait3A_913, %dma_wait3A_914] : memref<5x128x128xf32, #tpu.memory_space<vmem>> -> memref<1x128x128xf32, #tpu.memory_space<vmem>>
    %dma_wait3A_916 = tpu.memref_squeeze %dma_wait3A_915 : memref<1x128x128xf32, #tpu.memory_space<vmem>> -> memref<128x128xf32, #tpu.memory_space<vmem>>
    %dma_wait3A_917 = arith.constant 0 : i32
    %dma_wait3A_918 = tpu.memref_slice %arg5[%dma_wait3A_910, %dma_wait3A_917] : memref<50x128xi32, #tpu.memory_space<vmem>> -> memref<1x128xi32, #tpu.memory_space<vmem>>
    %dma_wait3A_919 = tpu.memref_squeeze %dma_wait3A_918 : memref<1x128xi32, #tpu.memory_space<vmem>> -> memref<128xi32, #tpu.memory_space<vmem>>
    %dma_wait3A_920 = arith.constant 0 : i32
    %dma_wait3A_921 = arith.constant 0 : i32
    %dma_wait3A_922 = tpu.memref_slice %arg7[%dma_wait3A_920, %dma_wait3A_921] : memref<4097x128xf32, #tpu.memory_space<vmem_shared>> -> memref<4097x128xf32, #tpu.memory_space<vmem_shared>>
    %dma_wait3A_923 = tpu.memref_slice %arg8[%dma_wait3A_912] : memref<5x!tpu.dma_semaphore, #tpu.memory_space<semaphore_mem>> -> memref<1x!tpu.dma_semaphore, #tpu.memory_space<semaphore_mem>>
    %dma_wait3A_924 = tpu.memref_squeeze %dma_wait3A_923 : memref<1x!tpu.dma_semaphore, #tpu.memory_space<semaphore_mem>> -> memref<!tpu.dma_semaphore, #tpu.memory_space<semaphore_mem>>
    tpu.wait_indirect_dma semaphore(%dma_wait3A_924 : memref<!tpu.dma_semaphore, #tpu.memory_space<semaphore_mem>>) src(%dma_wait3A_922 : memref<4097x128xf32, #tpu.memory_space<vmem_shared>>) dst(%dma_wait3A_916 : memref<128x128xf32, #tpu.memory_space<vmem>>)
    %dma_start3A_925 = arith.constant 0 : i32
    %dma_start3A_926 = arith.constant 45 : i32
    %dma_start3A_927 = arith.constant 0 : i32
    %dma_start3A_928 = arith.constant 0 : i32
    %dma_start3A_929 = arith.constant 0 : i32
    %dma_start3A_930 = tpu.memref_slice %arg6[%dma_start3A_925, %dma_start3A_928, %dma_start3A_929] : memref<5x128x128xf32, #tpu.memory_space<vmem>> -> memref<1x128x128xf32, #tpu.memory_space<vmem>>
    %dma_start3A_931 = tpu.memref_squeeze %dma_start3A_930 : memref<1x128x128xf32, #tpu.memory_space<vmem>> -> memref<128x128xf32, #tpu.memory_space<vmem>>
    %dma_start3A_932 = arith.constant 0 : i32
    %dma_start3A_933 = tpu.memref_slice %arg4[%dma_start3A_926, %mul3A_2, %dma_start3A_932] : memref<50x4096x128xf32, #tpu.memory_space<hbm>> -> memref<1x128x128xf32, #tpu.memory_space<hbm>>
    %dma_start3A_934 = tpu.memref_squeeze %dma_start3A_933 : memref<1x128x128xf32, #tpu.memory_space<hbm>> -> memref<128x128xf32, #tpu.memory_space<hbm>>
    %dma_start3A_935 = tpu.memref_slice %arg9[%dma_start3A_927] : memref<5x!tpu.dma_semaphore, #tpu.memory_space<semaphore_mem>> -> memref<1x!tpu.dma_semaphore, #tpu.memory_space<semaphore_mem>>
    %dma_start3A_936 = tpu.memref_squeeze %dma_start3A_935 : memref<1x!tpu.dma_semaphore, #tpu.memory_space<semaphore_mem>> -> memref<!tpu.dma_semaphore, #tpu.memory_space<semaphore_mem>>
    %dma_start3A_937 = arith.constant 0 : i32
    %dma_start3A_938 = tpu.memref_slice %arg4[%dma_start3A_926, %mul3A_2, %dma_start3A_937] : memref<50x4096x128xf32, #tpu.memory_space<hbm>> -> memref<1x128x128xf32, #tpu.memory_space<hbm>>
    %dma_start3A_939 = tpu.memref_squeeze %dma_start3A_938 : memref<1x128x128xf32, #tpu.memory_space<hbm>> -> memref<128x128xf32, #tpu.memory_space<hbm>>
    %dma_start3A_940 = arith.constant 0 : i32
    %dma_start3A_941 = arith.constant 0 : i32
    %dma_start3A_942 = tpu.memref_slice %arg6[%dma_start3A_925, %dma_start3A_940, %dma_start3A_941] : memref<5x128x128xf32, #tpu.memory_space<vmem>> -> memref<1x128x128xf32, #tpu.memory_space<vmem>>
    %dma_start3A_943 = tpu.memref_squeeze %dma_start3A_942 : memref<1x128x128xf32, #tpu.memory_space<vmem>> -> memref<128x128xf32, #tpu.memory_space<vmem>>
    tpu.enqueue_dma source(%dma_start3A_943 : memref<128x128xf32, #tpu.memory_space<vmem>>) target(%dma_start3A_939 : memref<128x128xf32, #tpu.memory_space<hbm>>) target_semaphore(%dma_start3A_936 : memref<!tpu.dma_semaphore, #tpu.memory_space<semaphore_mem>>)
    %dma_wait3A_944 = arith.constant 46 : i32
    %dma_wait3A_945 = arith.constant 1 : i32
    %dma_wait3A_946 = arith.constant 1 : i32
    %dma_wait3A_947 = arith.constant 0 : i32
    %dma_wait3A_948 = arith.constant 0 : i32
    %dma_wait3A_949 = tpu.memref_slice %arg6[%dma_wait3A_945, %dma_wait3A_947, %dma_wait3A_948] : memref<5x128x128xf32, #tpu.memory_space<vmem>> -> memref<1x128x128xf32, #tpu.memory_space<vmem>>
    %dma_wait3A_950 = tpu.memref_squeeze %dma_wait3A_949 : memref<1x128x128xf32, #tpu.memory_space<vmem>> -> memref<128x128xf32, #tpu.memory_space<vmem>>
    %dma_wait3A_951 = arith.constant 0 : i32
    %dma_wait3A_952 = tpu.memref_slice %arg5[%dma_wait3A_944, %dma_wait3A_951] : memref<50x128xi32, #tpu.memory_space<vmem>> -> memref<1x128xi32, #tpu.memory_space<vmem>>
    %dma_wait3A_953 = tpu.memref_squeeze %dma_wait3A_952 : memref<1x128xi32, #tpu.memory_space<vmem>> -> memref<128xi32, #tpu.memory_space<vmem>>
    %dma_wait3A_954 = arith.constant 0 : i32
    %dma_wait3A_955 = arith.constant 0 : i32
    %dma_wait3A_956 = tpu.memref_slice %arg7[%dma_wait3A_954, %dma_wait3A_955] : memref<4097x128xf32, #tpu.memory_space<vmem_shared>> -> memref<4097x128xf32, #tpu.memory_space<vmem_shared>>
    %dma_wait3A_957 = tpu.memref_slice %arg8[%dma_wait3A_946] : memref<5x!tpu.dma_semaphore, #tpu.memory_space<semaphore_mem>> -> memref<1x!tpu.dma_semaphore, #tpu.memory_space<semaphore_mem>>
    %dma_wait3A_958 = tpu.memref_squeeze %dma_wait3A_957 : memref<1x!tpu.dma_semaphore, #tpu.memory_space<semaphore_mem>> -> memref<!tpu.dma_semaphore, #tpu.memory_space<semaphore_mem>>
    tpu.wait_indirect_dma semaphore(%dma_wait3A_958 : memref<!tpu.dma_semaphore, #tpu.memory_space<semaphore_mem>>) src(%dma_wait3A_956 : memref<4097x128xf32, #tpu.memory_space<vmem_shared>>) dst(%dma_wait3A_950 : memref<128x128xf32, #tpu.memory_space<vmem>>)
    %dma_start3A_959 = arith.constant 1 : i32
    %dma_start3A_960 = arith.constant 46 : i32
    %dma_start3A_961 = arith.constant 1 : i32
    %dma_start3A_962 = arith.constant 0 : i32
    %dma_start3A_963 = arith.constant 0 : i32
    %dma_start3A_964 = tpu.memref_slice %arg6[%dma_start3A_959, %dma_start3A_962, %dma_start3A_963] : memref<5x128x128xf32, #tpu.memory_space<vmem>> -> memref<1x128x128xf32, #tpu.memory_space<vmem>>
    %dma_start3A_965 = tpu.memref_squeeze %dma_start3A_964 : memref<1x128x128xf32, #tpu.memory_space<vmem>> -> memref<128x128xf32, #tpu.memory_space<vmem>>
    %dma_start3A_966 = arith.constant 0 : i32
    %dma_start3A_967 = tpu.memref_slice %arg4[%dma_start3A_960, %mul3A_2, %dma_start3A_966] : memref<50x4096x128xf32, #tpu.memory_space<hbm>> -> memref<1x128x128xf32, #tpu.memory_space<hbm>>
    %dma_start3A_968 = tpu.memref_squeeze %dma_start3A_967 : memref<1x128x128xf32, #tpu.memory_space<hbm>> -> memref<128x128xf32, #tpu.memory_space<hbm>>
    %dma_start3A_969 = tpu.memref_slice %arg9[%dma_start3A_961] : memref<5x!tpu.dma_semaphore, #tpu.memory_space<semaphore_mem>> -> memref<1x!tpu.dma_semaphore, #tpu.memory_space<semaphore_mem>>
    %dma_start3A_970 = tpu.memref_squeeze %dma_start3A_969 : memref<1x!tpu.dma_semaphore, #tpu.memory_space<semaphore_mem>> -> memref<!tpu.dma_semaphore, #tpu.memory_space<semaphore_mem>>
    %dma_start3A_971 = arith.constant 0 : i32
    %dma_start3A_972 = tpu.memref_slice %arg4[%dma_start3A_960, %mul3A_2, %dma_start3A_971] : memref<50x4096x128xf32, #tpu.memory_space<hbm>> -> memref<1x128x128xf32, #tpu.memory_space<hbm>>
    %dma_start3A_973 = tpu.memref_squeeze %dma_start3A_972 : memref<1x128x128xf32, #tpu.memory_space<hbm>> -> memref<128x128xf32, #tpu.memory_space<hbm>>
    %dma_start3A_974 = arith.constant 0 : i32
    %dma_start3A_975 = arith.constant 0 : i32
    %dma_start3A_976 = tpu.memref_slice %arg6[%dma_start3A_959, %dma_start3A_974, %dma_start3A_975] : memref<5x128x128xf32, #tpu.memory_space<vmem>> -> memref<1x128x128xf32, #tpu.memory_space<vmem>>
    %dma_start3A_977 = tpu.memref_squeeze %dma_start3A_976 : memref<1x128x128xf32, #tpu.memory_space<vmem>> -> memref<128x128xf32, #tpu.memory_space<vmem>>
    tpu.enqueue_dma source(%dma_start3A_977 : memref<128x128xf32, #tpu.memory_space<vmem>>) target(%dma_start3A_973 : memref<128x128xf32, #tpu.memory_space<hbm>>) target_semaphore(%dma_start3A_970 : memref<!tpu.dma_semaphore, #tpu.memory_space<semaphore_mem>>)
    %dma_wait3A_978 = arith.constant 47 : i32
    %dma_wait3A_979 = arith.constant 2 : i32
    %dma_wait3A_980 = arith.constant 2 : i32
    %dma_wait3A_981 = arith.constant 0 : i32
    %dma_wait3A_982 = arith.constant 0 : i32
    %dma_wait3A_983 = tpu.memref_slice %arg6[%dma_wait3A_979, %dma_wait3A_981, %dma_wait3A_982] : memref<5x128x128xf32, #tpu.memory_space<vmem>> -> memref<1x128x128xf32, #tpu.memory_space<vmem>>
    %dma_wait3A_984 = tpu.memref_squeeze %dma_wait3A_983 : memref<1x128x128xf32, #tpu.memory_space<vmem>> -> memref<128x128xf32, #tpu.memory_space<vmem>>
    %dma_wait3A_985 = arith.constant 0 : i32
    %dma_wait3A_986 = tpu.memref_slice %arg5[%dma_wait3A_978, %dma_wait3A_985] : memref<50x128xi32, #tpu.memory_space<vmem>> -> memref<1x128xi32, #tpu.memory_space<vmem>>
    %dma_wait3A_987 = tpu.memref_squeeze %dma_wait3A_986 : memref<1x128xi32, #tpu.memory_space<vmem>> -> memref<128xi32, #tpu.memory_space<vmem>>
    %dma_wait3A_988 = arith.constant 0 : i32
    %dma_wait3A_989 = arith.constant 0 : i32
    %dma_wait3A_990 = tpu.memref_slice %arg7[%dma_wait3A_988, %dma_wait3A_989] : memref<4097x128xf32, #tpu.memory_space<vmem_shared>> -> memref<4097x128xf32, #tpu.memory_space<vmem_shared>>
    %dma_wait3A_991 = tpu.memref_slice %arg8[%dma_wait3A_980] : memref<5x!tpu.dma_semaphore, #tpu.memory_space<semaphore_mem>> -> memref<1x!tpu.dma_semaphore, #tpu.memory_space<semaphore_mem>>
    %dma_wait3A_992 = tpu.memref_squeeze %dma_wait3A_991 : memref<1x!tpu.dma_semaphore, #tpu.memory_space<semaphore_mem>> -> memref<!tpu.dma_semaphore, #tpu.memory_space<semaphore_mem>>
    tpu.wait_indirect_dma semaphore(%dma_wait3A_992 : memref<!tpu.dma_semaphore, #tpu.memory_space<semaphore_mem>>) src(%dma_wait3A_990 : memref<4097x128xf32, #tpu.memory_space<vmem_shared>>) dst(%dma_wait3A_984 : memref<128x128xf32, #tpu.memory_space<vmem>>)
    %dma_start3A_993 = arith.constant 2 : i32
    %dma_start3A_994 = arith.constant 47 : i32
    %dma_start3A_995 = arith.constant 2 : i32
    %dma_start3A_996 = arith.constant 0 : i32
    %dma_start3A_997 = arith.constant 0 : i32
    %dma_start3A_998 = tpu.memref_slice %arg6[%dma_start3A_993, %dma_start3A_996, %dma_start3A_997] : memref<5x128x128xf32, #tpu.memory_space<vmem>> -> memref<1x128x128xf32, #tpu.memory_space<vmem>>
    %dma_start3A_999 = tpu.memref_squeeze %dma_start3A_998 : memref<1x128x128xf32, #tpu.memory_space<vmem>> -> memref<128x128xf32, #tpu.memory_space<vmem>>
    %dma_start3A_1000 = arith.constant 0 : i32
    %dma_start3A_1001 = tpu.memref_slice %arg4[%dma_start3A_994, %mul3A_2, %dma_start3A_1000] : memref<50x4096x128xf32, #tpu.memory_space<hbm>> -> memref<1x128x128xf32, #tpu.memory_space<hbm>>
    %dma_start3A_1002 = tpu.memref_squeeze %dma_start3A_1001 : memref<1x128x128xf32, #tpu.memory_space<hbm>> -> memref<128x128xf32, #tpu.memory_space<hbm>>
    %dma_start3A_1003 = tpu.memref_slice %arg9[%dma_start3A_995] : memref<5x!tpu.dma_semaphore, #tpu.memory_space<semaphore_mem>> -> memref<1x!tpu.dma_semaphore, #tpu.memory_space<semaphore_mem>>
    %dma_start3A_1004 = tpu.memref_squeeze %dma_start3A_1003 : memref<1x!tpu.dma_semaphore, #tpu.memory_space<semaphore_mem>> -> memref<!tpu.dma_semaphore, #tpu.memory_space<semaphore_mem>>
    %dma_start3A_1005 = arith.constant 0 : i32
    %dma_start3A_1006 = tpu.memref_slice %arg4[%dma_start3A_994, %mul3A_2, %dma_start3A_1005] : memref<50x4096x128xf32, #tpu.memory_space<hbm>> -> memref<1x128x128xf32, #tpu.memory_space<hbm>>
    %dma_start3A_1007 = tpu.memref_squeeze %dma_start3A_1006 : memref<1x128x128xf32, #tpu.memory_space<hbm>> -> memref<128x128xf32, #tpu.memory_space<hbm>>
    %dma_start3A_1008 = arith.constant 0 : i32
    %dma_start3A_1009 = arith.constant 0 : i32
    %dma_start3A_1010 = tpu.memref_slice %arg6[%dma_start3A_993, %dma_start3A_1008, %dma_start3A_1009] : memref<5x128x128xf32, #tpu.memory_space<vmem>> -> memref<1x128x128xf32, #tpu.memory_space<vmem>>
    %dma_start3A_1011 = tpu.memref_squeeze %dma_start3A_1010 : memref<1x128x128xf32, #tpu.memory_space<vmem>> -> memref<128x128xf32, #tpu.memory_space<vmem>>
    tpu.enqueue_dma source(%dma_start3A_1011 : memref<128x128xf32, #tpu.memory_space<vmem>>) target(%dma_start3A_1007 : memref<128x128xf32, #tpu.memory_space<hbm>>) target_semaphore(%dma_start3A_1004 : memref<!tpu.dma_semaphore, #tpu.memory_space<semaphore_mem>>)
    %dma_wait3A_1012 = arith.constant 48 : i32
    %dma_wait3A_1013 = arith.constant 3 : i32
    %dma_wait3A_1014 = arith.constant 3 : i32
    %dma_wait3A_1015 = arith.constant 0 : i32
    %dma_wait3A_1016 = arith.constant 0 : i32
    %dma_wait3A_1017 = tpu.memref_slice %arg6[%dma_wait3A_1013, %dma_wait3A_1015, %dma_wait3A_1016] : memref<5x128x128xf32, #tpu.memory_space<vmem>> -> memref<1x128x128xf32, #tpu.memory_space<vmem>>
    %dma_wait3A_1018 = tpu.memref_squeeze %dma_wait3A_1017 : memref<1x128x128xf32, #tpu.memory_space<vmem>> -> memref<128x128xf32, #tpu.memory_space<vmem>>
    %dma_wait3A_1019 = arith.constant 0 : i32
    %dma_wait3A_1020 = tpu.memref_slice %arg5[%dma_wait3A_1012, %dma_wait3A_1019] : memref<50x128xi32, #tpu.memory_space<vmem>> -> memref<1x128xi32, #tpu.memory_space<vmem>>
    %dma_wait3A_1021 = tpu.memref_squeeze %dma_wait3A_1020 : memref<1x128xi32, #tpu.memory_space<vmem>> -> memref<128xi32, #tpu.memory_space<vmem>>
    %dma_wait3A_1022 = arith.constant 0 : i32
    %dma_wait3A_1023 = arith.constant 0 : i32
    %dma_wait3A_1024 = tpu.memref_slice %arg7[%dma_wait3A_1022, %dma_wait3A_1023] : memref<4097x128xf32, #tpu.memory_space<vmem_shared>> -> memref<4097x128xf32, #tpu.memory_space<vmem_shared>>
    %dma_wait3A_1025 = tpu.memref_slice %arg8[%dma_wait3A_1014] : memref<5x!tpu.dma_semaphore, #tpu.memory_space<semaphore_mem>> -> memref<1x!tpu.dma_semaphore, #tpu.memory_space<semaphore_mem>>
    %dma_wait3A_1026 = tpu.memref_squeeze %dma_wait3A_1025 : memref<1x!tpu.dma_semaphore, #tpu.memory_space<semaphore_mem>> -> memref<!tpu.dma_semaphore, #tpu.memory_space<semaphore_mem>>
    tpu.wait_indirect_dma semaphore(%dma_wait3A_1026 : memref<!tpu.dma_semaphore, #tpu.memory_space<semaphore_mem>>) src(%dma_wait3A_1024 : memref<4097x128xf32, #tpu.memory_space<vmem_shared>>) dst(%dma_wait3A_1018 : memref<128x128xf32, #tpu.memory_space<vmem>>)
    %dma_start3A_1027 = arith.constant 3 : i32
    %dma_start3A_1028 = arith.constant 48 : i32
    %dma_start3A_1029 = arith.constant 3 : i32
    %dma_start3A_1030 = arith.constant 0 : i32
    %dma_start3A_1031 = arith.constant 0 : i32
    %dma_start3A_1032 = tpu.memref_slice %arg6[%dma_start3A_1027, %dma_start3A_1030, %dma_start3A_1031] : memref<5x128x128xf32, #tpu.memory_space<vmem>> -> memref<1x128x128xf32, #tpu.memory_space<vmem>>
    %dma_start3A_1033 = tpu.memref_squeeze %dma_start3A_1032 : memref<1x128x128xf32, #tpu.memory_space<vmem>> -> memref<128x128xf32, #tpu.memory_space<vmem>>
    %dma_start3A_1034 = arith.constant 0 : i32
    %dma_start3A_1035 = tpu.memref_slice %arg4[%dma_start3A_1028, %mul3A_2, %dma_start3A_1034] : memref<50x4096x128xf32, #tpu.memory_space<hbm>> -> memref<1x128x128xf32, #tpu.memory_space<hbm>>
    %dma_start3A_1036 = tpu.memref_squeeze %dma_start3A_1035 : memref<1x128x128xf32, #tpu.memory_space<hbm>> -> memref<128x128xf32, #tpu.memory_space<hbm>>
    %dma_start3A_1037 = tpu.memref_slice %arg9[%dma_start3A_1029] : memref<5x!tpu.dma_semaphore, #tpu.memory_space<semaphore_mem>> -> memref<1x!tpu.dma_semaphore, #tpu.memory_space<semaphore_mem>>
    %dma_start3A_1038 = tpu.memref_squeeze %dma_start3A_1037 : memref<1x!tpu.dma_semaphore, #tpu.memory_space<semaphore_mem>> -> memref<!tpu.dma_semaphore, #tpu.memory_space<semaphore_mem>>
    %dma_start3A_1039 = arith.constant 0 : i32
    %dma_start3A_1040 = tpu.memref_slice %arg4[%dma_start3A_1028, %mul3A_2, %dma_start3A_1039] : memref<50x4096x128xf32, #tpu.memory_space<hbm>> -> memref<1x128x128xf32, #tpu.memory_space<hbm>>
    %dma_start3A_1041 = tpu.memref_squeeze %dma_start3A_1040 : memref<1x128x128xf32, #tpu.memory_space<hbm>> -> memref<128x128xf32, #tpu.memory_space<hbm>>
    %dma_start3A_1042 = arith.constant 0 : i32
    %dma_start3A_1043 = arith.constant 0 : i32
    %dma_start3A_1044 = tpu.memref_slice %arg6[%dma_start3A_1027, %dma_start3A_1042, %dma_start3A_1043] : memref<5x128x128xf32, #tpu.memory_space<vmem>> -> memref<1x128x128xf32, #tpu.memory_space<vmem>>
    %dma_start3A_1045 = tpu.memref_squeeze %dma_start3A_1044 : memref<1x128x128xf32, #tpu.memory_space<vmem>> -> memref<128x128xf32, #tpu.memory_space<vmem>>
    tpu.enqueue_dma source(%dma_start3A_1045 : memref<128x128xf32, #tpu.memory_space<vmem>>) target(%dma_start3A_1041 : memref<128x128xf32, #tpu.memory_space<hbm>>) target_semaphore(%dma_start3A_1038 : memref<!tpu.dma_semaphore, #tpu.memory_space<semaphore_mem>>)
    %dma_wait3A_1046 = arith.constant 49 : i32
    %dma_wait3A_1047 = arith.constant 4 : i32
    %dma_wait3A_1048 = arith.constant 4 : i32
    %dma_wait3A_1049 = arith.constant 0 : i32
    %dma_wait3A_1050 = arith.constant 0 : i32
    %dma_wait3A_1051 = tpu.memref_slice %arg6[%dma_wait3A_1047, %dma_wait3A_1049, %dma_wait3A_1050] : memref<5x128x128xf32, #tpu.memory_space<vmem>> -> memref<1x128x128xf32, #tpu.memory_space<vmem>>
    %dma_wait3A_1052 = tpu.memref_squeeze %dma_wait3A_1051 : memref<1x128x128xf32, #tpu.memory_space<vmem>> -> memref<128x128xf32, #tpu.memory_space<vmem>>
    %dma_wait3A_1053 = arith.constant 0 : i32
    %dma_wait3A_1054 = tpu.memref_slice %arg5[%dma_wait3A_1046, %dma_wait3A_1053] : memref<50x128xi32, #tpu.memory_space<vmem>> -> memref<1x128xi32, #tpu.memory_space<vmem>>
    %dma_wait3A_1055 = tpu.memref_squeeze %dma_wait3A_1054 : memref<1x128xi32, #tpu.memory_space<vmem>> -> memref<128xi32, #tpu.memory_space<vmem>>
    %dma_wait3A_1056 = arith.constant 0 : i32
    %dma_wait3A_1057 = arith.constant 0 : i32
    %dma_wait3A_1058 = tpu.memref_slice %arg7[%dma_wait3A_1056, %dma_wait3A_1057] : memref<4097x128xf32, #tpu.memory_space<vmem_shared>> -> memref<4097x128xf32, #tpu.memory_space<vmem_shared>>
    %dma_wait3A_1059 = tpu.memref_slice %arg8[%dma_wait3A_1048] : memref<5x!tpu.dma_semaphore, #tpu.memory_space<semaphore_mem>> -> memref<1x!tpu.dma_semaphore, #tpu.memory_space<semaphore_mem>>
    %dma_wait3A_1060 = tpu.memref_squeeze %dma_wait3A_1059 : memref<1x!tpu.dma_semaphore, #tpu.memory_space<semaphore_mem>> -> memref<!tpu.dma_semaphore, #tpu.memory_space<semaphore_mem>>
    tpu.wait_indirect_dma semaphore(%dma_wait3A_1060 : memref<!tpu.dma_semaphore, #tpu.memory_space<semaphore_mem>>) src(%dma_wait3A_1058 : memref<4097x128xf32, #tpu.memory_space<vmem_shared>>) dst(%dma_wait3A_1052 : memref<128x128xf32, #tpu.memory_space<vmem>>)
    %dma_start3A_1061 = arith.constant 4 : i32
    %dma_start3A_1062 = arith.constant 49 : i32
    %dma_start3A_1063 = arith.constant 4 : i32
    %dma_start3A_1064 = arith.constant 0 : i32
    %dma_start3A_1065 = arith.constant 0 : i32
    %dma_start3A_1066 = tpu.memref_slice %arg6[%dma_start3A_1061, %dma_start3A_1064, %dma_start3A_1065] : memref<5x128x128xf32, #tpu.memory_space<vmem>> -> memref<1x128x128xf32, #tpu.memory_space<vmem>>
    %dma_start3A_1067 = tpu.memref_squeeze %dma_start3A_1066 : memref<1x128x128xf32, #tpu.memory_space<vmem>> -> memref<128x128xf32, #tpu.memory_space<vmem>>
    %dma_start3A_1068 = arith.constant 0 : i32
    %dma_start3A_1069 = tpu.memref_slice %arg4[%dma_start3A_1062, %mul3A_2, %dma_start3A_1068] : memref<50x4096x128xf32, #tpu.memory_space<hbm>> -> memref<1x128x128xf32, #tpu.memory_space<hbm>>
    %dma_start3A_1070 = tpu.memref_squeeze %dma_start3A_1069 : memref<1x128x128xf32, #tpu.memory_space<hbm>> -> memref<128x128xf32, #tpu.memory_space<hbm>>
    %dma_start3A_1071 = tpu.memref_slice %arg9[%dma_start3A_1063] : memref<5x!tpu.dma_semaphore, #tpu.memory_space<semaphore_mem>> -> memref<1x!tpu.dma_semaphore, #tpu.memory_space<semaphore_mem>>
    %dma_start3A_1072 = tpu.memref_squeeze %dma_start3A_1071 : memref<1x!tpu.dma_semaphore, #tpu.memory_space<semaphore_mem>> -> memref<!tpu.dma_semaphore, #tpu.memory_space<semaphore_mem>>
    %dma_start3A_1073 = arith.constant 0 : i32
    %dma_start3A_1074 = tpu.memref_slice %arg4[%dma_start3A_1062, %mul3A_2, %dma_start3A_1073] : memref<50x4096x128xf32, #tpu.memory_space<hbm>> -> memref<1x128x128xf32, #tpu.memory_space<hbm>>
    %dma_start3A_1075 = tpu.memref_squeeze %dma_start3A_1074 : memref<1x128x128xf32, #tpu.memory_space<hbm>> -> memref<128x128xf32, #tpu.memory_space<hbm>>
    %dma_start3A_1076 = arith.constant 0 : i32
    %dma_start3A_1077 = arith.constant 0 : i32
    %dma_start3A_1078 = tpu.memref_slice %arg6[%dma_start3A_1061, %dma_start3A_1076, %dma_start3A_1077] : memref<5x128x128xf32, #tpu.memory_space<vmem>> -> memref<1x128x128xf32, #tpu.memory_space<vmem>>
    %dma_start3A_1079 = tpu.memref_squeeze %dma_start3A_1078 : memref<1x128x128xf32, #tpu.memory_space<vmem>> -> memref<128x128xf32, #tpu.memory_space<vmem>>
    tpu.enqueue_dma source(%dma_start3A_1079 : memref<128x128xf32, #tpu.memory_space<vmem>>) target(%dma_start3A_1075 : memref<128x128xf32, #tpu.memory_space<hbm>>) target_semaphore(%dma_start3A_1072 : memref<!tpu.dma_semaphore, #tpu.memory_space<semaphore_mem>>)
    %dma_wait3A_1080 = arith.constant 0 : i32
    %dma_wait3A_1081 = arith.constant 45 : i32
    %dma_wait3A_1082 = arith.constant 0 : i32
    %dma_wait3A_1083 = arith.constant 0 : i32
    %dma_wait3A_1084 = arith.constant 0 : i32
    %dma_wait3A_1085 = tpu.memref_slice %arg6[%dma_wait3A_1080, %dma_wait3A_1083, %dma_wait3A_1084] : memref<5x128x128xf32, #tpu.memory_space<vmem>> -> memref<1x128x128xf32, #tpu.memory_space<vmem>>
    %dma_wait3A_1086 = tpu.memref_squeeze %dma_wait3A_1085 : memref<1x128x128xf32, #tpu.memory_space<vmem>> -> memref<128x128xf32, #tpu.memory_space<vmem>>
    %dma_wait3A_1087 = arith.constant 0 : i32
    %dma_wait3A_1088 = tpu.memref_slice %arg4[%dma_wait3A_1081, %mul3A_2, %dma_wait3A_1087] : memref<50x4096x128xf32, #tpu.memory_space<hbm>> -> memref<1x128x128xf32, #tpu.memory_space<hbm>>
    %dma_wait3A_1089 = tpu.memref_squeeze %dma_wait3A_1088 : memref<1x128x128xf32, #tpu.memory_space<hbm>> -> memref<128x128xf32, #tpu.memory_space<hbm>>
    %dma_wait3A_1090 = tpu.memref_slice %arg9[%dma_wait3A_1082] : memref<5x!tpu.dma_semaphore, #tpu.memory_space<semaphore_mem>> -> memref<1x!tpu.dma_semaphore, #tpu.memory_space<semaphore_mem>>
    %dma_wait3A_1091 = tpu.memref_squeeze %dma_wait3A_1090 : memref<1x!tpu.dma_semaphore, #tpu.memory_space<semaphore_mem>> -> memref<!tpu.dma_semaphore, #tpu.memory_space<semaphore_mem>>
    %dma_wait3A_1092 = arith.constant 0 : i32
    %dma_wait3A_1093 = tpu.memref_slice %arg4[%dma_wait3A_1081, %mul3A_2, %dma_wait3A_1092] : memref<50x4096x128xf32, #tpu.memory_space<hbm>> -> memref<1x128x128xf32, #tpu.memory_space<hbm>>
    %dma_wait3A_1094 = tpu.memref_squeeze %dma_wait3A_1093 : memref<1x128x128xf32, #tpu.memory_space<hbm>> -> memref<128x128xf32, #tpu.memory_space<hbm>>
    %dma_wait3A_1095 = arith.constant 0 : i32
    %dma_wait3A_1096 = arith.constant 0 : i32
    %dma_wait3A_1097 = tpu.memref_slice %arg6[%dma_wait3A_1080, %dma_wait3A_1095, %dma_wait3A_1096] : memref<5x128x128xf32, #tpu.memory_space<vmem>> -> memref<1x128x128xf32, #tpu.memory_space<vmem>>
    %dma_wait3A_1098 = tpu.memref_squeeze %dma_wait3A_1097 : memref<1x128x128xf32, #tpu.memory_space<vmem>> -> memref<128x128xf32, #tpu.memory_space<vmem>>
    tpu.wait_dma2 semaphore(%dma_wait3A_1091 : memref<!tpu.dma_semaphore, #tpu.memory_space<semaphore_mem>>) src(%dma_wait3A_1098 : memref<128x128xf32, #tpu.memory_space<vmem>>) dst(%dma_wait3A_1094 : memref<128x128xf32, #tpu.memory_space<hbm>>)
    %dma_wait3A_1099 = arith.constant 1 : i32
    %dma_wait3A_1100 = arith.constant 46 : i32
    %dma_wait3A_1101 = arith.constant 1 : i32
    %dma_wait3A_1102 = arith.constant 0 : i32
    %dma_wait3A_1103 = arith.constant 0 : i32
    %dma_wait3A_1104 = tpu.memref_slice %arg6[%dma_wait3A_1099, %dma_wait3A_1102, %dma_wait3A_1103] : memref<5x128x128xf32, #tpu.memory_space<vmem>> -> memref<1x128x128xf32, #tpu.memory_space<vmem>>
    %dma_wait3A_1105 = tpu.memref_squeeze %dma_wait3A_1104 : memref<1x128x128xf32, #tpu.memory_space<vmem>> -> memref<128x128xf32, #tpu.memory_space<vmem>>
    %dma_wait3A_1106 = arith.constant 0 : i32
    %dma_wait3A_1107 = tpu.memref_slice %arg4[%dma_wait3A_1100, %mul3A_2, %dma_wait3A_1106] : memref<50x4096x128xf32, #tpu.memory_space<hbm>> -> memref<1x128x128xf32, #tpu.memory_space<hbm>>
    %dma_wait3A_1108 = tpu.memref_squeeze %dma_wait3A_1107 : memref<1x128x128xf32, #tpu.memory_space<hbm>> -> memref<128x128xf32, #tpu.memory_space<hbm>>
    %dma_wait3A_1109 = tpu.memref_slice %arg9[%dma_wait3A_1101] : memref<5x!tpu.dma_semaphore, #tpu.memory_space<semaphore_mem>> -> memref<1x!tpu.dma_semaphore, #tpu.memory_space<semaphore_mem>>
    %dma_wait3A_1110 = tpu.memref_squeeze %dma_wait3A_1109 : memref<1x!tpu.dma_semaphore, #tpu.memory_space<semaphore_mem>> -> memref<!tpu.dma_semaphore, #tpu.memory_space<semaphore_mem>>
    %dma_wait3A_1111 = arith.constant 0 : i32
    %dma_wait3A_1112 = tpu.memref_slice %arg4[%dma_wait3A_1100, %mul3A_2, %dma_wait3A_1111] : memref<50x4096x128xf32, #tpu.memory_space<hbm>> -> memref<1x128x128xf32, #tpu.memory_space<hbm>>
    %dma_wait3A_1113 = tpu.memref_squeeze %dma_wait3A_1112 : memref<1x128x128xf32, #tpu.memory_space<hbm>> -> memref<128x128xf32, #tpu.memory_space<hbm>>
    %dma_wait3A_1114 = arith.constant 0 : i32
    %dma_wait3A_1115 = arith.constant 0 : i32
    %dma_wait3A_1116 = tpu.memref_slice %arg6[%dma_wait3A_1099, %dma_wait3A_1114, %dma_wait3A_1115] : memref<5x128x128xf32, #tpu.memory_space<vmem>> -> memref<1x128x128xf32, #tpu.memory_space<vmem>>
    %dma_wait3A_1117 = tpu.memref_squeeze %dma_wait3A_1116 : memref<1x128x128xf32, #tpu.memory_space<vmem>> -> memref<128x128xf32, #tpu.memory_space<vmem>>
    tpu.wait_dma2 semaphore(%dma_wait3A_1110 : memref<!tpu.dma_semaphore, #tpu.memory_space<semaphore_mem>>) src(%dma_wait3A_1117 : memref<128x128xf32, #tpu.memory_space<vmem>>) dst(%dma_wait3A_1113 : memref<128x128xf32, #tpu.memory_space<hbm>>)
    %dma_wait3A_1118 = arith.constant 2 : i32
    %dma_wait3A_1119 = arith.constant 47 : i32
    %dma_wait3A_1120 = arith.constant 2 : i32
    %dma_wait3A_1121 = arith.constant 0 : i32
    %dma_wait3A_1122 = arith.constant 0 : i32
    %dma_wait3A_1123 = tpu.memref_slice %arg6[%dma_wait3A_1118, %dma_wait3A_1121, %dma_wait3A_1122] : memref<5x128x128xf32, #tpu.memory_space<vmem>> -> memref<1x128x128xf32, #tpu.memory_space<vmem>>
    %dma_wait3A_1124 = tpu.memref_squeeze %dma_wait3A_1123 : memref<1x128x128xf32, #tpu.memory_space<vmem>> -> memref<128x128xf32, #tpu.memory_space<vmem>>
    %dma_wait3A_1125 = arith.constant 0 : i32
    %dma_wait3A_1126 = tpu.memref_slice %arg4[%dma_wait3A_1119, %mul3A_2, %dma_wait3A_1125] : memref<50x4096x128xf32, #tpu.memory_space<hbm>> -> memref<1x128x128xf32, #tpu.memory_space<hbm>>
    %dma_wait3A_1127 = tpu.memref_squeeze %dma_wait3A_1126 : memref<1x128x128xf32, #tpu.memory_space<hbm>> -> memref<128x128xf32, #tpu.memory_space<hbm>>
    %dma_wait3A_1128 = tpu.memref_slice %arg9[%dma_wait3A_1120] : memref<5x!tpu.dma_semaphore, #tpu.memory_space<semaphore_mem>> -> memref<1x!tpu.dma_semaphore, #tpu.memory_space<semaphore_mem>>
    %dma_wait3A_1129 = tpu.memref_squeeze %dma_wait3A_1128 : memref<1x!tpu.dma_semaphore, #tpu.memory_space<semaphore_mem>> -> memref<!tpu.dma_semaphore, #tpu.memory_space<semaphore_mem>>
    %dma_wait3A_1130 = arith.constant 0 : i32
    %dma_wait3A_1131 = tpu.memref_slice %arg4[%dma_wait3A_1119, %mul3A_2, %dma_wait3A_1130] : memref<50x4096x128xf32, #tpu.memory_space<hbm>> -> memref<1x128x128xf32, #tpu.memory_space<hbm>>
    %dma_wait3A_1132 = tpu.memref_squeeze %dma_wait3A_1131 : memref<1x128x128xf32, #tpu.memory_space<hbm>> -> memref<128x128xf32, #tpu.memory_space<hbm>>
    %dma_wait3A_1133 = arith.constant 0 : i32
    %dma_wait3A_1134 = arith.constant 0 : i32
    %dma_wait3A_1135 = tpu.memref_slice %arg6[%dma_wait3A_1118, %dma_wait3A_1133, %dma_wait3A_1134] : memref<5x128x128xf32, #tpu.memory_space<vmem>> -> memref<1x128x128xf32, #tpu.memory_space<vmem>>
    %dma_wait3A_1136 = tpu.memref_squeeze %dma_wait3A_1135 : memref<1x128x128xf32, #tpu.memory_space<vmem>> -> memref<128x128xf32, #tpu.memory_space<vmem>>
    tpu.wait_dma2 semaphore(%dma_wait3A_1129 : memref<!tpu.dma_semaphore, #tpu.memory_space<semaphore_mem>>) src(%dma_wait3A_1136 : memref<128x128xf32, #tpu.memory_space<vmem>>) dst(%dma_wait3A_1132 : memref<128x128xf32, #tpu.memory_space<hbm>>)
    %dma_wait3A_1137 = arith.constant 3 : i32
    %dma_wait3A_1138 = arith.constant 48 : i32
    %dma_wait3A_1139 = arith.constant 3 : i32
    %dma_wait3A_1140 = arith.constant 0 : i32
    %dma_wait3A_1141 = arith.constant 0 : i32
    %dma_wait3A_1142 = tpu.memref_slice %arg6[%dma_wait3A_1137, %dma_wait3A_1140, %dma_wait3A_1141] : memref<5x128x128xf32, #tpu.memory_space<vmem>> -> memref<1x128x128xf32, #tpu.memory_space<vmem>>
    %dma_wait3A_1143 = tpu.memref_squeeze %dma_wait3A_1142 : memref<1x128x128xf32, #tpu.memory_space<vmem>> -> memref<128x128xf32, #tpu.memory_space<vmem>>
    %dma_wait3A_1144 = arith.constant 0 : i32
    %dma_wait3A_1145 = tpu.memref_slice %arg4[%dma_wait3A_1138, %mul3A_2, %dma_wait3A_1144] : memref<50x4096x128xf32, #tpu.memory_space<hbm>> -> memref<1x128x128xf32, #tpu.memory_space<hbm>>
    %dma_wait3A_1146 = tpu.memref_squeeze %dma_wait3A_1145 : memref<1x128x128xf32, #tpu.memory_space<hbm>> -> memref<128x128xf32, #tpu.memory_space<hbm>>
    %dma_wait3A_1147 = tpu.memref_slice %arg9[%dma_wait3A_1139] : memref<5x!tpu.dma_semaphore, #tpu.memory_space<semaphore_mem>> -> memref<1x!tpu.dma_semaphore, #tpu.memory_space<semaphore_mem>>
    %dma_wait3A_1148 = tpu.memref_squeeze %dma_wait3A_1147 : memref<1x!tpu.dma_semaphore, #tpu.memory_space<semaphore_mem>> -> memref<!tpu.dma_semaphore, #tpu.memory_space<semaphore_mem>>
    %dma_wait3A_1149 = arith.constant 0 : i32
    %dma_wait3A_1150 = tpu.memref_slice %arg4[%dma_wait3A_1138, %mul3A_2, %dma_wait3A_1149] : memref<50x4096x128xf32, #tpu.memory_space<hbm>> -> memref<1x128x128xf32, #tpu.memory_space<hbm>>
    %dma_wait3A_1151 = tpu.memref_squeeze %dma_wait3A_1150 : memref<1x128x128xf32, #tpu.memory_space<hbm>> -> memref<128x128xf32, #tpu.memory_space<hbm>>
    %dma_wait3A_1152 = arith.constant 0 : i32
    %dma_wait3A_1153 = arith.constant 0 : i32
    %dma_wait3A_1154 = tpu.memref_slice %arg6[%dma_wait3A_1137, %dma_wait3A_1152, %dma_wait3A_1153] : memref<5x128x128xf32, #tpu.memory_space<vmem>> -> memref<1x128x128xf32, #tpu.memory_space<vmem>>
    %dma_wait3A_1155 = tpu.memref_squeeze %dma_wait3A_1154 : memref<1x128x128xf32, #tpu.memory_space<vmem>> -> memref<128x128xf32, #tpu.memory_space<vmem>>
    tpu.wait_dma2 semaphore(%dma_wait3A_1148 : memref<!tpu.dma_semaphore, #tpu.memory_space<semaphore_mem>>) src(%dma_wait3A_1155 : memref<128x128xf32, #tpu.memory_space<vmem>>) dst(%dma_wait3A_1151 : memref<128x128xf32, #tpu.memory_space<hbm>>)
    %dma_wait3A_1156 = arith.constant 4 : i32
    %dma_wait3A_1157 = arith.constant 49 : i32
    %dma_wait3A_1158 = arith.constant 4 : i32
    %dma_wait3A_1159 = arith.constant 0 : i32
    %dma_wait3A_1160 = arith.constant 0 : i32
    %dma_wait3A_1161 = tpu.memref_slice %arg6[%dma_wait3A_1156, %dma_wait3A_1159, %dma_wait3A_1160] : memref<5x128x128xf32, #tpu.memory_space<vmem>> -> memref<1x128x128xf32, #tpu.memory_space<vmem>>
    %dma_wait3A_1162 = tpu.memref_squeeze %dma_wait3A_1161 : memref<1x128x128xf32, #tpu.memory_space<vmem>> -> memref<128x128xf32, #tpu.memory_space<vmem>>
    %dma_wait3A_1163 = arith.constant 0 : i32
    %dma_wait3A_1164 = tpu.memref_slice %arg4[%dma_wait3A_1157, %mul3A_2, %dma_wait3A_1163] : memref<50x4096x128xf32, #tpu.memory_space<hbm>> -> memref<1x128x128xf32, #tpu.memory_space<hbm>>
    %dma_wait3A_1165 = tpu.memref_squeeze %dma_wait3A_1164 : memref<1x128x128xf32, #tpu.memory_space<hbm>> -> memref<128x128xf32, #tpu.memory_space<hbm>>
    %dma_wait3A_1166 = tpu.memref_slice %arg9[%dma_wait3A_1158] : memref<5x!tpu.dma_semaphore, #tpu.memory_space<semaphore_mem>> -> memref<1x!tpu.dma_semaphore, #tpu.memory_space<semaphore_mem>>
    %dma_wait3A_1167 = tpu.memref_squeeze %dma_wait3A_1166 : memref<1x!tpu.dma_semaphore, #tpu.memory_space<semaphore_mem>> -> memref<!tpu.dma_semaphore, #tpu.memory_space<semaphore_mem>>
    %dma_wait3A_1168 = arith.constant 0 : i32
    %dma_wait3A_1169 = tpu.memref_slice %arg4[%dma_wait3A_1157, %mul3A_2, %dma_wait3A_1168] : memref<50x4096x128xf32, #tpu.memory_space<hbm>> -> memref<1x128x128xf32, #tpu.memory_space<hbm>>
    %dma_wait3A_1170 = tpu.memref_squeeze %dma_wait3A_1169 : memref<1x128x128xf32, #tpu.memory_space<hbm>> -> memref<128x128xf32, #tpu.memory_space<hbm>>
    %dma_wait3A_1171 = arith.constant 0 : i32
    %dma_wait3A_1172 = arith.constant 0 : i32
    %dma_wait3A_1173 = tpu.memref_slice %arg6[%dma_wait3A_1156, %dma_wait3A_1171, %dma_wait3A_1172] : memref<5x128x128xf32, #tpu.memory_space<vmem>> -> memref<1x128x128xf32, #tpu.memory_space<vmem>>
    %dma_wait3A_1174 = tpu.memref_squeeze %dma_wait3A_1173 : memref<1x128x128xf32, #tpu.memory_space<vmem>> -> memref<128x128xf32, #tpu.memory_space<vmem>>
    tpu.wait_dma2 semaphore(%dma_wait3A_1167 : memref<!tpu.dma_semaphore, #tpu.memory_space<semaphore_mem>>) src(%dma_wait3A_1174 : memref<128x128xf32, #tpu.memory_space<vmem>>) dst(%dma_wait3A_1170 : memref<128x128xf32, #tpu.memory_space<hbm>>)
    return
  }
}

</mosaic_0001>

<sc_bundles>
// kernel: kernel.3.cloned.1.call-start
scs
__scs_entry_jumppad:
0x0: {  	(pc) =	sbr.rel $0x88, $3  }
0x1: {  	(tag) =	ssettag $0x0;
	lr =	simm.s32 $0x1  }
0x2: {  	[smem:$0x3F9F] =	sst lr;
	_ =	strace $0xD0000000  }
0x3: {  	_ = 	snop  }
0x4: {  	_ = 	snop  }
0x5: {  	_ = 	snop  }
0x6: {  	_ = 	snop  }
0x7: {  	_ = 	snop  }
__scs_overlays_trampoline_lowered:
0x8: {  	[smem:$0x3FAE] =	sst s0  }
0x9: {  	[smem:$0x3FAF] =	sst s1  }
0xa: {  	[smem:$0x3FB0] =	sst s2  }
0xb: {  	[smem:$0x3FB1] =	sst s3  }
0xc: {  	[smem:$0x3FB2] =	sst s4  }
0xd: {  	[smem:$0x3FB3] =	sst s5  }
0xe: {  	[smem:$0x3FB4] =	sst s6  }
0xf: {  	[smem:$0x3FB5] =	sst s7  }
0x10: {  	[smem:$0x3FB6] =	sst s8  }
0x11: {  	[smem:$0x3FB7] =	sst s9;
	s0 =	simm.s32 @!p0 $0x0  }
0x12: {  	s1 =	sld [smem:$0x3F9D];
	s0 =	simm.s32 @p0 $0x1  }
0x13: {  	[smem:$0x3FB8] =	sst s0;
	s0 =	simm.s32 @!p1 $0x0  }
0x14: {  	s2 =	sld [smem:$0x3F9C];
	s0 =	simm.s32 @p1 $0x1  }
0x15: {  	[smem:$0x3FB9] =	sst s0;
	s0 =	simm.s32 @!p2 $0x0  }
0x16: {  	s3 =	sld [smem:$0x3FDB];
	s0 =	simm.s32 @p2 $0x1  }
0x17: {  	s4 =	simm.s32 $0x1BF5;
	[smem:$0x3FBB] =	sst s0  }
0x18: {  	s0 =	sld [smem:$0x3F9E];
	_ =	swait.ge [sflag:s4], $0x0  }
0x19: {  	s7 =	sld [smem:$0x3F9F]  }
0x1a: {  	s8 =	sadd.s32 $0xFFFFE003, lr  }
0x1b: {  	s9 =	sadd.s32 $0xFFFFFEF7, lr;
	s5 =	simm.s32 $0xFFFFFFFF;
	p2 =	slt.u32 s8, $0xFFFFF086  }
0x1c: {  	p1 =	slt.u32 s9, $0xF7A;
	s5 =	simm.s32 @!p2 $0x0  }
0x1d: {  	s5 =	simm.s32 @p1 $0x1;
	p0 =	seq.s32 s7, s2  }
0x1e: {  	s7 =	smul.u32 @!p0 $0xF7A, s2;
	p2 =	seq.s32 @!p0 s5, $0x0  }
0x1f: {  	s9 =	smul.u32 $0xF7A, s1;
	s8 =	simm.s32 @!p0 $0x1BF5;
	p2 =	por !p2, p0  }
0x20: {  	[sflag:s8] =	ssyncset.s32 @!p0 $0xFFFFF086;
	s6 =	sadd.s32 @!p0 s3, s7;
	s7 =	simm.s32 @!p0 $0x108  }
0x21: {  	s3 =	sadd.s32 s3, s9;
	s6 =	sadd.s32 @!p0 $0x88, s6;
	s7 =	simm.s32 @p2 $0x1082  }
0x22: {  	[simem:s7], [sflag:s8] =	dma.local @!p0 [hbm:s6], $0xF7A  }
0x23: {  	s9 =	sor.u32 $0xD0000000, s2;
	s6 =	simm.s32 $0x108;
	_ =	swait.ge @!p0 [sflag:s8], $0x0  }
0x24: {  	s3 =	sadd.s32 $0x88, s3;
	s6 =	simm.s32 @!p1 $0x1082;
	[sflag:s4] =	ssyncset.s32 $0xFFFFF086  }
0x25: {  	[simem:s6], [sflag:s4] =	dma.local [hbm:s3], $0xF7A  }
0x26: {  	[smem:$0x3F9F] =	sst s1;
	(tag) =	ssettag s2;
	_ =	strace s9  }
0x27: {  	s1 =	sld [smem:$0x3FAF]  }
0x28: {  	s2 =	sld [smem:$0x3FB0]  }
0x29: {  	s4 =	sld [smem:$0x3FB2]  }
0x2a: {  	p0 =	seq.s32 s5, $0x0;
	s5 =	sld [smem:$0x3FB3]  }
0x2b: {  	s6 =	sld [smem:$0x3FB4]  }
0x2c: {  	s7 =	sld [smem:$0x3FB5]  }
0x2d: {  	s3 =	simm.s32 $0x108;
	s8 =	sld [smem:$0x3FB6]  }
0x2e: {  	s3 =	simm.s32 @!p0 $0x1082;
	s9 =	sld [smem:$0x3FB7]  }
0x2f: {  	lr =	sadd.s32 s0, s3;
	s0 =	sld [smem:$0x3FAE]  }
0x30: {  	s3 =	sld [smem:$0x3FB1]  }
0x31: {  	[smem:$0x3FBA] =	sst s10  }
0x32: {  	s10 =	sld [smem:$0x3FB8];
	_ =	sdelay $0x3  }
0x33: {  	p0 =	seq.s32 s10, $0x1;
	s10 =	sld [smem:$0x3FBA];
	_ =	sdelay $0x3  }
0x34: {  	[smem:$0x3FBA] =	sst s10  }
0x35: {  	s10 =	sld [smem:$0x3FB9];
	_ =	sdelay $0x3  }
0x36: {  	p1 =	seq.s32 s10, $0x1;
	s10 =	sld [smem:$0x3FBA];
	_ =	sdelay $0x3  }
0x37: {  	[smem:$0x3FBA] =	sst s10  }
0x38: {  	s10 =	sld [smem:$0x3FBB]  }
0x39: {  	_ = 	snop;
	(pc) =	sbr.ind lr, $3  }
0x3a: {  	_ = 	snop  }
0x3b: {  	_ = 	snop  }
0x3c: {  	p2 =	seq.s32 s10, $0x1;
	s10 =	sld [smem:$0x3FBA]  }
0x3d: {  	_ =	shalt  }
0x3e: {  	_ =	shalt  }
0x3f: {  	_ =	shalt  }
0x40: {  	_ =	shalt  }
0x41: {  	_ =	shalt  }
0x42: {  	_ =	shalt  }
0x43: {  	_ =	shalt  }
0x44: {  	_ =	shalt  }
0x45: {  	_ =	shalt  }
0x46: {  	_ =	shalt  }
0x47: {  	_ =	shalt  }
0x48: {  	_ =	shalt  }
0x49: {  	_ =	shalt  }
0x4a: {  	_ =	shalt  }
0x4b: {  	_ =	shalt  }
0x4c: {  	_ =	shalt  }
0x4d: {  	_ =	shalt  }
0x4e: {  	_ =	shalt  }
0x4f: {  	_ =	shalt  }
0x50: {  	_ =	shalt  }
0x51: {  	_ =	shalt  }
0x52: {  	_ =	shalt  }
0x53: {  	_ =	shalt  }
0x54: {  	_ =	shalt  }
0x55: {  	_ =	shalt  }
0x56: {  	_ =	shalt  }
0x57: {  	_ =	shalt  }
0x58: {  	_ =	shalt  }
0x59: {  	_ =	shalt  }
0x5a: {  	_ =	shalt  }
0x5b: {  	_ =	shalt  }
0x5c: {  	_ =	shalt  }
0x5d: {  	_ =	shalt  }
0x5e: {  	_ =	shalt  }
0x5f: {  	_ =	shalt  }
0x60: {  	_ =	shalt  }
0x61: {  	_ =	shalt  }
0x62: {  	_ =	shalt  }
0x63: {  	_ =	shalt  }
0x64: {  	_ =	shalt  }
0x65: {  	_ =	shalt  }
0x66: {  	_ =	shalt  }
0x67: {  	_ =	shalt  }
0x68: {  	_ =	shalt  }
0x69: {  	_ =	shalt  }
0x6a: {  	_ =	shalt  }
0x6b: {  	_ =	shalt  }
0x6c: {  	_ =	shalt  }
0x6d: {  	_ =	shalt  }
0x6e: {  	_ =	shalt  }
0x6f: {  	_ =	shalt  }
0x70: {  	_ =	shalt  }
0x71: {  	_ =	shalt  }
0x72: {  	_ =	shalt  }
0x73: {  	_ =	shalt  }
0x74: {  	_ =	shalt  }
0x75: {  	_ =	shalt  }
0x76: {  	_ =	shalt  }
0x77: {  	_ =	shalt  }
0x78: {  	_ =	shalt  }
0x79: {  	_ =	shalt  }
0x7a: {  	_ =	shalt  }
0x7b: {  	_ =	shalt  }
0x7c: {  	_ =	shalt  }
0x7d: {  	_ =	shalt  }
0x7e: {  	_ =	shalt  }
0x7f: {  	_ =	shalt  }
0x80: {  	_ =	shalt  }
0x81: {  	_ =	shalt  }
0x82: {  	_ =	shalt  }
0x83: {  	_ =	shalt  }
0x84: {  	_ =	shalt  }
0x85: {  	_ =	shalt  }
0x86: {  	_ =	shalt  }
0x87: {  	_ =	shalt  }
.Lfunc_end0:
.L_simem_size_0:
called_computation_lowered:
.L_overlay_start_0:
0x88: {  	s2 =	sld [smem:$0x3FD9]  }
0x89: {  	s3 =	sld [smem:$0x3FFE];
	_ =	sdelay $0x1  }
0x8a: {  	s1 =	srdreg.scid  }
0x8b: {  	s0 =	sand.u32 $0x1, s1  }
0x8c: {  	s18 =	sshll.u32 s0, $0xA;
	s2 =	sadd.s32 s3, s2  }
0x8d: {  	s2 =	sadd.s32 s2, s18  }
0x8e: {  	[smem:$0x3FC6] =	sst s2  }
0x8f: {  	_ = 	snop  }
0x90: {  	s2 =	sld [smem:$0x3FC9]  }
0x91: {  	s19 =	sld [smem:$0x3FC8]  }
0x92: {  	s4 =	sld [smem:$0x3FD0];
	(tm) =	ssettm $0x1  }
0x93: {  	s5 =	sld [smem:$0x3FFB];
	_ =	sdelay $0x3  }
0x94: {  	_ =	strace s5  }
0x95: {  	s5 =	sld [smem:$0x3FFC];
	_ =	sdelay $0x3  }
0x96: {  	_ =	strace s5  }
0x97: {  	s5 =	sld [smem:$0x3FFD];
	_ =	sdelay $0x3  }
0x98: {  	_ =	strace s5  }
0x99: {  	_ =	strace $0x8FFFFFFF  }
0x9a: {  	s20 =	sld [smem:$0x3FDB];
	_ =	sdelay $0x1  }
0x9b: {  	s6 =	simm.s32 $_scs_section_size  }
0x9c: {  	s7 =	simm.s32 $_size__tile_overlayer_lowered;
	s8 =	simm.s32 $_tile_overlayer_lowered  }
0x9d: {  	s23 =	simm.s32 $0x1BFF;
	s22 =	sshll.u32 s8, $0x1;
	s5 =	sadd.s32 s6, s20  }
0x9e: {  	s9 =	simm.s32 $0x0;
	s21 =	sshll.u32 s7, $0x1;
	s7 =	sadd.s32 s22, s5  }
0x9f: {  	[timem:s9], [sflag:s23] =	dma.local [hbm:s7], s21  }
0xa0: {  	_ =	swait.ge [sflag:s23], s21  }
0xa1: {  	s6 =	ssub.s32 $0x0, s21;
	[sflag:s23] =	ssyncset.done $0x0  }
0xa2: {  	[sflag:s23] =	ssyncadd.s32 s6;
	_ =	sdelay $0x1  }
0xa3: {  	s24 =	simm.s32 $0x1B8B  }
0xa4: {  	_ =	swait.ge [sflag:s24], $0x1  }
0xa5: {  	[sflag:s24] =	ssyncset.done $0x0  }
0xa6: {  	s25 =	simm.s32 $0x1B8E;
	[sflag:s24] =	ssyncadd.s32 $0xFFFFFFFF  }
0xa7: {  	s26 =	simm.s32 $execute0_lowered;
	[smem:$0x3FD2] =	sst s25  }
0xa8: {  	s6 =	sshll.u32 s26, $0x1;
	_ =	strace $0x80000046;
	[dreg:$0x1] =	wrdreg $0xFFFFFFFF  }
0xa9: {  	s28 =	simm.s32 $_size_execute0_lowered;
	s5 =	sadd.s32 s5, s6;
	[dreg:$0x0] =	wrdreg $0x0  }
0xaa: {  	s6 =	sshll.u32 s28, $0x1;
	[dreg:$0x2] =	wrdreg s5  }
0xab: {  	[dreg:$0x3] =	wrdreg s6  }
0xac: {  	[dreg:$0x4] =	wrdreg $0xC0  }
0xad: {  	_ =	task [dreg:s9], $0x5FFFF  }
0xae: {  	[dreg:$0x1] =	wrdreg $0xFFFFFFFF  }
0xaf: {  	[dreg:$0x0] =	wrdreg $0x60  }
0xb0: {  	[dreg:$0x2] =	wrdreg s2  }
0xb1: {  	[dreg:$0x3] =	wrdreg s19  }
0xb2: {  	[dreg:$0x4] =	wrdreg s4  }
0xb3: {  	[dreg:$0x5] =	wrdreg $0x15C000  }
0xb4: {  	[dreg:$0x6] =	wrdreg $0x9  }
0xb5: {  	_ =	task.clear_ibuf [dreg:s9], $0x7FFFF;
	_ =	strace $0x90000046  }
0xb6: {  	s29 =	simm.s32 $0x9;
	_ =	strace $0x80000048  }
0xb7: {  	_ =	swait.ge [sflag:s29], $0x1  }
0xb8: {  	[sflag:s29] =	ssyncadd.s32 $0xFFFFFFFF  }
0xb9: {  	_ =	strace $0x90000048  }
0xba: {  	_ =	sfence  }
0xbb: {  	s30 =	sld [smem:$0x0];
	_ =	sdelay $0x2  }
0xbc: {  	s31 =	sshll.u32 s1, $0xD;
	s1 =	sshrl.u32 s1, $0x2  }
0xbd: {  	s3 =	sand.u32 $0x4000, s31;
	s1 =	sadd.s32 s1, s30  }
0xbe: {  	s0 =	sor.u32 s3, s0;
	s1 =	sshll.u32 s1, $0x11  }
0xbf: {  	s0 =	sor.u32 s1, s0  }
0xc0: {  	s0 =	sadd.s32 $0x8F2B, s0  }
0xc1: {  	[sflag:s0] =	ssyncadd.remote.s32 $0x1  }
0xc2: {  	_ =	sfence.sel $0xFFFF  }
0xc3: {  	[dreg:$0x0] =	wrdreg $0xFFFFFFFF;
	(pc) =	sbr.abs _section_cstart, $3  }
0xc4: {  	[dreg:$0x1] =	wrdreg $0xFFFFFFFF  }
0xc5: {  	_ =	task.clear_ibuf [dreg:s9], $0x2FFFF;
	_ =	strace $0x9FFFFFFF  }
0xc6: {  	(tm) =	ssettm $0x7FFFFFFF  }
0xc7: {  	_ =	shalt  }
tec
execute0_lowered:
.L_overlay_start_1:
0x0: {  	(tag) =	ssettag $0x1  }
0x1: {  	s0 =	rddreg [dreg:$0x0]  }
0x2: {  	s3 =	rddreg [dreg:$0x1]  }
0x3: {  	s4 =	rddreg [dreg:$0x2]  }
0x4: {  	s1 =	rddreg [dreg:$0x3]  }
0x5: {  	s5 =	srdreg.scid;
	s2 =	simm.s32 $0x0;
	s7 =	stileid.u32  }
0x6: {  	s28 =	simm.s32 $0x5C00;
	s30 =	simm.s32 $0x9C00;
	s29 =	simm.s32 $0x4  }
0x7: {  	s31 =	simm.s32 $0x5;
	s6 =	sand.u32 $0x1, s5;
	[smem:$0x7FF] =	sst s2  }
0x8: {  	s23 =	sshll.u32 s7, $0x8;
	s10 =	sshll.u32 s7, $0xF;
	s24 =	sshll.u32 s7, $0xC  }
0x9: {  	s25 =	sshll.u32 s7, $0x6;
	s13 =	sadd.s32 $0x80000, s1;
	p0 =	sne.s32 s7, $0x0  }
0xa: {  	s7 =	simm.s32 $0xA;
	s5 =	ssub.s32 $0x2, s6;
	_ =	strace $0x80000047  }
0xb: {  	s9 =	sshll.u32 s6, $0x7;
	s12 =	sadd.s32 s10, s1;
	s6 =	sshll.u32 s6, $0xE  }
0xc: {  	s8 =	sshrl.u32 s5, $0x1;
	s9 =	sor.u32 s9, s23;
	s11 =	sor.u32 s6, s10  }
0xd: {  	s6 =	simm.s32 $0x9;
	s8 =	ssub.s32 s5, s8;
	s5 =	sadd.s32 s3, s24  }
0xe: {  	s26 =	sshll.u32 s9, $0x4;
	s3 =	sadd.s32 $0x10000, s3;
	s16 =	sor.u32 $0x200000, s11  }
0xf: {  	s20 =	sor.u32 $0x180000, s11;
	s21 =	sor.u32 $0x100000, s11;
	[dreg:$0x5] =	wrdreg s5  }
0x10: {  	s22 =	sor.u32 $0x80000, s11;
	s5 =	sor.u32 $0x1C01, s25;
	[dreg:$0x7] =	wrdreg s3  }
0x11: {  	s18 =	sshrl.u32 s16, $0x3;
	s19 =	smax.u32 s8, $0x1;
	s23 =	sshrl.u32 s21, $0x3  }
0x12: {  	s24 =	sshrl.u32 s22, $0x3;
	s25 =	sshrl.u32 s11, $0x3;
	s22 =	sshrl.u32 @!p0 s13, $0x3  }
0x13: {  	s21 =	simm.s32 $0x3;
	[dreg:$0x6] =	wrdreg s5;
	s5 =	sadd.s32 s0, s9  }
0x14: {  	s0 =	sadd.s32 s26, s4;
	[dreg:$0xd] =	wrdreg s19;
	s26 =	sshrl.u32 s12, $0x3  }
0x15: {  	s3 =	simm.s32 $0x7;
	s9 =	sadd.s32 $0x2D0000, s0;
	[dreg:$0x11] =	wrdreg s26  }
0x16: {  	s8 =	simm.s32 $0x0;
	s14 =	sadd.s32 $0x2E0000, s0;
	[dreg:$0x8] =	wrdreg s9  }
0x17: {  	s10 =	sadd.s32 s24, s4;
	s15 =	sadd.s32 $0x2F0000, s0;
	[dreg:$0x9] =	wrdreg s14  }
0x18: {  	s24 =	simm.s32 $0x2;
	s17 =	sadd.s32 $0x300000, s0;
	[dreg:$0xa] =	wrdreg s15  }
0x19: {  	s19 =	simm.s32 $0x6;
	s0 =	sadd.s32 $0x310000, s0;
	[dreg:$0xb] =	wrdreg s17  }
0x1a: {  	s26 =	simm.s32 $0x1C00;
	[dreg:$0xc] =	wrdreg s0;
	s0 =	sadd.s32 s18, s4  }
0x1b: {  	s9 =	sadd.s32 s25, s4;
	[dreg:$0xe] =	wrdreg s0;
	s0 =	sshrl.u32 s20, $0x3  }
0x1c: {  	s25 =	simm.s32 $0x80;
	s20 =	simm.s32 $0x11C00;
	s0 =	sadd.s32 s0, s4  }
0x1d: {  	[dreg:$0xf] =	wrdreg s0;
	s0 =	sadd.s32 s23, s4;
	s23 =	simm.s32 $0x1  }
0x1e: {  	s4 =	simm.s32 $0x8;
	[dreg:$0x10] =	wrdreg s0;
	s0 =	simm.s32 $0xDC00  }
.LBB2_1:
0x1f: {  	s11 =	rddreg [dreg:$0x5]  }
0x20: {  	s12 =	rddreg [dreg:$0x6]  }
0x21: {  	s13 =	rddreg [dreg:$0x11]  }
0x22: {  	[spmem:s13], [sflag:s12] =	dma.local [hbm:s11], $0x1000  }
0x23: {  	s14 =	sadd.s32 $0x6000, s5;
	s12 =	simm.s32 $0x400;
	s13 =	simm.s32 $0x8000  }
0x24: {  	[tilespmem:s2], [sflag:$0x2] =	stream.strided.gather [hbm4b:s5+s12], $0x1800, s13, s12, $0x38;
	[tilespmem:$0x1DC08] =	vst v63  }
0x25: {  	s15 =	simm.s32 $0x1800;
	s12 =	simm.s32 @!p0 $0x1C0B;
	s11 =	rddreg [dreg:$0x7]  }
0x26: {  	[tilespmem:s15], [sflag:$0x2] =	stream.linear.gather [hbm4b:s14+s2], $0x100, $0x38;
	[tilespmem:$0x1DC08] =	vst v63  }
0x27: {  	[spmem:s22], [sflag:s12] =	dma.local @!p0 [hbm:s11], $0x10  }
0x28: {  	s12 =	simm.s32 @!p0 $0xB  }
0x29: {  	_ =	swait.ge @!p0 [sflag:s12], $0x10  }
0x2a: {  	[sflag:s12] =	ssyncset.done @!p0 $0x0  }
0x2b: {  	[sflag:s12] =	ssyncadd.s32 @!p0 $0xFFFFFFF0  }
0x2c: {  	_ =	swait.ge [sflag:s23], $0x1000  }
0x2d: {  	[sflag:s23] =	ssyncset.done $0x0  }
0x2e: {  	[sflag:s23] =	ssyncadd.s32 $0xFFFFF000  }
0x2f: {  	_ =	swait.ge [sflag:s24], $0x1900  }
0x30: {  	[sflag:s24] =	ssyncset.done $0x0  }
0x31: {  	[sflag:s24] =	ssyncadd.s32 $0xFFFFE700  }
0x32: {  	[bflag:$0x0] =	sbarrier.arrive $0xFFFF  }
0x33: {  	v0 =	vld [tilespmem:$0x0]  }
0x34: {  	v1 =	vld [tilespmem:$0x10]  }
0x35: {  	v2 =	vld [tilespmem:$0x20]  }
0x36: {  	v3 =	vld [tilespmem:$0x30]  }
0x37: {  	v4 =	vld [tilespmem:$0x40]  }
0x38: {  	v5 =	vld [tilespmem:$0x50]  }
0x39: {  	v6 =	vld [tilespmem:$0x60]  }
0x3a: {  	v7 =	vld [tilespmem:$0x70];
	_ =	sdelay $0x1  }
0x3b: {  	vm0 =	vgt.s32 v0, $0xFFFFF800  }
0x3c: {  	vm13 =	vgt.s32 v1, $0xFFFFF800;
	vm14 =	vgt.s32 v2, $0xFFFFF800;
	vm15 =	vgt.s32 v3, $0xFFFFF800  }
0x3d: {  	vm5 =	vgt.s32 v4, $0xFFFFF800;
	vm7 =	vgt.s32 v5, $0xFFFFF800;
	vm8 =	vgt.s32 v6, $0xFFFFF800  }
0x3e: {  	vm10 =	vgt.s32 v7, $0xFFFFF800;
	v0 =	vnsel vm0, $0xFFFFF800, v0;
	v1 =	vnsel vm13, $0xFFFFF800, v1  }
0x3f: {  	v2 =	vnsel vm14, $0xFFFFF800, v2;
	v3 =	vnsel vm15, $0xFFFFF800, v3;
	v4 =	vnsel vm5, $0xFFFFF800, v4  }
0x40: {  	v35 =	vnsel vm7, $0xFFFFF800, v5;
	v36 =	vnsel vm8, $0xFFFFF800, v6;
	vm1 =	vlt.s32 v0, $0x800  }
0x41: {  	v38 =	vnsel vm10, $0xFFFFF800, v7;
	vm0 =	vlt.s32 v1, $0x800;
	v0 =	vnsel vm1, $0x800, v0  }
0x42: {  	vm4 =	vlt.s32 v2, $0x800;
	v1 =	vnsel vm0, $0x800, v1;
	v0 =	vadd.s32 $0x800, v0  }
0x43: {  	vm6 =	vlt.s32 v3, $0x800;
	v2 =	vnsel vm4, $0x800, v2;
	v1 =	vadd.s32 $0x800, v1;
	[tilespmem:$0x0] =	vst v0  }
0x44: {  	vm11 =	vlt.s32 v36, $0x800;
	v3 =	vnsel vm6, $0x800, v3;
	v2 =	vadd.s32 $0x800, v2;
	[tilespmem:$0x10] =	vst v1  }
0x45: {  	vm0 =	vlt.s32 v4, $0x800;
	v39 =	vnsel vm11, $0x800, v36;
	v32 =	vadd.s32 $0x800, v3;
	[tilespmem:$0x20] =	vst v2  }
0x46: {  	vm9 =	vlt.s32 v35, $0x800;
	v33 =	vnsel vm0, $0x800, v4;
	v40 =	vadd.s32 $0x800, v39;
	[tilespmem:$0x30] =	vst v32  }
0x47: {  	v37 =	vnsel vm9, $0x800, v35;
	vm0 =	vlt.s32 v38, $0x800;
	v34 =	vadd.s32 $0x800, v33;
	[tilespmem:$0x60] =	vst v40  }
0x48: {  	v0 =	vadd.s32 $0x800, v37;
	v41 =	vnsel vm0, $0x800, v38;
	[tilespmem:$0x40] =	vst v34  }
0x49: {  	[tilespmem:$0x50] =	vst v0;
	v42 =	vadd.s32 $0x800, v41  }
0x4a: {  	[tilespmem:$0x70] =	vst v42  }
0x4b: {  	[tilespmem:s26], [sflag:$0x1] =	stream.indirect.gather [spmem:s1], $0x80, s2, s25, $0xb8;
	[tilespmem:$0x1DC08] =	vst v63  }
0x4c: {  	v43 =	vld [tilespmem:$0x80]  }
0x4d: {  	v44 =	vld [tilespmem:$0x90]  }
0x4e: {  	v45 =	vld [tilespmem:$0xA0]  }
0x4f: {  	v46 =	vld [tilespmem:$0xB0]  }
0x50: {  	v47 =	vld [tilespmem:$0xC0]  }
0x51: {  	v48 =	vld [tilespmem:$0xD0]  }
0x52: {  	v49 =	vld [tilespmem:$0xE0]  }
0x53: {  	v50 =	vld [tilespmem:$0xF0];
	_ =	sdelay $0x1  }
0x54: {  	vm12 =	vgt.s32 v43, $0xFFFFF800  }
0x55: {  	vm13 =	vgt.s32 v44, $0xFFFFF800;
	vm15 =	vgt.s32 v45, $0xFFFFF800;
	vm4 =	vgt.s32 v46, $0xFFFFF800  }
0x56: {  	vm6 =	vgt.s32 v47, $0xFFFFF800;
	vm8 =	vgt.s32 v48, $0xFFFFF800;
	vm9 =	vgt.s32 v49, $0xFFFFF800  }
0x57: {  	vm11 =	vgt.s32 v50, $0xFFFFF800;
	v0 =	vnsel vm12, $0xFFFFF800, v43;
	v1 =	vnsel vm13, $0xFFFFF800, v44  }
0x58: {  	v2 =	vnsel vm15, $0xFFFFF800, v45;
	v3 =	vnsel vm4, $0xFFFFF800, v46;
	v4 =	vnsel vm6, $0xFFFFF800, v47  }
0x59: {  	v54 =	vnsel vm8, $0xFFFFF800, v48;
	v55 =	vnsel vm9, $0xFFFFF800, v49;
	vm14 =	vlt.s32 v0, $0x800  }
0x5a: {  	v57 =	vnsel vm11, $0xFFFFF800, v50;
	vm0 =	vlt.s32 v1, $0x800;
	v0 =	vnsel vm14, $0x800, v0  }
0x5b: {  	vm5 =	vlt.s32 v2, $0x800;
	v1 =	vnsel vm0, $0x800, v1;
	v0 =	vadd.s32 $0x800, v0  }
0x5c: {  	vm7 =	vlt.s32 v3, $0x800;
	v2 =	vnsel vm5, $0x800, v2;
	v1 =	vadd.s32 $0x800, v1;
	[tilespmem:$0x80] =	vst v0  }
0x5d: {  	vm12 =	vlt.s32 v55, $0x800;
	v3 =	vnsel vm7, $0x800, v3;
	v2 =	vadd.s32 $0x800, v2;
	[tilespmem:$0x90] =	vst v1  }
0x5e: {  	vm0 =	vlt.s32 v4, $0x800;
	v58 =	vnsel vm12, $0x800, v55;
	v51 =	vadd.s32 $0x800, v3;
	[tilespmem:$0xA0] =	vst v2  }
0x5f: {  	vm10 =	vlt.s32 v54, $0x800;
	v52 =	vnsel vm0, $0x800, v4;
	v59 =	vadd.s32 $0x800, v58;
	[tilespmem:$0xB0] =	vst v51  }
0x60: {  	v56 =	vnsel vm10, $0x800, v54;
	vm0 =	vlt.s32 v57, $0x800;
	v53 =	vadd.s32 $0x800, v52;
	[tilespmem:$0xE0] =	vst v59  }
0x61: {  	v0 =	vadd.s32 $0x800, v56;
	v60 =	vnsel vm0, $0x800, v57;
	[tilespmem:$0xC0] =	vst v53  }
0x62: {  	[tilespmem:$0xD0] =	vst v0;
	v61 =	vadd.s32 $0x800, v60  }
0x63: {  	[tilespmem:$0xF0] =	vst v61  }
0x64: {  	[tilespmem:s28], [sflag:$0x2] =	stream.indirect.gather [spmem:s1], $0x80, s25, s25, $0xb8;
	[tilespmem:$0x1DC08] =	vst v63  }
0x65: {  	v62 =	vld [tilespmem:$0x100]  }
0x66: {  	v63 =	vld [tilespmem:$0x110]  }
0x67: {  	v8 =	vld [tilespmem:$0x120]  }
0x68: {  	v9 =	vld [tilespmem:$0x130]  }
0x69: {  	v10 =	vld [tilespmem:$0x140]  }
0x6a: {  	v11 =	vld [tilespmem:$0x150]  }
0x6b: {  	v12 =	vld [tilespmem:$0x160]  }
0x6c: {  	v13 =	vld [tilespmem:$0x170];
	_ =	sdelay $0x1  }
0x6d: {  	vm13 =	vgt.s32 v62, $0xFFFFF800  }
0x6e: {  	vm14 =	vgt.s32 v63, $0xFFFFF800;
	vm4 =	vgt.s32 v8, $0xFFFFF800;
	vm5 =	vgt.s32 v9, $0xFFFFF800  }
0x6f: {  	vm7 =	vgt.s32 v10, $0xFFFFF800;
	vm9 =	vgt.s32 v11, $0xFFFFF800;
	vm10 =	vgt.s32 v12, $0xFFFFF800  }
0x70: {  	vm12 =	vgt.s32 v13, $0xFFFFF800;
	v0 =	vnsel vm13, $0xFFFFF800, v62;
	v1 =	vnsel vm14, $0xFFFFF800, v63  }
0x71: {  	v2 =	vnsel vm4, $0xFFFFF800, v8;
	v3 =	vnsel vm5, $0xFFFFF800, v9;
	v4 =	vnsel vm7, $0xFFFFF800, v10  }
0x72: {  	v17 =	vnsel vm9, $0xFFFFF800, v11;
	v18 =	vnsel vm10, $0xFFFFF800, v12;
	vm15 =	vlt.s32 v0, $0x800  }
0x73: {  	v20 =	vnsel vm12, $0xFFFFF800, v13;
	vm0 =	vlt.s32 v1, $0x800;
	v0 =	vnsel vm15, $0x800, v0  }
0x74: {  	vm6 =	vlt.s32 v2, $0x800;
	v1 =	vnsel vm0, $0x800, v1;
	v0 =	vadd.s32 $0x800, v0  }
0x75: {  	vm8 =	vlt.s32 v3, $0x800;
	v2 =	vnsel vm6, $0x800, v2;
	v1 =	vadd.s32 $0x800, v1;
	[tilespmem:$0x100] =	vst v0  }
0x76: {  	vm13 =	vlt.s32 v18, $0x800;
	v3 =	vnsel vm8, $0x800, v3;
	v2 =	vadd.s32 $0x800, v2;
	[tilespmem:$0x110] =	vst v1  }
0x77: {  	vm0 =	vlt.s32 v4, $0x800;
	v21 =	vnsel vm13, $0x800, v18;
	v14 =	vadd.s32 $0x800, v3;
	[tilespmem:$0x120] =	vst v2  }
0x78: {  	vm11 =	vlt.s32 v17, $0x800;
	v15 =	vnsel vm0, $0x800, v4;
	v22 =	vadd.s32 $0x800, v21;
	[tilespmem:$0x130] =	vst v14  }
0x79: {  	v19 =	vnsel vm11, $0x800, v17;
	vm0 =	vlt.s32 v20, $0x800;
	v16 =	vadd.s32 $0x800, v15;
	[tilespmem:$0x160] =	vst v22  }
0x7a: {  	v0 =	vadd.s32 $0x800, v19;
	v23 =	vnsel vm0, $0x800, v20;
	[tilespmem:$0x140] =	vst v16  }
0x7b: {  	[tilespmem:$0x150] =	vst v0;
	v24 =	vadd.s32 $0x800, v23  }
0x7c: {  	s16 =	simm.s32 $0x100;
	[tilespmem:$0x170] =	vst v24  }
0x7d: {  	[tilespmem:s30], [sflag:$0x3] =	stream.indirect.gather [spmem:s1], $0x80, s16, s25, $0xb8;
	[tilespmem:$0x1DC08] =	vst v63  }
0x7e: {  	v25 =	vld [tilespmem:$0x180]  }
0x7f: {  	v26 =	vld [tilespmem:$0x190]  }
0x80: {  	v27 =	vld [tilespmem:$0x1A0]  }
0x81: {  	v28 =	vld [tilespmem:$0x1B0]  }
0x82: {  	v29 =	vld [tilespmem:$0x1C0]  }
0x83: {  	v30 =	vld [tilespmem:$0x1D0]  }
0x84: {  	v31 =	vld [tilespmem:$0x1E0]  }
0x85: {  	v32 =	vld [tilespmem:$0x1F0];
	_ =	sdelay $0x1  }
0x86: {  	vm14 =	vgt.s32 v25, $0xFFFFF800  }
0x87: {  	vm15 =	vgt.s32 v26, $0xFFFFF800;
	vm5 =	vgt.s32 v27, $0xFFFFF800;
	vm6 =	vgt.s32 v28, $0xFFFFF800  }
0x88: {  	vm8 =	vgt.s32 v29, $0xFFFFF800;
	vm10 =	vgt.s32 v30, $0xFFFFF800;
	vm11 =	vgt.s32 v31, $0xFFFFF800  }
0x89: {  	vm13 =	vgt.s32 v32, $0xFFFFF800;
	v0 =	vnsel vm14, $0xFFFFF800, v25;
	v1 =	vnsel vm15, $0xFFFFF800, v26  }
0x8a: {  	v2 =	vnsel vm5, $0xFFFFF800, v27;
	v3 =	vnsel vm6, $0xFFFFF800, v28;
	v4 =	vnsel vm8, $0xFFFFF800, v29  }
0x8b: {  	v36 =	vnsel vm10, $0xFFFFF800, v30;
	v37 =	vnsel vm11, $0xFFFFF800, v31;
	vm4 =	vlt.s32 v0, $0x800  }
0x8c: {  	v39 =	vnsel vm13, $0xFFFFF800, v32;
	vm0 =	vlt.s32 v1, $0x800;
	v0 =	vnsel vm4, $0x800, v0  }
0x8d: {  	vm7 =	vlt.s32 v2, $0x800;
	v1 =	vnsel vm0, $0x800, v1;
	v0 =	vadd.s32 $0x800, v0  }
0x8e: {  	vm9 =	vlt.s32 v3, $0x800;
	v2 =	vnsel vm7, $0x800, v2;
	v1 =	vadd.s32 $0x800, v1;
	[tilespmem:$0x180] =	vst v0  }
0x8f: {  	vm14 =	vlt.s32 v37, $0x800;
	v3 =	vnsel vm9, $0x800, v3;
	v2 =	vadd.s32 $0x800, v2;
	[tilespmem:$0x190] =	vst v1  }
0x90: {  	vm0 =	vlt.s32 v4, $0x800;
	v40 =	vnsel vm14, $0x800, v37;
	v33 =	vadd.s32 $0x800, v3;
	[tilespmem:$0x1A0] =	vst v2  }
0x91: {  	vm12 =	vlt.s32 v36, $0x800;
	v34 =	vnsel vm0, $0x800, v4;
	v41 =	vadd.s32 $0x800, v40;
	[tilespmem:$0x1B0] =	vst v33  }
0x92: {  	v38 =	vnsel vm12, $0x800, v36;
	vm0 =	vlt.s32 v39, $0x800;
	v35 =	vadd.s32 $0x800, v34;
	[tilespmem:$0x1E0] =	vst v41  }
0x93: {  	v0 =	vadd.s32 $0x800, v38;
	v42 =	vnsel vm0, $0x800, v39;
	[tilespmem:$0x1C0] =	vst v35  }
0x94: {  	[tilespmem:$0x1D0] =	vst v0;
	v43 =	vadd.s32 $0x800, v42  }
0x95: {  	s17 =	simm.s32 $0x180;
	[tilespmem:$0x1F0] =	vst v43  }
0x96: {  	[tilespmem:s0], [sflag:$0x4] =	stream.indirect.gather [spmem:s1], $0x80, s17, s25, $0xb8;
	[tilespmem:$0x1DC08] =	vst v63  }
0x97: {  	v44 =	vld [tilespmem:$0x200]  }
0x98: {  	v45 =	vld [tilespmem:$0x210]  }
0x99: {  	v46 =	vld [tilespmem:$0x220]  }
0x9a: {  	v47 =	vld [tilespmem:$0x230]  }
0x9b: {  	v48 =	vld [tilespmem:$0x240]  }
0x9c: {  	v49 =	vld [tilespmem:$0x250]  }
0x9d: {  	v50 =	vld [tilespmem:$0x260]  }
0x9e: {  	v51 =	vld [tilespmem:$0x270];
	_ =	sdelay $0x1  }
0x9f: {  	vm15 =	vgt.s32 v44, $0xFFFFF800  }
0xa0: {  	vm4 =	vgt.s32 v45, $0xFFFFF800;
	vm5 =	vgt.s32 v46, $0xFFFFF800;
	vm6 =	vgt.s32 v47, $0xFFFFF800  }
0xa1: {  	vm8 =	vgt.s32 v48, $0xFFFFF800;
	vm9 =	vgt.s32 v49, $0xFFFFF800;
	vm12 =	vgt.s32 v50, $0xFFFFF800  }
0xa2: {  	vm13 =	vgt.s32 v51, $0xFFFFF800;
	v0 =	vnsel vm15, $0xFFFFF800, v44;
	v1 =	vnsel vm4, $0xFFFFF800, v45  }
0xa3: {  	v2 =	vnsel vm5, $0xFFFFF800, v46;
	v3 =	vnsel vm6, $0xFFFFF800, v47;
	v4 =	vnsel vm8, $0xFFFFF800, v48  }
0xa4: {  	v5 =	vnsel vm9, $0xFFFFF800, v49;
	v57 =	vnsel vm12, $0xFFFFF800, v50;
	vm0 =	vlt.s32 v0, $0x800  }
0xa5: {  	v59 =	vnsel vm13, $0xFFFFF800, v51;
	vm1 =	vlt.s32 v1, $0x800;
	v0 =	vnsel vm0, $0x800, v0  }
0xa6: {  	vm7 =	vlt.s32 v2, $0x800;
	v1 =	vnsel vm1, $0x800, v1;
	v0 =	vadd.s32 $0x800, v0  }
0xa7: {  	vm10 =	vlt.s32 v4, $0x800;
	v2 =	vnsel vm7, $0x800, v2;
	v52 =	vadd.s32 $0x800, v1;
	[tilespmem:$0x200] =	vst v0  }
0xa8: {  	vm11 =	vlt.s32 v5, $0x800;
	v53 =	vnsel vm10, $0x800, v4;
	v54 =	vadd.s32 $0x800, v2;
	[tilespmem:$0x210] =	vst v52  }
0xa9: {  	vm14 =	vlt.s32 v57, $0x800;
	v55 =	vnsel vm11, $0x800, v5;
	v58 =	vadd.s32 $0x800, v53;
	[tilespmem:$0x220] =	vst v54  }
0xaa: {  	vm0 =	vlt.s32 v3, $0x800;
	v61 =	vnsel vm14, $0x800, v57;
	v60 =	vadd.s32 $0x800, v55;
	[tilespmem:$0x240] =	vst v58  }
0xab: {  	vm15 =	vlt.s32 v59, $0x800;
	v3 =	vnsel vm0, $0x800, v3;
	v63 =	vadd.s32 $0x800, v61;
	[tilespmem:$0x250] =	vst v60  }
0xac: {  	s15 =	rddreg [dreg:$0x10];
	v62 =	vnsel vm15, $0x800, v59;
	v56 =	vadd.s32 $0x800, v3;
	[tilespmem:$0x260] =	vst v63  }
0xad: {  	s18 =	simm.s32 $0x200;
	s12 =	simm.s32 $0x0;
	s14 =	rddreg [dreg:$0xf];
	v0 =	vadd.s32 $0x800, v62;
	[tilespmem:$0x230] =	vst v56  }
0xae: {  	s13 =	rddreg [dreg:$0xe];
	s16 =	smov.u32 s10;
	s17 =	smov.u32 s9;
	[tilespmem:$0x270] =	vst v0  }
0xaf: {  	[tilespmem:s20], [sflag:$0x5] =	stream.indirect.gather [spmem:s1], $0x80, s18, s25, $0xb8;
	[tilespmem:$0x1DC08] =	vst v63  }
.LBB2_2:
0xb0: {  	_ =	swait.ge [sflag:s23], $0x4000  }
0xb1: {  	[sflag:s23] =	ssyncset.done $0x0  }
0xb2: {  	[sflag:s23] =	ssyncadd.s32 $0xFFFFC000  }
0xb3: {  	[hbm4b:s17+s2] =	stream.linear.scatter [tilespmem:s26], [sflag:$0x6], $0x4000, $0x38;
	[tilespmem:$0x1DC08] =	vst v63  }
0xb4: {  	_ =	swait.ge [sflag:s24], $0x4000  }
0xb5: {  	[sflag:s24] =	ssyncset.done $0x0  }
0xb6: {  	[sflag:s24] =	ssyncadd.s32 $0xFFFFC000  }
0xb7: {  	[hbm4b:s16+s2] =	stream.linear.scatter [tilespmem:s28], [sflag:$0x7], $0x4000, $0x38;
	[tilespmem:$0x1DC08] =	vst v63  }
0xb8: {  	_ =	swait.ge [sflag:s21], $0x4000  }
0xb9: {  	[sflag:s21] =	ssyncset.done $0x0  }
0xba: {  	[sflag:s21] =	ssyncadd.s32 $0xFFFFC000  }
0xbb: {  	[hbm4b:s15+s2] =	stream.linear.scatter [tilespmem:s30], [sflag:$0x8], $0x4000, $0x38;
	[tilespmem:$0x1DC08] =	vst v63  }
0xbc: {  	_ =	swait.ge [sflag:s29], $0x4000  }
0xbd: {  	[sflag:s29] =	ssyncset.done $0x0  }
0xbe: {  	[sflag:s29] =	ssyncadd.s32 $0xFFFFC000  }
0xbf: {  	[hbm4b:s14+s2] =	stream.linear.scatter [tilespmem:s0], [sflag:$0x9], $0x4000, $0x38;
	[tilespmem:$0x1DC08] =	vst v63  }
0xc0: {  	_ =	swait.ge [sflag:s31], $0x4000  }
0xc1: {  	[sflag:s31] =	ssyncset.done $0x0  }
0xc2: {  	s18 =	sshra.s32 s12, $0x2;
	[sflag:s31] =	ssyncadd.s32 $0xFFFFC000  }
0xc3: {  	[hbm4b:s13+s2] =	stream.linear.scatter [tilespmem:s20], [sflag:$0xA], $0x4000, $0x38;
	[tilespmem:$0x1DC08] =	vst v63  }
0xc4: {  	v0 =	vld [tilespmem:s18+$0x280]  }
0xc5: {  	v1 =	vld [tilespmem:s18+$0x290]  }
0xc6: {  	v2 =	vld [tilespmem:s18+$0x2A0]  }
0xc7: {  	v3 =	vld [tilespmem:s18+$0x2B0]  }
0xc8: {  	v4 =	vld [tilespmem:s18+$0x2C0]  }
0xc9: {  	v5 =	vld [tilespmem:s18+$0x2D0]  }
0xca: {  	v6 =	vld [tilespmem:s18+$0x2E0]  }
0xcb: {  	v7 =	vld [tilespmem:s18+$0x2F0];
	_ =	sdelay $0x1  }
0xcc: {  	vm0 =	vgt.s32 v0, $0xFFFFF800  }
0xcd: {  	vm13 =	vgt.s32 v1, $0xFFFFF800;
	vm14 =	vgt.s32 v2, $0xFFFFF800;
	vm15 =	vgt.s32 v3, $0xFFFFF800  }
0xce: {  	vm5 =	vgt.s32 v4, $0xFFFFF800;
	vm7 =	vgt.s32 v5, $0xFFFFF800;
	vm8 =	vgt.s32 v6, $0xFFFFF800  }
0xcf: {  	vm10 =	vgt.s32 v7, $0xFFFFF800;
	v0 =	vnsel vm0, $0xFFFFF800, v0;
	v1 =	vnsel vm13, $0xFFFFF800, v1  }
0xd0: {  	v2 =	vnsel vm14, $0xFFFFF800, v2;
	v3 =	vnsel vm15, $0xFFFFF800, v3;
	v4 =	vnsel vm5, $0xFFFFF800, v4  }
0xd1: {  	v35 =	vnsel vm7, $0xFFFFF800, v5;
	v36 =	vnsel vm8, $0xFFFFF800, v6;
	vm1 =	vlt.s32 v0, $0x800  }
0xd2: {  	v38 =	vnsel vm10, $0xFFFFF800, v7;
	vm0 =	vlt.s32 v1, $0x800;
	v0 =	vnsel vm1, $0x800, v0  }
0xd3: {  	vm4 =	vlt.s32 v2, $0x800;
	v1 =	vnsel vm0, $0x800, v1;
	v0 =	vadd.s32 $0x800, v0  }
0xd4: {  	vm6 =	vlt.s32 v3, $0x800;
	v2 =	vnsel vm4, $0x800, v2;
	v1 =	vadd.s32 $0x800, v1;
	[tilespmem:s18+$0x280] =	vst v0  }
0xd5: {  	vm11 =	vlt.s32 v36, $0x800;
	v3 =	vnsel vm6, $0x800, v3;
	v2 =	vadd.s32 $0x800, v2;
	[tilespmem:s18+$0x290] =	vst v1  }
0xd6: {  	vm0 =	vlt.s32 v4, $0x800;
	v39 =	vnsel vm11, $0x800, v36;
	v32 =	vadd.s32 $0x800, v3;
	[tilespmem:s18+$0x2A0] =	vst v2  }
0xd7: {  	vm9 =	vlt.s32 v35, $0x800;
	v33 =	vnsel vm0, $0x800, v4;
	v40 =	vadd.s32 $0x800, v39;
	[tilespmem:s18+$0x2B0] =	vst v32  }
0xd8: {  	v37 =	vnsel vm9, $0x800, v35;
	vm0 =	vlt.s32 v38, $0x800;
	v34 =	vadd.s32 $0x800, v33;
	[tilespmem:s18+$0x2E0] =	vst v40  }
0xd9: {  	v0 =	vadd.s32 $0x800, v37;
	v41 =	vnsel vm0, $0x800, v38;
	[tilespmem:s18+$0x2C0] =	vst v34  }
0xda: {  	[tilespmem:s18+$0x2D0] =	vst v0;
	v42 =	vadd.s32 $0x800, v41  }
0xdb: {  	[tilespmem:s18+$0x2F0] =	vst v42  }
0xdc: {  	_ =	swait.ge [sflag:s19], $0x4000  }
0xdd: {  	[sflag:s19] =	ssyncset.done $0x0  }
0xde: {  	s11 =	sadd.s32 $0x280, s18;
	[sflag:s19] =	ssyncadd.s32 $0xFFFFC000  }
0xdf: {  	[tilespmem:s26], [sflag:$0x1] =	stream.indirect.gather [spmem:s1], $0x80, s11, s25, $0xb8;
	[tilespmem:$0x1DC08] =	vst v63  }
0xe0: {  	v43 =	vld [tilespmem:s18+$0x300]  }
0xe1: {  	v44 =	vld [tilespmem:s18+$0x310]  }
0xe2: {  	v45 =	vld [tilespmem:s18+$0x320]  }
0xe3: {  	v46 =	vld [tilespmem:s18+$0x330]  }
0xe4: {  	v47 =	vld [tilespmem:s18+$0x340]  }
0xe5: {  	v48 =	vld [tilespmem:s18+$0x350]  }
0xe6: {  	v49 =	vld [tilespmem:s18+$0x360]  }
0xe7: {  	v50 =	vld [tilespmem:s18+$0x370];
	_ =	sdelay $0x1  }
0xe8: {  	vm12 =	vgt.s32 v43, $0xFFFFF800  }
0xe9: {  	vm13 =	vgt.s32 v44, $0xFFFFF800;
	vm15 =	vgt.s32 v45, $0xFFFFF800;
	vm4 =	vgt.s32 v46, $0xFFFFF800  }
0xea: {  	vm6 =	vgt.s32 v47, $0xFFFFF800;
	vm8 =	vgt.s32 v48, $0xFFFFF800;
	vm9 =	vgt.s32 v49, $0xFFFFF800  }
0xeb: {  	vm11 =	vgt.s32 v50, $0xFFFFF800;
	v0 =	vnsel vm12, $0xFFFFF800, v43;
	v1 =	vnsel vm13, $0xFFFFF800, v44  }
0xec: {  	v2 =	vnsel vm15, $0xFFFFF800, v45;
	v3 =	vnsel vm4, $0xFFFFF800, v46;
	v4 =	vnsel vm6, $0xFFFFF800, v47  }
0xed: {  	v54 =	vnsel vm8, $0xFFFFF800, v48;
	v55 =	vnsel vm9, $0xFFFFF800, v49;
	vm14 =	vlt.s32 v0, $0x800  }
0xee: {  	v57 =	vnsel vm11, $0xFFFFF800, v50;
	vm0 =	vlt.s32 v1, $0x800;
	v0 =	vnsel vm14, $0x800, v0  }
0xef: {  	vm5 =	vlt.s32 v2, $0x800;
	v1 =	vnsel vm0, $0x800, v1;
	v0 =	vadd.s32 $0x800, v0  }
0xf0: {  	vm7 =	vlt.s32 v3, $0x800;
	v2 =	vnsel vm5, $0x800, v2;
	v1 =	vadd.s32 $0x800, v1;
	[tilespmem:s18+$0x300] =	vst v0  }
0xf1: {  	vm12 =	vlt.s32 v55, $0x800;
	v3 =	vnsel vm7, $0x800, v3;
	v2 =	vadd.s32 $0x800, v2;
	[tilespmem:s18+$0x310] =	vst v1  }
0xf2: {  	vm0 =	vlt.s32 v4, $0x800;
	v58 =	vnsel vm12, $0x800, v55;
	v51 =	vadd.s32 $0x800, v3;
	[tilespmem:s18+$0x320] =	vst v2  }
0xf3: {  	vm10 =	vlt.s32 v54, $0x800;
	v52 =	vnsel vm0, $0x800, v4;
	v59 =	vadd.s32 $0x800, v58;
	[tilespmem:s18+$0x330] =	vst v51  }
0xf4: {  	v56 =	vnsel vm10, $0x800, v54;
	vm0 =	vlt.s32 v57, $0x800;
	v53 =	vadd.s32 $0x800, v52;
	[tilespmem:s18+$0x360] =	vst v59  }
0xf5: {  	v0 =	vadd.s32 $0x800, v56;
	v60 =	vnsel vm0, $0x800, v57;
	[tilespmem:s18+$0x340] =	vst v53  }
0xf6: {  	[tilespmem:s18+$0x350] =	vst v0;
	v61 =	vadd.s32 $0x800, v60  }
0xf7: {  	[tilespmem:s18+$0x370] =	vst v61  }
0xf8: {  	_ =	swait.ge [sflag:s3], $0x4000  }
0xf9: {  	[sflag:s3] =	ssyncset.done $0x0  }
0xfa: {  	s11 =	sadd.s32 $0x300, s18;
	[sflag:s3] =	ssyncadd.s32 $0xFFFFC000  }
0xfb: {  	[tilespmem:s28], [sflag:$0x2] =	stream.indirect.gather [spmem:s1], $0x80, s11, s25, $0xb8;
	[tilespmem:$0x1DC08] =	vst v63  }
0xfc: {  	v62 =	vld [tilespmem:s18+$0x380]  }
0xfd: {  	v63 =	vld [tilespmem:s18+$0x390]  }
0xfe: {  	v8 =	vld [tilespmem:s18+$0x3A0]  }
0xff: {  	v9 =	vld [tilespmem:s18+$0x3B0]  }
0x100: {  	v10 =	vld [tilespmem:s18+$0x3C0]  }
0x101: {  	v11 =	vld [tilespmem:s18+$0x3D0]  }
0x102: {  	v12 =	vld [tilespmem:s18+$0x3E0]  }
0x103: {  	v13 =	vld [tilespmem:s18+$0x3F0];
	_ =	sdelay $0x1  }
0x104: {  	vm13 =	vgt.s32 v62, $0xFFFFF800  }
0x105: {  	vm14 =	vgt.s32 v63, $0xFFFFF800;
	vm4 =	vgt.s32 v8, $0xFFFFF800;
	vm5 =	vgt.s32 v9, $0xFFFFF800  }
0x106: {  	vm7 =	vgt.s32 v10, $0xFFFFF800;
	vm9 =	vgt.s32 v11, $0xFFFFF800;
	vm10 =	vgt.s32 v12, $0xFFFFF800  }
0x107: {  	vm12 =	vgt.s32 v13, $0xFFFFF800;
	v0 =	vnsel vm13, $0xFFFFF800, v62;
	v1 =	vnsel vm14, $0xFFFFF800, v63  }
0x108: {  	v2 =	vnsel vm4, $0xFFFFF800, v8;
	v3 =	vnsel vm5, $0xFFFFF800, v9;
	v4 =	vnsel vm7, $0xFFFFF800, v10  }
0x109: {  	v17 =	vnsel vm9, $0xFFFFF800, v11;
	v18 =	vnsel vm10, $0xFFFFF800, v12;
	vm15 =	vlt.s32 v0, $0x800  }
0x10a: {  	v20 =	vnsel vm12, $0xFFFFF800, v13;
	vm0 =	vlt.s32 v1, $0x800;
	v0 =	vnsel vm15, $0x800, v0  }
0x10b: {  	vm6 =	vlt.s32 v2, $0x800;
	v1 =	vnsel vm0, $0x800, v1;
	v0 =	vadd.s32 $0x800, v0  }
0x10c: {  	vm8 =	vlt.s32 v3, $0x800;
	v2 =	vnsel vm6, $0x800, v2;
	v1 =	vadd.s32 $0x800, v1;
	[tilespmem:s18+$0x380] =	vst v0  }
0x10d: {  	vm13 =	vlt.s32 v18, $0x800;
	v3 =	vnsel vm8, $0x800, v3;
	v2 =	vadd.s32 $0x800, v2;
	[tilespmem:s18+$0x390] =	vst v1  }
0x10e: {  	vm0 =	vlt.s32 v4, $0x800;
	v21 =	vnsel vm13, $0x800, v18;
	v14 =	vadd.s32 $0x800, v3;
	[tilespmem:s18+$0x3A0] =	vst v2  }
0x10f: {  	vm11 =	vlt.s32 v17, $0x800;
	v15 =	vnsel vm0, $0x800, v4;
	v22 =	vadd.s32 $0x800, v21;
	[tilespmem:s18+$0x3B0] =	vst v14  }
0x110: {  	v19 =	vnsel vm11, $0x800, v17;
	vm0 =	vlt.s32 v20, $0x800;
	v16 =	vadd.s32 $0x800, v15;
	[tilespmem:s18+$0x3E0] =	vst v22  }
0x111: {  	v0 =	vadd.s32 $0x800, v19;
	v23 =	vnsel vm0, $0x800, v20;
	[tilespmem:s18+$0x3C0] =	vst v16  }
0x112: {  	[tilespmem:s18+$0x3D0] =	vst v0;
	v24 =	vadd.s32 $0x800, v23  }
0x113: {  	[tilespmem:s18+$0x3F0] =	vst v24  }
0x114: {  	_ =	swait.ge [sflag:s4], $0x4000  }
0x115: {  	[sflag:s4] =	ssyncset.done $0x0  }
0x116: {  	s11 =	sadd.s32 $0x380, s18;
	[sflag:s4] =	ssyncadd.s32 $0xFFFFC000  }
0x117: {  	[tilespmem:s30], [sflag:$0x3] =	stream.indirect.gather [spmem:s1], $0x80, s11, s25, $0xb8;
	[tilespmem:$0x1DC08] =	vst v63  }
0x118: {  	v25 =	vld [tilespmem:s18+$0x400]  }
0x119: {  	v26 =	vld [tilespmem:s18+$0x410]  }
0x11a: {  	v27 =	vld [tilespmem:s18+$0x420]  }
0x11b: {  	v28 =	vld [tilespmem:s18+$0x430]  }
0x11c: {  	v29 =	vld [tilespmem:s18+$0x440]  }
0x11d: {  	v30 =	vld [tilespmem:s18+$0x450]  }
0x11e: {  	v31 =	vld [tilespmem:s18+$0x460]  }
0x11f: {  	v32 =	vld [tilespmem:s18+$0x470];
	_ =	sdelay $0x1  }
0x120: {  	vm14 =	vgt.s32 v25, $0xFFFFF800  }
0x121: {  	vm15 =	vgt.s32 v26, $0xFFFFF800;
	vm5 =	vgt.s32 v27, $0xFFFFF800;
	vm6 =	vgt.s32 v28, $0xFFFFF800  }
0x122: {  	vm8 =	vgt.s32 v29, $0xFFFFF800;
	vm10 =	vgt.s32 v30, $0xFFFFF800;
	vm11 =	vgt.s32 v31, $0xFFFFF800  }
0x123: {  	vm13 =	vgt.s32 v32, $0xFFFFF800;
	v0 =	vnsel vm14, $0xFFFFF800, v25;
	v1 =	vnsel vm15, $0xFFFFF800, v26  }
0x124: {  	v2 =	vnsel vm5, $0xFFFFF800, v27;
	v3 =	vnsel vm6, $0xFFFFF800, v28;
	v4 =	vnsel vm8, $0xFFFFF800, v29  }
0x125: {  	v36 =	vnsel vm10, $0xFFFFF800, v30;
	v37 =	vnsel vm11, $0xFFFFF800, v31;
	vm4 =	vlt.s32 v0, $0x800  }
0x126: {  	v39 =	vnsel vm13, $0xFFFFF800, v32;
	vm0 =	vlt.s32 v1, $0x800;
	v0 =	vnsel vm4, $0x800, v0  }
0x127: {  	vm7 =	vlt.s32 v2, $0x800;
	v1 =	vnsel vm0, $0x800, v1;
	v0 =	vadd.s32 $0x800, v0  }
0x128: {  	vm9 =	vlt.s32 v3, $0x800;
	v2 =	vnsel vm7, $0x800, v2;
	v1 =	vadd.s32 $0x800, v1;
	[tilespmem:s18+$0x400] =	vst v0  }
0x129: {  	vm14 =	vlt.s32 v37, $0x800;
	v3 =	vnsel vm9, $0x800, v3;
	v2 =	vadd.s32 $0x800, v2;
	[tilespmem:s18+$0x410] =	vst v1  }
0x12a: {  	vm0 =	vlt.s32 v4, $0x800;
	v40 =	vnsel vm14, $0x800, v37;
	v33 =	vadd.s32 $0x800, v3;
	[tilespmem:s18+$0x420] =	vst v2  }
0x12b: {  	vm12 =	vlt.s32 v36, $0x800;
	v34 =	vnsel vm0, $0x800, v4;
	v41 =	vadd.s32 $0x800, v40;
	[tilespmem:s18+$0x430] =	vst v33  }
0x12c: {  	v38 =	vnsel vm12, $0x800, v36;
	vm0 =	vlt.s32 v39, $0x800;
	v35 =	vadd.s32 $0x800, v34;
	[tilespmem:s18+$0x460] =	vst v41  }
0x12d: {  	v0 =	vadd.s32 $0x800, v38;
	v42 =	vnsel vm0, $0x800, v39;
	[tilespmem:s18+$0x440] =	vst v35  }
0x12e: {  	[tilespmem:s18+$0x450] =	vst v0;
	v43 =	vadd.s32 $0x800, v42  }
0x12f: {  	[tilespmem:s18+$0x470] =	vst v43  }
0x130: {  	_ =	swait.ge [sflag:s6], $0x4000  }
0x131: {  	[sflag:s6] =	ssyncset.done $0x0  }
0x132: {  	s11 =	sadd.s32 $0x400, s18;
	[sflag:s6] =	ssyncadd.s32 $0xFFFFC000  }
0x133: {  	[tilespmem:s0], [sflag:$0x4] =	stream.indirect.gather [spmem:s1], $0x80, s11, s25, $0xb8;
	[tilespmem:$0x1DC08] =	vst v63  }
0x134: {  	v44 =	vld [tilespmem:s18+$0x480]  }
0x135: {  	v45 =	vld [tilespmem:s18+$0x490]  }
0x136: {  	v46 =	vld [tilespmem:s18+$0x4A0]  }
0x137: {  	v47 =	vld [tilespmem:s18+$0x4B0]  }
0x138: {  	v48 =	vld [tilespmem:s18+$0x4C0]  }
0x139: {  	v49 =	vld [tilespmem:s18+$0x4D0]  }
0x13a: {  	v50 =	vld [tilespmem:s18+$0x4E0]  }
0x13b: {  	v51 =	vld [tilespmem:s18+$0x4F0];
	_ =	sdelay $0x1  }
0x13c: {  	vm15 =	vgt.s32 v44, $0xFFFFF800  }
0x13d: {  	vm4 =	vgt.s32 v45, $0xFFFFF800;
	vm5 =	vgt.s32 v46, $0xFFFFF800;
	vm6 =	vgt.s32 v47, $0xFFFFF800  }
0x13e: {  	vm8 =	vgt.s32 v48, $0xFFFFF800;
	vm9 =	vgt.s32 v49, $0xFFFFF800;
	vm12 =	vgt.s32 v50, $0xFFFFF800  }
0x13f: {  	vm13 =	vgt.s32 v51, $0xFFFFF800;
	v0 =	vnsel vm15, $0xFFFFF800, v44;
	v1 =	vnsel vm4, $0xFFFFF800, v45  }
0x140: {  	v2 =	vnsel vm5, $0xFFFFF800, v46;
	v3 =	vnsel vm6, $0xFFFFF800, v47;
	v4 =	vnsel vm8, $0xFFFFF800, v48  }
0x141: {  	v5 =	vnsel vm9, $0xFFFFF800, v49;
	v57 =	vnsel vm12, $0xFFFFF800, v50;
	vm0 =	vlt.s32 v0, $0x800  }
0x142: {  	v59 =	vnsel vm13, $0xFFFFF800, v51;
	vm1 =	vlt.s32 v1, $0x800;
	v0 =	vnsel vm0, $0x800, v0  }
0x143: {  	vm7 =	vlt.s32 v2, $0x800;
	v1 =	vnsel vm1, $0x800, v1;
	v0 =	vadd.s32 $0x800, v0  }
0x144: {  	vm10 =	vlt.s32 v4, $0x800;
	v2 =	vnsel vm7, $0x800, v2;
	v52 =	vadd.s32 $0x800, v1;
	[tilespmem:s18+$0x480] =	vst v0  }
0x145: {  	vm11 =	vlt.s32 v5, $0x800;
	v53 =	vnsel vm10, $0x800, v4;
	v54 =	vadd.s32 $0x800, v2;
	[tilespmem:s18+$0x490] =	vst v52  }
0x146: {  	vm14 =	vlt.s32 v57, $0x800;
	v55 =	vnsel vm11, $0x800, v5;
	v58 =	vadd.s32 $0x800, v53;
	[tilespmem:s18+$0x4A0] =	vst v54  }
0x147: {  	vm0 =	vlt.s32 v3, $0x800;
	v61 =	vnsel vm14, $0x800, v57;
	v60 =	vadd.s32 $0x800, v55;
	[tilespmem:s18+$0x4C0] =	vst v58  }
0x148: {  	vm15 =	vlt.s32 v59, $0x800;
	v3 =	vnsel vm0, $0x800, v3;
	v63 =	vadd.s32 $0x800, v61;
	[tilespmem:s18+$0x4D0] =	vst v60  }
0x149: {  	v62 =	vnsel vm15, $0x800, v59;
	v56 =	vadd.s32 $0x800, v3;
	[tilespmem:s18+$0x4E0] =	vst v63  }
0x14a: {  	p1 =	sne.s32 s12, $0x5000;
	v0 =	vadd.s32 $0x800, v62;
	[tilespmem:s18+$0x4B0] =	vst v56  }
.Ltmp0:
0x14b: {  	s12 =	sadd.s32 $0xA00, s12;
	[tilespmem:s18+$0x4F0] =	vst v0;
	(pc) =	sbr.rel @p1 .LBB2_2-.Ltmp0, $4  }
0x14c: {  	s17 =	sadd.s32 $0x50000, s17;
	s16 =	sadd.s32 $0x50000, s16;
	_ =	swait.ge [sflag:s7], $0x4000  }
0x14d: {  	s15 =	sadd.s32 $0x50000, s15;
	s14 =	sadd.s32 $0x50000, s14;
	[sflag:s7] =	ssyncset.done $0x0  }
0x14e: {  	s13 =	sadd.s32 $0x50000, s13;
	s18 =	sadd.s32 $0x480, s18;
	[sflag:s7] =	ssyncadd.s32 $0xFFFFC000  }
0x14f: {  	[tilespmem:s20], [sflag:$0x5] =	stream.indirect.gather [spmem:s1], $0x80, s18, s25, $0xb8;
	[tilespmem:$0x1DC08] =	vst v63  }
0x150: {  	_ =	swait.ge [sflag:s23], $0x4000  }
0x151: {  	[sflag:s23] =	ssyncset.done $0x0  }
0x152: {  	s11 =	rddreg [dreg:$0x8];
	[sflag:s23] =	ssyncadd.s32 $0xFFFFC000  }
0x153: {  	[hbm4b:s11+s2] =	stream.linear.scatter [tilespmem:s26], [sflag:$0x6], $0x4000, $0x38;
	[tilespmem:$0x1DC08] =	vst v63  }
0x154: {  	_ =	swait.ge [sflag:s24], $0x4000  }
0x155: {  	[sflag:s24] =	ssyncset.done $0x0  }
0x156: {  	s14 =	rddreg [dreg:$0x9];
	[sflag:s24] =	ssyncadd.s32 $0xFFFFC000  }
0x157: {  	[hbm4b:s14+s2] =	stream.linear.scatter [tilespmem:s28], [sflag:$0x7], $0x4000, $0x38;
	[tilespmem:$0x1DC08] =	vst v63  }
0x158: {  	_ =	swait.ge [sflag:s21], $0x4000  }
0x159: {  	[sflag:s21] =	ssyncset.done $0x0  }
0x15a: {  	s15 =	rddreg [dreg:$0xa];
	[sflag:s21] =	ssyncadd.s32 $0xFFFFC000  }
0x15b: {  	[hbm4b:s15+s2] =	stream.linear.scatter [tilespmem:s30], [sflag:$0x8], $0x4000, $0x38;
	[tilespmem:$0x1DC08] =	vst v63  }
0x15c: {  	_ =	swait.ge [sflag:s29], $0x4000  }
0x15d: {  	[sflag:s29] =	ssyncset.done $0x0  }
0x15e: {  	s16 =	rddreg [dreg:$0xb];
	[sflag:s29] =	ssyncadd.s32 $0xFFFFC000  }
0x15f: {  	[hbm4b:s16+s2] =	stream.linear.scatter [tilespmem:s0], [sflag:$0x9], $0x4000, $0x38;
	[tilespmem:$0x1DC08] =	vst v63  }
0x160: {  	_ =	swait.ge [sflag:s31], $0x4000  }
0x161: {  	[sflag:s31] =	ssyncset.done $0x0  }
0x162: {  	s17 =	rddreg [dreg:$0xc];
	[sflag:s31] =	ssyncadd.s32 $0xFFFFC000  }
0x163: {  	[hbm4b:s17+s2] =	stream.linear.scatter [tilespmem:s20], [sflag:$0xA], $0x4000, $0x38;
	[tilespmem:$0x1DC08] =	vst v63  }
0x164: {  	_ =	swait.ge [sflag:s19], $0x4000  }
0x165: {  	[sflag:s19] =	ssyncset.done $0x0  }
0x166: {  	[sflag:s19] =	ssyncadd.s32 $0xFFFFC000  }
0x167: {  	_ =	swait.ge [sflag:s3], $0x4000  }
0x168: {  	[sflag:s3] =	ssyncset.done $0x0  }
0x169: {  	[sflag:s3] =	ssyncadd.s32 $0xFFFFC000  }
0x16a: {  	_ =	swait.ge [sflag:s4], $0x4000  }
0x16b: {  	[sflag:s4] =	ssyncset.done $0x0  }
0x16c: {  	[sflag:s4] =	ssyncadd.s32 $0xFFFFC000  }
0x16d: {  	_ =	swait.ge [sflag:s6], $0x4000  }
0x16e: {  	[sflag:s6] =	ssyncset.done $0x0  }
0x16f: {  	[sflag:s6] =	ssyncadd.s32 $0xFFFFC000  }
0x170: {  	_ =	swait.ge [sflag:s7], $0x4000  }
0x171: {  	s8 =	sadd.s32 $0x1, s8;
	s18 =	rddreg [dreg:$0xd]  }
0x172: {  	p1 =	sne.s32 s8, s18  }
.Ltmp1:
0x173: {  	_ = 	snop;
	(pc) =	sbr.rel @p1 .LBB2_1-.Ltmp1, $3  }
0x174: {  	_ =	sdelay $0x1  }
0x175: {  	[sflag:s7] =	ssyncset.done $0x0  }
0x176: {  	[sflag:s7] =	ssyncadd.s32 $0xFFFFC000  }
0x177: {  	_ =	sfence.sel $0x180000  }
0x178: {  	[bflag:$0x0] =	sbarrier.arrive $0xFFFF  }
0x179: {  	_ =	strace $0x90000047  }
0x17a: {  	[bflag:$0x2] =	sbarrier.arrive $0xFFFF  }
0x17b: {  	s0 =	rddreg [dreg:$0x4]  }
0x17c: {  	s0 =	sadd.s32 @!p0 $0x100000, s0  }
0x17d: {  	[sflag:s0] =	ssyncadd.tile.s32 @!p0 $0x1;
	_ =	shalt  }
.Lfunc_end2:
_tile_overlayer_lowered:
.L_overlay_start_2:
0x17e: {  	(tag) =	ssettag $0x2  }
0x17f: {  	s0 =	rddreg [dreg:$0x0];
	s2 =	stileid.u32  }
0x180: {  	s1 =	rddreg [dreg:$0x1];
	p0 =	sne.s32 s2, $0x0  }
0x181: {  	s3 =	rddreg [dreg:$0x2];
	[bflag:$0x3] =	sbarrier.arrive $0xFFFF;
	s2 =	simm.s32 @!p0 $0x1C0B  }
0x182: {  	[timem:s3], [sflag:s2] =	dma.local @!p0 [hbm:s0], s1  }
0x183: {  	s0 =	simm.s32 @!p0 $0xB  }
0x184: {  	_ =	swait.ge @!p0 [sflag:s0], s1  }
0x185: {  	s1 =	ssub.s32 @!p0 $0x0, s1;
	[sflag:s0] =	ssyncset.done @!p0 $0x0  }
0x186: {  	[sflag:s0] =	ssyncadd.s32 @!p0 s1  }
0x187: {  	[bflag:$0x3] =	sbarrier.arrive $0xFFFF  }
0x188: {  	_ =	shalt  }

</sc_bundles>
